<compile_context>
chip_gen: v7x
topology: tpu7x:2x2x1
jax: 0.10.2.dev20260603
libtpu: 0.0.44.dev20260713+nightly
codegen_flags: <defaults>
</compile_context>

<pallas_src>
import functools

import jax
import jax.numpy as jnp
from jax import lax
from jax.experimental import pallas as pl
from jax.experimental.pallas import tpu as pltpu
from jax.experimental.pallas import tpu_sc as plsc


def _make_gather(B, H, V, D, NC, NS):
    NW = NC * NS
    TB = B // 128
    TH = H // 8
    TD = D // 8
    NBLK = TH * TB
    BPW = NBLK // NW
    assert NBLK % NW == 0 and BPW >= 2

    mesh = plsc.VectorSubcoreMesh(core_axis_name="c", subcore_axis_name="s")

    @functools.partial(
        pl.kernel,
        mesh=mesh,
        out_type=jax.ShapeDtypeStruct((H, TD, TB, 8, 128), jnp.float32),
        scratch_types=[
            pltpu.VMEM((8, 128), jnp.int32),
            pltpu.VMEM((8, 128), jnp.int32),
            pltpu.VMEM((1024, D), jnp.float32),
            pltpu.VMEM((1024, D), jnp.float32),
            pltpu.VMEM((TD * 8, 129), jnp.float32),
            pltpu.VMEM((TD * 8, 129), jnp.float32),
            pltpu.SemaphoreType.DMA,
            pltpu.SemaphoreType.DMA,
            pltpu.SemaphoreType.DMA,
            pltpu.SemaphoreType.DMA,
            pltpu.SemaphoreType.DMA,
            pltpu.SemaphoreType.DMA,
        ],
        compiler_params=pltpu.CompilerParams(
            use_tc_tiling_on_sc=False, needs_layout_passes=False
        ),
    )
    def gather_kernel(
        ids_hbm, table_hbm, out_hbm,
        idxb0, idxb1, rows0, rows1, tbufa, tbufb,
        isem0, isem1, gsem0, gsem1, osema, osemb,
    ):
        w = lax.axis_index("s") * NC + lax.axis_index("c")
        blk0 = w * BPW
        idxb = (idxb0, idxb1)
        rows = (rows0, rows1)
        isem = (isem0, isem1)
        gsem = (gsem0, gsem1)
        tbuf = (tbufa, tbufb)
        osem = (osema, osemb)
        iota = lax.iota(jnp.int32, 16)

        def idx_src(m):
            blk = blk0 + m
            return ids_hbm.at[blk // TB, blk % TB]

        def stage_idx(m, p):
            pltpu.async_copy(idx_src(m), idxb[p], isem[p])

        def wait_idx(m, p):
            pltpu.make_async_copy(idx_src(m), idxb[p], isem[p]).wait()

        def fire_gathers(p):
            for s in range(8):
                pltpu.async_copy(
                    table_hbm.at[idxb[p].at[s]],
                    rows[p].at[pl.ds(s * 128, 128)],
                    gsem[p],
                )

        def wait_gathers(p):
            for s in range(8):
                pltpu.make_async_copy(
                    table_hbm.at[idxb[p].at[s]],
                    rows[p].at[pl.ds(s * 128, 128)],
                    gsem[p],
                ).wait()

        dv = [16 * j + iota for j in range(D // 16)]

        def transpose_chunk(p, c, x):
            base = c * 128

            def body(g, carry):
                l0 = 4 * g
                vecs = []
                for u in range(4):
                    for j in range(D // 16):
                        vecs.append(rows[p][base + l0 + u, pl.ds(16 * j, 16)])
                for u in range(4):
                    lcol = lax.broadcast(l0 + u, (16,))
                    for j in range(D // 16):
                        plsc.store_scatter(
                            tbuf[x], [dv[j], lcol], vecs[u * (D // 16) + j]
                        )
                return carry

            lax.fori_loop(0, 32, body, 0)

        def fire_outs(m, c, x):
            blk = blk0 + m
            h = (blk // TB) * 8 + c
            t_b = blk % TB
            for t in range(TD):
                pltpu.async_copy(
                    tbuf[x].at[pl.ds(t * 8, 8), pl.ds(0, 128)],
                    out_hbm.at[h, t, t_b],
                    osem[x],
                )

        def wait_outs(x):
            for t in range(TD):
                pltpu.make_async_copy(
                    tbuf[x].at[pl.ds(t * 8, 8), pl.ds(0, 128)],
                    out_hbm.at[0, 0, 0],
                    osem[x],
                ).wait()

        def process_block(m, p):
            q = 1 - p

            @pl.when(m < BPW - 1)
            def _():
                wait_idx(m + 1, q)
                fire_gathers(q)

            wait_gathers(p)

            def chunk_body(c, carry):
                def do(x):
                    @pl.when((m > 0) | (c >= 2))
                    def _():
                        wait_outs(x)

                    transpose_chunk(p, c, x)
                    fire_outs(m, c, x)

                @pl.when(c % 2 == 0)
                def _():
                    do(0)

                @pl.when(c % 2 == 1)
                def _():
                    do(1)

                return carry

            lax.fori_loop(0, 8, chunk_body, 0)

            @pl.when(m < BPW - 2)
            def _():
                stage_idx(m + 2, p)

        pltpu.sync_copy(idx_src(0), idxb[0])
        fire_gathers(0)
        stage_idx(1, 1)

        def block_body(m, carry):
            @pl.when(m % 2 == 0)
            def _():
                process_block(m, 0)

            @pl.when(m % 2 == 1)
            def _():
                process_block(m, 1)

            return carry

        lax.fori_loop(0, BPW, block_body, 0)
        wait_outs(0)
        wait_outs(1)

    return gather_kernel


def kernel(input_ids, table):
    B, H = input_ids.shape
    V, D = table.shape
    info = plsc.get_sparse_core_info()
    NC, NS = info.num_cores, info.num_subcores
    ids4 = input_ids.T.reshape(H // 8, 8, B // 128, 128).transpose(0, 2, 1, 3)
    gather = _make_gather(B, H, V, D, NC, NS)
    out5 = gather(ids4, table)
    return out5.transpose(2, 4, 0, 1, 3).reshape(B, H, D)

# --- scband reference (transcript-rebuilt; emitter-appended) ---
"""Pipeline reference for scband-embed-tokens-wrapper-87359634800869 (READ-ONLY COPY).

The authoritative reference and input builder live on the scoring server;
editing this copy changes nothing except your own understanding.
"""

import jax, jax.numpy as jnp
import numpy as np

VOCAB = 1000000
EMBED_DIM = 32
BATCH = 16384
HIST = 200

def setup_inputs(seed: int = 0) -> dict:
    key = jax.random.key(seed)
    k_idx, k_tab = jax.random.split(key)
    input_ids = jax.random.randint(k_idx, (BATCH, HIST), 0, VOCAB, dtype=jnp.int64 if jax.config.read('jax_enable_x64') else jnp.int32)
    table = jax.random.normal(k_tab, (VOCAB, EMBED_DIM), dtype=jnp.float32)
    return {"input_ids": input_ids, "table": table}

def reference(input_ids, table):
    # EmbedTokensWrapper.forward: self.embed(input_ids) -> embedding gather
    return jnp.take(table, input_ids, axis=0)

if __name__ == "__main__":
    import jax
    _d = setup_inputs()
    print(jax.jit(kernel)(*tuple(_d.values())))

</pallas_src>

<mosaic_0001>
#map = affine_map<(d0, d1) -> (0, 0, 0, 0)>
#map1 = affine_map<(d0, d1) -> (0, 0)>
#map2 = affine_map<(d0, d1) -> (0, 0, 0, 0, 0)>
module attributes {stable_mosaic.version = 14 : i64} {
  func.func @gather_kernel(%arg0: i32, %arg1: i32, %arg2: memref<25x128x8x128xi32, #tpu.memory_space<hbm>>, %arg3: memref<1000000x32xf32, #tpu.memory_space<hbm>>, %arg4: memref<200x4x128x8x128xf32, #tpu.memory_space<hbm>>, %arg5: memref<8x128xi32, #tpu.memory_space<vmem>>, %arg6: memref<8x128xi32, #tpu.memory_space<vmem>>, %arg7: memref<1024x32xf32, #tpu.memory_space<vmem>>, %arg8: memref<1024x32xf32, #tpu.memory_space<vmem>>, %arg9: memref<32x129xf32, #tpu.memory_space<vmem>>, %arg10: memref<32x129xf32, #tpu.memory_space<vmem>>, %arg11: memref<!tpu.dma_semaphore, #tpu.memory_space<semaphore_mem>>, %arg12: memref<!tpu.dma_semaphore, #tpu.memory_space<semaphore_mem>>, %arg13: memref<!tpu.dma_semaphore, #tpu.memory_space<semaphore_mem>>, %arg14: memref<!tpu.dma_semaphore, #tpu.memory_space<semaphore_mem>>, %arg15: memref<!tpu.dma_semaphore, #tpu.memory_space<semaphore_mem>>, %arg16: memref<!tpu.dma_semaphore, #tpu.memory_space<semaphore_mem>>) attributes {dimension_semantics = [#tpu.dimension_semantics<core_parallel>, #tpu.dimension_semantics<subcore_parallel>], iteration_bounds = array<i64: 2, 16>, scalar_prefetch = 0 : i64, scratch_operands = 12 : i64, tpu.core_type = #tpu.core_type<sc_vector_subcore>, window_params = [{transform_indices = #map}, {transform_indices = #map1}, {transform_indices = #map2}]} {
    %mul3A = arith.constant 2 : i32
    %mul3A_0 = arith.muli %arg1, %mul3A : i32
    %add3A = arith.addi %mul3A_0, %arg0 : i32
    %mul3A_1 = arith.constant 100 : i32
    %mul3A_2 = arith.muli %add3A, %mul3A_1 : i32
    %iota3A = tpu.iota {dimensions = array<i32: 0>} : vector<16xi32>
    %add3A_3 = arith.constant 0 : i32
    %add3A_4 = vector.broadcast %add3A_3 : i32 to vector<16xi32>
    %add3A_5 = arith.addi %add3A_4, %iota3A : vector<16xi32>
    %add3A_6 = arith.constant 16 : i32
    %add3A_7 = vector.broadcast %add3A_6 : i32 to vector<16xi32>
    %add3A_8 = arith.addi %add3A_7, %iota3A : vector<16xi32>
    %add3A_9 = arith.constant 0 : i32
    %add3A_10 = arith.addi %mul3A_2, %add3A_9 : i32
    %jit3A = arith.constant 128 : i32
    %div3A = arith.divsi %add3A_10, %jit3A : i32
    %sign3A = arith.constant 0 : i32
    %sign3A_11 = arith.cmpi sgt, %add3A_10, %sign3A : i32
    %sign3A_12 = arith.extui %sign3A_11 : i1 to i32
    %sign3A_13 = arith.constant 0 : i32
    %sign3A_14 = arith.cmpi slt, %add3A_10, %sign3A_13 : i32
    %sign3A_15 = arith.extui %sign3A_14 : i1 to i32
    %sign3A_16 = arith.subi %sign3A_12, %sign3A_15 : i32
    %sign3A_17 = arith.constant 0 : i32
    %sign3A_18 = arith.cmpi sgt, %jit3A, %sign3A_17 : i32
    %sign3A_19 = arith.extui %sign3A_18 : i1 to i32
    %sign3A_20 = arith.constant 0 : i32
    %sign3A_21 = arith.cmpi slt, %jit3A, %sign3A_20 : i32
    %sign3A_22 = arith.extui %sign3A_21 : i1 to i32
    %sign3A_23 = arith.subi %sign3A_19, %sign3A_22 : i32
    %ne3A = arith.cmpi ne, %sign3A_16, %sign3A_23 : i32
    %rem3A = arith.remsi %add3A_10, %jit3A : i32
    %ne3A_24 = arith.constant 0 : i32
    %ne3A_25 = arith.cmpi ne, %rem3A, %ne3A_24 : i32
    %and3A = arith.andi %ne3A, %ne3A_25 : i1
    %sub3A = arith.constant 1 : i32
    %sub3A_26 = arith.subi %div3A, %sub3A : i32
    %select_n3A = arith.select %and3A, %sub3A_26, %div3A : i32
    %jit3A_27 = arith.constant 128 : i32
    %eq3A = arith.constant 0 : i32
    %eq3A_28 = arith.cmpi eq, %jit3A_27, %eq3A : i32
    %jit3A_29 = arith.constant 1 : i32
    %select_n3A_30 = arith.select %eq3A_28, %jit3A_29, %jit3A_27 : i32
    %rem3A_31 = arith.remsi %add3A_10, %select_n3A_30 : i32
    %ne3A_32 = arith.constant 0 : i32
    %ne3A_33 = arith.cmpi ne, %rem3A_31, %ne3A_32 : i32
    %lt3A = arith.constant 0 : i32
    %lt3A_34 = arith.cmpi slt, %rem3A_31, %lt3A : i32
    %lt3A_35 = arith.constant 0 : i32
    %lt3A_36 = arith.cmpi slt, %select_n3A_30, %lt3A_35 : i32
    %ne3A_37 = arith.xori %lt3A_34, %lt3A_36 : i1
    %and3A_38 = arith.andi %ne3A_37, %ne3A_33 : i1
    %add3A_39 = arith.addi %rem3A_31, %select_n3A_30 : i32
    %select_n3A_40 = arith.select %and3A_38, %add3A_39, %rem3A_31 : i32
    "tpu.region"() ({
      %run_scoped3A = tpu.sem_alloc : memref<!tpu.dma_semaphore, #tpu.memory_space<semaphore_mem>>
      %dma_start3A_310 = arith.constant 0 : i32
      %dma_start3A_311 = arith.constant 0 : i32
      %dma_start3A_312 = tpu.memref_slice %arg2[%select_n3A, %select_n3A_40, %dma_start3A_310, %dma_start3A_311] : memref<25x128x8x128xi32, #tpu.memory_space<hbm>> -> memref<1x1x8x128xi32, #tpu.memory_space<hbm>>
      %dma_start3A_313 = tpu.memref_squeeze %dma_start3A_312 : memref<1x1x8x128xi32, #tpu.memory_space<hbm>> -> memref<8x128xi32, #tpu.memory_space<hbm>>
      %dma_start3A_314 = arith.constant 0 : i32
      %dma_start3A_315 = arith.constant 0 : i32
      %dma_start3A_316 = tpu.memref_slice %arg2[%select_n3A, %select_n3A_40, %dma_start3A_314, %dma_start3A_315] : memref<25x128x8x128xi32, #tpu.memory_space<hbm>> -> memref<1x1x8x128xi32, #tpu.memory_space<hbm>>
      %dma_start3A_317 = tpu.memref_squeeze %dma_start3A_316 : memref<1x1x8x128xi32, #tpu.memory_space<hbm>> -> memref<8x128xi32, #tpu.memory_space<hbm>>
      tpu.enqueue_dma source(%dma_start3A_317 : memref<8x128xi32, #tpu.memory_space<hbm>>) target(%arg5 : memref<8x128xi32, #tpu.memory_space<vmem>>) target_semaphore(%run_scoped3A : memref<!tpu.dma_semaphore, #tpu.memory_space<semaphore_mem>>)
      %dma_wait3A_318 = arith.constant 0 : i32
      %dma_wait3A_319 = arith.constant 0 : i32
      %dma_wait3A_320 = tpu.memref_slice %arg2[%select_n3A, %select_n3A_40, %dma_wait3A_318, %dma_wait3A_319] : memref<25x128x8x128xi32, #tpu.memory_space<hbm>> -> memref<1x1x8x128xi32, #tpu.memory_space<hbm>>
      %dma_wait3A_321 = tpu.memref_squeeze %dma_wait3A_320 : memref<1x1x8x128xi32, #tpu.memory_space<hbm>> -> memref<8x128xi32, #tpu.memory_space<hbm>>
      %dma_wait3A_322 = arith.constant 0 : i32
      %dma_wait3A_323 = arith.constant 0 : i32
      %dma_wait3A_324 = tpu.memref_slice %arg2[%select_n3A, %select_n3A_40, %dma_wait3A_322, %dma_wait3A_323] : memref<25x128x8x128xi32, #tpu.memory_space<hbm>> -> memref<1x1x8x128xi32, #tpu.memory_space<hbm>>
      %dma_wait3A_325 = tpu.memref_squeeze %dma_wait3A_324 : memref<1x1x8x128xi32, #tpu.memory_space<hbm>> -> memref<8x128xi32, #tpu.memory_space<hbm>>
      tpu.wait_dma2 semaphore(%run_scoped3A : memref<!tpu.dma_semaphore, #tpu.memory_space<semaphore_mem>>) src(%dma_wait3A_325 : memref<8x128xi32, #tpu.memory_space<hbm>>) dst(%arg5 : memref<8x128xi32, #tpu.memory_space<vmem>>)
      tpu.yield
    }) : () -> ()
    %dma_start3A = arith.constant 0 : i32
    %dma_start3A_41 = arith.constant 0 : i32
    %dma_start3A_42 = arith.constant 0 : i32
    %dma_start3A_43 = tpu.memref_slice %arg7[%dma_start3A_41, %dma_start3A_42] : memref<1024x32xf32, #tpu.memory_space<vmem>> -> memref<128x32xf32, #tpu.memory_space<vmem>>
    %dma_start3A_44 = arith.constant 0 : i32
    %dma_start3A_45 = tpu.memref_slice %arg5[%dma_start3A, %dma_start3A_44] : memref<8x128xi32, #tpu.memory_space<vmem>> -> memref<1x128xi32, #tpu.memory_space<vmem>>
    %dma_start3A_46 = tpu.memref_squeeze %dma_start3A_45 : memref<1x128xi32, #tpu.memory_space<vmem>> -> memref<128xi32, #tpu.memory_space<vmem>>
    %dma_start3A_47 = arith.constant 0 : i32
    %dma_start3A_48 = arith.constant 0 : i32
    %dma_start3A_49 = tpu.memref_slice %arg3[%dma_start3A_47, %dma_start3A_48] : memref<1000000x32xf32, #tpu.memory_space<hbm>> -> memref<1000000x32xf32, #tpu.memory_space<hbm>>
    tpu.enqueue_indirect_dma source(%dma_start3A_49 : memref<1000000x32xf32, #tpu.memory_space<hbm>>) target(%dma_start3A_43 : memref<128x32xf32, #tpu.memory_space<vmem>>) offsets(%dma_start3A_46 : memref<128xi32, #tpu.memory_space<vmem>>) semaphore(%arg13 : memref<!tpu.dma_semaphore, #tpu.memory_space<semaphore_mem>>)
    %dma_start3A_50 = arith.constant 1 : i32
    %dma_start3A_51 = arith.constant 128 : i32
    %dma_start3A_52 = arith.constant 0 : i32
    %dma_start3A_53 = tpu.memref_slice %arg7[%dma_start3A_51, %dma_start3A_52] : memref<1024x32xf32, #tpu.memory_space<vmem>> -> memref<128x32xf32, #tpu.memory_space<vmem>>
    %dma_start3A_54 = arith.constant 0 : i32
    %dma_start3A_55 = tpu.memref_slice %arg5[%dma_start3A_50, %dma_start3A_54] : memref<8x128xi32, #tpu.memory_space<vmem>> -> memref<1x128xi32, #tpu.memory_space<vmem>>
    %dma_start3A_56 = tpu.memref_squeeze %dma_start3A_55 : memref<1x128xi32, #tpu.memory_space<vmem>> -> memref<128xi32, #tpu.memory_space<vmem>>
    %dma_start3A_57 = arith.constant 0 : i32
    %dma_start3A_58 = arith.constant 0 : i32
    %dma_start3A_59 = tpu.memref_slice %arg3[%dma_start3A_57, %dma_start3A_58] : memref<1000000x32xf32, #tpu.memory_space<hbm>> -> memref<1000000x32xf32, #tpu.memory_space<hbm>>
    tpu.enqueue_indirect_dma source(%dma_start3A_59 : memref<1000000x32xf32, #tpu.memory_space<hbm>>) target(%dma_start3A_53 : memref<128x32xf32, #tpu.memory_space<vmem>>) offsets(%dma_start3A_56 : memref<128xi32, #tpu.memory_space<vmem>>) semaphore(%arg13 : memref<!tpu.dma_semaphore, #tpu.memory_space<semaphore_mem>>)
    %dma_start3A_60 = arith.constant 2 : i32
    %dma_start3A_61 = arith.constant 256 : i32
    %dma_start3A_62 = arith.constant 0 : i32
    %dma_start3A_63 = tpu.memref_slice %arg7[%dma_start3A_61, %dma_start3A_62] : memref<1024x32xf32, #tpu.memory_space<vmem>> -> memref<128x32xf32, #tpu.memory_space<vmem>>
    %dma_start3A_64 = arith.constant 0 : i32
    %dma_start3A_65 = tpu.memref_slice %arg5[%dma_start3A_60, %dma_start3A_64] : memref<8x128xi32, #tpu.memory_space<vmem>> -> memref<1x128xi32, #tpu.memory_space<vmem>>
    %dma_start3A_66 = tpu.memref_squeeze %dma_start3A_65 : memref<1x128xi32, #tpu.memory_space<vmem>> -> memref<128xi32, #tpu.memory_space<vmem>>
    %dma_start3A_67 = arith.constant 0 : i32
    %dma_start3A_68 = arith.constant 0 : i32
    %dma_start3A_69 = tpu.memref_slice %arg3[%dma_start3A_67, %dma_start3A_68] : memref<1000000x32xf32, #tpu.memory_space<hbm>> -> memref<1000000x32xf32, #tpu.memory_space<hbm>>
    tpu.enqueue_indirect_dma source(%dma_start3A_69 : memref<1000000x32xf32, #tpu.memory_space<hbm>>) target(%dma_start3A_63 : memref<128x32xf32, #tpu.memory_space<vmem>>) offsets(%dma_start3A_66 : memref<128xi32, #tpu.memory_space<vmem>>) semaphore(%arg13 : memref<!tpu.dma_semaphore, #tpu.memory_space<semaphore_mem>>)
    %dma_start3A_70 = arith.constant 3 : i32
    %dma_start3A_71 = arith.constant 384 : i32
    %dma_start3A_72 = arith.constant 0 : i32
    %dma_start3A_73 = tpu.memref_slice %arg7[%dma_start3A_71, %dma_start3A_72] : memref<1024x32xf32, #tpu.memory_space<vmem>> -> memref<128x32xf32, #tpu.memory_space<vmem>>
    %dma_start3A_74 = arith.constant 0 : i32
    %dma_start3A_75 = tpu.memref_slice %arg5[%dma_start3A_70, %dma_start3A_74] : memref<8x128xi32, #tpu.memory_space<vmem>> -> memref<1x128xi32, #tpu.memory_space<vmem>>
    %dma_start3A_76 = tpu.memref_squeeze %dma_start3A_75 : memref<1x128xi32, #tpu.memory_space<vmem>> -> memref<128xi32, #tpu.memory_space<vmem>>
    %dma_start3A_77 = arith.constant 0 : i32
    %dma_start3A_78 = arith.constant 0 : i32
    %dma_start3A_79 = tpu.memref_slice %arg3[%dma_start3A_77, %dma_start3A_78] : memref<1000000x32xf32, #tpu.memory_space<hbm>> -> memref<1000000x32xf32, #tpu.memory_space<hbm>>
    tpu.enqueue_indirect_dma source(%dma_start3A_79 : memref<1000000x32xf32, #tpu.memory_space<hbm>>) target(%dma_start3A_73 : memref<128x32xf32, #tpu.memory_space<vmem>>) offsets(%dma_start3A_76 : memref<128xi32, #tpu.memory_space<vmem>>) semaphore(%arg13 : memref<!tpu.dma_semaphore, #tpu.memory_space<semaphore_mem>>)
    %dma_start3A_80 = arith.constant 4 : i32
    %dma_start3A_81 = arith.constant 512 : i32
    %dma_start3A_82 = arith.constant 0 : i32
    %dma_start3A_83 = tpu.memref_slice %arg7[%dma_start3A_81, %dma_start3A_82] : memref<1024x32xf32, #tpu.memory_space<vmem>> -> memref<128x32xf32, #tpu.memory_space<vmem>>
    %dma_start3A_84 = arith.constant 0 : i32
    %dma_start3A_85 = tpu.memref_slice %arg5[%dma_start3A_80, %dma_start3A_84] : memref<8x128xi32, #tpu.memory_space<vmem>> -> memref<1x128xi32, #tpu.memory_space<vmem>>
    %dma_start3A_86 = tpu.memref_squeeze %dma_start3A_85 : memref<1x128xi32, #tpu.memory_space<vmem>> -> memref<128xi32, #tpu.memory_space<vmem>>
    %dma_start3A_87 = arith.constant 0 : i32
    %dma_start3A_88 = arith.constant 0 : i32
    %dma_start3A_89 = tpu.memref_slice %arg3[%dma_start3A_87, %dma_start3A_88] : memref<1000000x32xf32, #tpu.memory_space<hbm>> -> memref<1000000x32xf32, #tpu.memory_space<hbm>>
    tpu.enqueue_indirect_dma source(%dma_start3A_89 : memref<1000000x32xf32, #tpu.memory_space<hbm>>) target(%dma_start3A_83 : memref<128x32xf32, #tpu.memory_space<vmem>>) offsets(%dma_start3A_86 : memref<128xi32, #tpu.memory_space<vmem>>) semaphore(%arg13 : memref<!tpu.dma_semaphore, #tpu.memory_space<semaphore_mem>>)
    %dma_start3A_90 = arith.constant 5 : i32
    %dma_start3A_91 = arith.constant 640 : i32
    %dma_start3A_92 = arith.constant 0 : i32
    %dma_start3A_93 = tpu.memref_slice %arg7[%dma_start3A_91, %dma_start3A_92] : memref<1024x32xf32, #tpu.memory_space<vmem>> -> memref<128x32xf32, #tpu.memory_space<vmem>>
    %dma_start3A_94 = arith.constant 0 : i32
    %dma_start3A_95 = tpu.memref_slice %arg5[%dma_start3A_90, %dma_start3A_94] : memref<8x128xi32, #tpu.memory_space<vmem>> -> memref<1x128xi32, #tpu.memory_space<vmem>>
    %dma_start3A_96 = tpu.memref_squeeze %dma_start3A_95 : memref<1x128xi32, #tpu.memory_space<vmem>> -> memref<128xi32, #tpu.memory_space<vmem>>
    %dma_start3A_97 = arith.constant 0 : i32
    %dma_start3A_98 = arith.constant 0 : i32
    %dma_start3A_99 = tpu.memref_slice %arg3[%dma_start3A_97, %dma_start3A_98] : memref<1000000x32xf32, #tpu.memory_space<hbm>> -> memref<1000000x32xf32, #tpu.memory_space<hbm>>
    tpu.enqueue_indirect_dma source(%dma_start3A_99 : memref<1000000x32xf32, #tpu.memory_space<hbm>>) target(%dma_start3A_93 : memref<128x32xf32, #tpu.memory_space<vmem>>) offsets(%dma_start3A_96 : memref<128xi32, #tpu.memory_space<vmem>>) semaphore(%arg13 : memref<!tpu.dma_semaphore, #tpu.memory_space<semaphore_mem>>)
    %dma_start3A_100 = arith.constant 6 : i32
    %dma_start3A_101 = arith.constant 768 : i32
    %dma_start3A_102 = arith.constant 0 : i32
    %dma_start3A_103 = tpu.memref_slice %arg7[%dma_start3A_101, %dma_start3A_102] : memref<1024x32xf32, #tpu.memory_space<vmem>> -> memref<128x32xf32, #tpu.memory_space<vmem>>
    %dma_start3A_104 = arith.constant 0 : i32
    %dma_start3A_105 = tpu.memref_slice %arg5[%dma_start3A_100, %dma_start3A_104] : memref<8x128xi32, #tpu.memory_space<vmem>> -> memref<1x128xi32, #tpu.memory_space<vmem>>
    %dma_start3A_106 = tpu.memref_squeeze %dma_start3A_105 : memref<1x128xi32, #tpu.memory_space<vmem>> -> memref<128xi32, #tpu.memory_space<vmem>>
    %dma_start3A_107 = arith.constant 0 : i32
    %dma_start3A_108 = arith.constant 0 : i32
    %dma_start3A_109 = tpu.memref_slice %arg3[%dma_start3A_107, %dma_start3A_108] : memref<1000000x32xf32, #tpu.memory_space<hbm>> -> memref<1000000x32xf32, #tpu.memory_space<hbm>>
    tpu.enqueue_indirect_dma source(%dma_start3A_109 : memref<1000000x32xf32, #tpu.memory_space<hbm>>) target(%dma_start3A_103 : memref<128x32xf32, #tpu.memory_space<vmem>>) offsets(%dma_start3A_106 : memref<128xi32, #tpu.memory_space<vmem>>) semaphore(%arg13 : memref<!tpu.dma_semaphore, #tpu.memory_space<semaphore_mem>>)
    %dma_start3A_110 = arith.constant 7 : i32
    %dma_start3A_111 = arith.constant 896 : i32
    %dma_start3A_112 = arith.constant 0 : i32
    %dma_start3A_113 = tpu.memref_slice %arg7[%dma_start3A_111, %dma_start3A_112] : memref<1024x32xf32, #tpu.memory_space<vmem>> -> memref<128x32xf32, #tpu.memory_space<vmem>>
    %dma_start3A_114 = arith.constant 0 : i32
    %dma_start3A_115 = tpu.memref_slice %arg5[%dma_start3A_110, %dma_start3A_114] : memref<8x128xi32, #tpu.memory_space<vmem>> -> memref<1x128xi32, #tpu.memory_space<vmem>>
    %dma_start3A_116 = tpu.memref_squeeze %dma_start3A_115 : memref<1x128xi32, #tpu.memory_space<vmem>> -> memref<128xi32, #tpu.memory_space<vmem>>
    %dma_start3A_117 = arith.constant 0 : i32
    %dma_start3A_118 = arith.constant 0 : i32
    %dma_start3A_119 = tpu.memref_slice %arg3[%dma_start3A_117, %dma_start3A_118] : memref<1000000x32xf32, #tpu.memory_space<hbm>> -> memref<1000000x32xf32, #tpu.memory_space<hbm>>
    tpu.enqueue_indirect_dma source(%dma_start3A_119 : memref<1000000x32xf32, #tpu.memory_space<hbm>>) target(%dma_start3A_113 : memref<128x32xf32, #tpu.memory_space<vmem>>) offsets(%dma_start3A_116 : memref<128xi32, #tpu.memory_space<vmem>>) semaphore(%arg13 : memref<!tpu.dma_semaphore, #tpu.memory_space<semaphore_mem>>)
    %add3A_120 = arith.constant 1 : i32
    %add3A_121 = arith.addi %mul3A_2, %add3A_120 : i32
    %jit3A_122 = arith.constant 128 : i32
    %div3A_123 = arith.divsi %add3A_121, %jit3A_122 : i32
    %sign3A_124 = arith.constant 0 : i32
    %sign3A_125 = arith.cmpi sgt, %add3A_121, %sign3A_124 : i32
    %sign3A_126 = arith.extui %sign3A_125 : i1 to i32
    %sign3A_127 = arith.constant 0 : i32
    %sign3A_128 = arith.cmpi slt, %add3A_121, %sign3A_127 : i32
    %sign3A_129 = arith.extui %sign3A_128 : i1 to i32
    %sign3A_130 = arith.subi %sign3A_126, %sign3A_129 : i32
    %sign3A_131 = arith.constant 0 : i32
    %sign3A_132 = arith.cmpi sgt, %jit3A_122, %sign3A_131 : i32
    %sign3A_133 = arith.extui %sign3A_132 : i1 to i32
    %sign3A_134 = arith.constant 0 : i32
    %sign3A_135 = arith.cmpi slt, %jit3A_122, %sign3A_134 : i32
    %sign3A_136 = arith.extui %sign3A_135 : i1 to i32
    %sign3A_137 = arith.subi %sign3A_133, %sign3A_136 : i32
    %ne3A_138 = arith.cmpi ne, %sign3A_130, %sign3A_137 : i32
    %rem3A_139 = arith.remsi %add3A_121, %jit3A_122 : i32
    %ne3A_140 = arith.constant 0 : i32
    %ne3A_141 = arith.cmpi ne, %rem3A_139, %ne3A_140 : i32
    %and3A_142 = arith.andi %ne3A_138, %ne3A_141 : i1
    %sub3A_143 = arith.constant 1 : i32
    %sub3A_144 = arith.subi %div3A_123, %sub3A_143 : i32
    %select_n3A_145 = arith.select %and3A_142, %sub3A_144, %div3A_123 : i32
    %jit3A_146 = arith.constant 128 : i32
    %eq3A_147 = arith.constant 0 : i32
    %eq3A_148 = arith.cmpi eq, %jit3A_146, %eq3A_147 : i32
    %jit3A_149 = arith.constant 1 : i32
    %select_n3A_150 = arith.select %eq3A_148, %jit3A_149, %jit3A_146 : i32
    %rem3A_151 = arith.remsi %add3A_121, %select_n3A_150 : i32
    %ne3A_152 = arith.constant 0 : i32
    %ne3A_153 = arith.cmpi ne, %rem3A_151, %ne3A_152 : i32
    %lt3A_154 = arith.constant 0 : i32
    %lt3A_155 = arith.cmpi slt, %rem3A_151, %lt3A_154 : i32
    %lt3A_156 = arith.constant 0 : i32
    %lt3A_157 = arith.cmpi slt, %select_n3A_150, %lt3A_156 : i32
    %ne3A_158 = arith.xori %lt3A_155, %lt3A_157 : i1
    %and3A_159 = arith.andi %ne3A_158, %ne3A_153 : i1
    %add3A_160 = arith.addi %rem3A_151, %select_n3A_150 : i32
    %select_n3A_161 = arith.select %and3A_159, %add3A_160, %rem3A_151 : i32
    %dma_start3A_162 = arith.constant 0 : i32
    %dma_start3A_163 = arith.constant 0 : i32
    %dma_start3A_164 = tpu.memref_slice %arg2[%select_n3A_145, %select_n3A_161, %dma_start3A_162, %dma_start3A_163] : memref<25x128x8x128xi32, #tpu.memory_space<hbm>> -> memref<1x1x8x128xi32, #tpu.memory_space<hbm>>
    %dma_start3A_165 = tpu.memref_squeeze %dma_start3A_164 : memref<1x1x8x128xi32, #tpu.memory_space<hbm>> -> memref<8x128xi32, #tpu.memory_space<hbm>>
    %dma_start3A_166 = arith.constant 0 : i32
    %dma_start3A_167 = arith.constant 0 : i32
    %dma_start3A_168 = tpu.memref_slice %arg2[%select_n3A_145, %select_n3A_161, %dma_start3A_166, %dma_start3A_167] : memref<25x128x8x128xi32, #tpu.memory_space<hbm>> -> memref<1x1x8x128xi32, #tpu.memory_space<hbm>>
    %dma_start3A_169 = tpu.memref_squeeze %dma_start3A_168 : memref<1x1x8x128xi32, #tpu.memory_space<hbm>> -> memref<8x128xi32, #tpu.memory_space<hbm>>
    tpu.enqueue_dma source(%dma_start3A_169 : memref<8x128xi32, #tpu.memory_space<hbm>>) target(%arg6 : memref<8x128xi32, #tpu.memory_space<vmem>>) target_semaphore(%arg12 : memref<!tpu.dma_semaphore, #tpu.memory_space<semaphore_mem>>)
    %scan3A = arith.constant 0 : i32
    %scan3A_170 = arith.constant 0 : i32
    %scan3A_171 = arith.constant 100 : i32
    %scan3A_172 = arith.addi %scan3A_170, %scan3A_171 : i32
    %scan3A_173 = arith.constant 1 : i32
    scf.for %scan3A_310 = %scan3A_170 to %scan3A_172 step %scan3A_173  : i32 {
      %jit3A_311 = arith.constant 2 : i32
      %eq3A_312 = arith.constant 0 : i32
      %eq3A_313 = arith.cmpi eq, %jit3A_311, %eq3A_312 : i32
      %jit3A_314 = arith.constant 1 : i32
      %select_n3A_315 = arith.select %eq3A_313, %jit3A_314, %jit3A_311 : i32
      %rem3A_316 = arith.remsi %scan3A_310, %select_n3A_315 : i32
      %ne3A_317 = arith.constant 0 : i32
      %ne3A_318 = arith.cmpi ne, %rem3A_316, %ne3A_317 : i32
      %lt3A_319 = arith.constant 0 : i32
      %lt3A_320 = arith.cmpi slt, %rem3A_316, %lt3A_319 : i32
      %lt3A_321 = arith.constant 0 : i32
      %lt3A_322 = arith.cmpi slt, %select_n3A_315, %lt3A_321 : i32
      %ne3A_323 = arith.xori %lt3A_320, %lt3A_322 : i1
      %and3A_324 = arith.andi %ne3A_323, %ne3A_318 : i1
      %add3A_325 = arith.addi %rem3A_316, %select_n3A_315 : i32
      %select_n3A_326 = arith.select %and3A_324, %add3A_325, %rem3A_316 : i32
      %eq3A_327 = arith.constant 0 : i32
      %eq3A_328 = arith.cmpi eq, %select_n3A_326, %eq3A_327 : i32
      %convert_element_type3A = arith.extui %eq3A_328 : i1 to i32
      %cond3A = arith.constant 0 : i32
      %cond3A_329 = arith.cmpi ne, %convert_element_type3A, %cond3A : i32
      scf.if %cond3A_329 {
        %lt3A_351 = arith.constant 99 : i32
        %lt3A_352 = arith.cmpi slt, %scan3A_310, %lt3A_351 : i32
        %convert_element_type3A_353 = arith.extui %lt3A_352 : i1 to i32
        %cond3A_354 = arith.constant 0 : i32
        %cond3A_355 = arith.cmpi ne, %convert_element_type3A_353, %cond3A_354 : i32
        scf.if %cond3A_355 {
          %add3A_447 = arith.constant 1 : i32
          %add3A_448 = arith.addi %scan3A_310, %add3A_447 : i32
          %add3A_449 = arith.addi %mul3A_2, %add3A_448 : i32
          %jit3A_450 = arith.constant 128 : i32
          %div3A_451 = arith.divsi %add3A_449, %jit3A_450 : i32
          %sign3A_452 = arith.constant 0 : i32
          %sign3A_453 = arith.cmpi sgt, %add3A_449, %sign3A_452 : i32
          %sign3A_454 = arith.extui %sign3A_453 : i1 to i32
          %sign3A_455 = arith.constant 0 : i32
          %sign3A_456 = arith.cmpi slt, %add3A_449, %sign3A_455 : i32
          %sign3A_457 = arith.extui %sign3A_456 : i1 to i32
          %sign3A_458 = arith.subi %sign3A_454, %sign3A_457 : i32
          %sign3A_459 = arith.constant 0 : i32
          %sign3A_460 = arith.cmpi sgt, %jit3A_450, %sign3A_459 : i32
          %sign3A_461 = arith.extui %sign3A_460 : i1 to i32
          %sign3A_462 = arith.constant 0 : i32
          %sign3A_463 = arith.cmpi slt, %jit3A_450, %sign3A_462 : i32
          %sign3A_464 = arith.extui %sign3A_463 : i1 to i32
          %sign3A_465 = arith.subi %sign3A_461, %sign3A_464 : i32
          %ne3A_466 = arith.cmpi ne, %sign3A_458, %sign3A_465 : i32
          %rem3A_467 = arith.remsi %add3A_449, %jit3A_450 : i32
          %ne3A_468 = arith.constant 0 : i32
          %ne3A_469 = arith.cmpi ne, %rem3A_467, %ne3A_468 : i32
          %and3A_470 = arith.andi %ne3A_466, %ne3A_469 : i1
          %sub3A_471 = arith.constant 1 : i32
          %sub3A_472 = arith.subi %div3A_451, %sub3A_471 : i32
          %select_n3A_473 = arith.select %and3A_470, %sub3A_472, %div3A_451 : i32
          %jit3A_474 = arith.constant 128 : i32
          %eq3A_475 = arith.constant 0 : i32
          %eq3A_476 = arith.cmpi eq, %jit3A_474, %eq3A_475 : i32
          %jit3A_477 = arith.constant 1 : i32
          %select_n3A_478 = arith.select %eq3A_476, %jit3A_477, %jit3A_474 : i32
          %rem3A_479 = arith.remsi %add3A_449, %select_n3A_478 : i32
          %ne3A_480 = arith.constant 0 : i32
          %ne3A_481 = arith.cmpi ne, %rem3A_479, %ne3A_480 : i32
          %lt3A_482 = arith.constant 0 : i32
          %lt3A_483 = arith.cmpi slt, %rem3A_479, %lt3A_482 : i32
          %lt3A_484 = arith.constant 0 : i32
          %lt3A_485 = arith.cmpi slt, %select_n3A_478, %lt3A_484 : i32
          %ne3A_486 = arith.xori %lt3A_483, %lt3A_485 : i1
          %and3A_487 = arith.andi %ne3A_486, %ne3A_481 : i1
          %add3A_488 = arith.addi %rem3A_479, %select_n3A_478 : i32
          %select_n3A_489 = arith.select %and3A_487, %add3A_488, %rem3A_479 : i32
          %dma_wait3A_490 = arith.constant 0 : i32
          %dma_wait3A_491 = arith.constant 0 : i32
          %dma_wait3A_492 = tpu.memref_slice %arg2[%select_n3A_473, %select_n3A_489, %dma_wait3A_490, %dma_wait3A_491] : memref<25x128x8x128xi32, #tpu.memory_space<hbm>> -> memref<1x1x8x128xi32, #tpu.memory_space<hbm>>
          %dma_wait3A_493 = tpu.memref_squeeze %dma_wait3A_492 : memref<1x1x8x128xi32, #tpu.memory_space<hbm>> -> memref<8x128xi32, #tpu.memory_space<hbm>>
          %dma_wait3A_494 = arith.constant 0 : i32
          %dma_wait3A_495 = arith.constant 0 : i32
          %dma_wait3A_496 = tpu.memref_slice %arg2[%select_n3A_473, %select_n3A_489, %dma_wait3A_494, %dma_wait3A_495] : memref<25x128x8x128xi32, #tpu.memory_space<hbm>> -> memref<1x1x8x128xi32, #tpu.memory_space<hbm>>
          %dma_wait3A_497 = tpu.memref_squeeze %dma_wait3A_496 : memref<1x1x8x128xi32, #tpu.memory_space<hbm>> -> memref<8x128xi32, #tpu.memory_space<hbm>>
          tpu.wait_dma2 semaphore(%arg12 : memref<!tpu.dma_semaphore, #tpu.memory_space<semaphore_mem>>) src(%dma_wait3A_497 : memref<8x128xi32, #tpu.memory_space<hbm>>) dst(%arg6 : memref<8x128xi32, #tpu.memory_space<vmem>>)
          %dma_start3A_498 = arith.constant 0 : i32
          %dma_start3A_499 = arith.constant 0 : i32
          %dma_start3A_500 = arith.constant 0 : i32
          %dma_start3A_501 = tpu.memref_slice %arg8[%dma_start3A_499, %dma_start3A_500] : memref<1024x32xf32, #tpu.memory_space<vmem>> -> memref<128x32xf32, #tpu.memory_space<vmem>>
          %dma_start3A_502 = arith.constant 0 : i32
          %dma_start3A_503 = tpu.memref_slice %arg6[%dma_start3A_498, %dma_start3A_502] : memref<8x128xi32, #tpu.memory_space<vmem>> -> memref<1x128xi32, #tpu.memory_space<vmem>>
          %dma_start3A_504 = tpu.memref_squeeze %dma_start3A_503 : memref<1x128xi32, #tpu.memory_space<vmem>> -> memref<128xi32, #tpu.memory_space<vmem>>
          %dma_start3A_505 = arith.constant 0 : i32
          %dma_start3A_506 = arith.constant 0 : i32
          %dma_start3A_507 = tpu.memref_slice %arg3[%dma_start3A_505, %dma_start3A_506] : memref<1000000x32xf32, #tpu.memory_space<hbm>> -> memref<1000000x32xf32, #tpu.memory_space<hbm>>
          tpu.enqueue_indirect_dma source(%dma_start3A_507 : memref<1000000x32xf32, #tpu.memory_space<hbm>>) target(%dma_start3A_501 : memref<128x32xf32, #tpu.memory_space<vmem>>) offsets(%dma_start3A_504 : memref<128xi32, #tpu.memory_space<vmem>>) semaphore(%arg14 : memref<!tpu.dma_semaphore, #tpu.memory_space<semaphore_mem>>)
          %dma_start3A_508 = arith.constant 1 : i32
          %dma_start3A_509 = arith.constant 128 : i32
          %dma_start3A_510 = arith.constant 0 : i32
          %dma_start3A_511 = tpu.memref_slice %arg8[%dma_start3A_509, %dma_start3A_510] : memref<1024x32xf32, #tpu.memory_space<vmem>> -> memref<128x32xf32, #tpu.memory_space<vmem>>
          %dma_start3A_512 = arith.constant 0 : i32
          %dma_start3A_513 = tpu.memref_slice %arg6[%dma_start3A_508, %dma_start3A_512] : memref<8x128xi32, #tpu.memory_space<vmem>> -> memref<1x128xi32, #tpu.memory_space<vmem>>
          %dma_start3A_514 = tpu.memref_squeeze %dma_start3A_513 : memref<1x128xi32, #tpu.memory_space<vmem>> -> memref<128xi32, #tpu.memory_space<vmem>>
          %dma_start3A_515 = arith.constant 0 : i32
          %dma_start3A_516 = arith.constant 0 : i32
          %dma_start3A_517 = tpu.memref_slice %arg3[%dma_start3A_515, %dma_start3A_516] : memref<1000000x32xf32, #tpu.memory_space<hbm>> -> memref<1000000x32xf32, #tpu.memory_space<hbm>>
          tpu.enqueue_indirect_dma source(%dma_start3A_517 : memref<1000000x32xf32, #tpu.memory_space<hbm>>) target(%dma_start3A_511 : memref<128x32xf32, #tpu.memory_space<vmem>>) offsets(%dma_start3A_514 : memref<128xi32, #tpu.memory_space<vmem>>) semaphore(%arg14 : memref<!tpu.dma_semaphore, #tpu.memory_space<semaphore_mem>>)
          %dma_start3A_518 = arith.constant 2 : i32
          %dma_start3A_519 = arith.constant 256 : i32
          %dma_start3A_520 = arith.constant 0 : i32
          %dma_start3A_521 = tpu.memref_slice %arg8[%dma_start3A_519, %dma_start3A_520] : memref<1024x32xf32, #tpu.memory_space<vmem>> -> memref<128x32xf32, #tpu.memory_space<vmem>>
          %dma_start3A_522 = arith.constant 0 : i32
          %dma_start3A_523 = tpu.memref_slice %arg6[%dma_start3A_518, %dma_start3A_522] : memref<8x128xi32, #tpu.memory_space<vmem>> -> memref<1x128xi32, #tpu.memory_space<vmem>>
          %dma_start3A_524 = tpu.memref_squeeze %dma_start3A_523 : memref<1x128xi32, #tpu.memory_space<vmem>> -> memref<128xi32, #tpu.memory_space<vmem>>
          %dma_start3A_525 = arith.constant 0 : i32
          %dma_start3A_526 = arith.constant 0 : i32
          %dma_start3A_527 = tpu.memref_slice %arg3[%dma_start3A_525, %dma_start3A_526] : memref<1000000x32xf32, #tpu.memory_space<hbm>> -> memref<1000000x32xf32, #tpu.memory_space<hbm>>
          tpu.enqueue_indirect_dma source(%dma_start3A_527 : memref<1000000x32xf32, #tpu.memory_space<hbm>>) target(%dma_start3A_521 : memref<128x32xf32, #tpu.memory_space<vmem>>) offsets(%dma_start3A_524 : memref<128xi32, #tpu.memory_space<vmem>>) semaphore(%arg14 : memref<!tpu.dma_semaphore, #tpu.memory_space<semaphore_mem>>)
          %dma_start3A_528 = arith.constant 3 : i32
          %dma_start3A_529 = arith.constant 384 : i32
          %dma_start3A_530 = arith.constant 0 : i32
          %dma_start3A_531 = tpu.memref_slice %arg8[%dma_start3A_529, %dma_start3A_530] : memref<1024x32xf32, #tpu.memory_space<vmem>> -> memref<128x32xf32, #tpu.memory_space<vmem>>
          %dma_start3A_532 = arith.constant 0 : i32
          %dma_start3A_533 = tpu.memref_slice %arg6[%dma_start3A_528, %dma_start3A_532] : memref<8x128xi32, #tpu.memory_space<vmem>> -> memref<1x128xi32, #tpu.memory_space<vmem>>
          %dma_start3A_534 = tpu.memref_squeeze %dma_start3A_533 : memref<1x128xi32, #tpu.memory_space<vmem>> -> memref<128xi32, #tpu.memory_space<vmem>>
          %dma_start3A_535 = arith.constant 0 : i32
          %dma_start3A_536 = arith.constant 0 : i32
          %dma_start3A_537 = tpu.memref_slice %arg3[%dma_start3A_535, %dma_start3A_536] : memref<1000000x32xf32, #tpu.memory_space<hbm>> -> memref<1000000x32xf32, #tpu.memory_space<hbm>>
          tpu.enqueue_indirect_dma source(%dma_start3A_537 : memref<1000000x32xf32, #tpu.memory_space<hbm>>) target(%dma_start3A_531 : memref<128x32xf32, #tpu.memory_space<vmem>>) offsets(%dma_start3A_534 : memref<128xi32, #tpu.memory_space<vmem>>) semaphore(%arg14 : memref<!tpu.dma_semaphore, #tpu.memory_space<semaphore_mem>>)
          %dma_start3A_538 = arith.constant 4 : i32
          %dma_start3A_539 = arith.constant 512 : i32
          %dma_start3A_540 = arith.constant 0 : i32
          %dma_start3A_541 = tpu.memref_slice %arg8[%dma_start3A_539, %dma_start3A_540] : memref<1024x32xf32, #tpu.memory_space<vmem>> -> memref<128x32xf32, #tpu.memory_space<vmem>>
          %dma_start3A_542 = arith.constant 0 : i32
          %dma_start3A_543 = tpu.memref_slice %arg6[%dma_start3A_538, %dma_start3A_542] : memref<8x128xi32, #tpu.memory_space<vmem>> -> memref<1x128xi32, #tpu.memory_space<vmem>>
          %dma_start3A_544 = tpu.memref_squeeze %dma_start3A_543 : memref<1x128xi32, #tpu.memory_space<vmem>> -> memref<128xi32, #tpu.memory_space<vmem>>
          %dma_start3A_545 = arith.constant 0 : i32
          %dma_start3A_546 = arith.constant 0 : i32
          %dma_start3A_547 = tpu.memref_slice %arg3[%dma_start3A_545, %dma_start3A_546] : memref<1000000x32xf32, #tpu.memory_space<hbm>> -> memref<1000000x32xf32, #tpu.memory_space<hbm>>
          tpu.enqueue_indirect_dma source(%dma_start3A_547 : memref<1000000x32xf32, #tpu.memory_space<hbm>>) target(%dma_start3A_541 : memref<128x32xf32, #tpu.memory_space<vmem>>) offsets(%dma_start3A_544 : memref<128xi32, #tpu.memory_space<vmem>>) semaphore(%arg14 : memref<!tpu.dma_semaphore, #tpu.memory_space<semaphore_mem>>)
          %dma_start3A_548 = arith.constant 5 : i32
          %dma_start3A_549 = arith.constant 640 : i32
          %dma_start3A_550 = arith.constant 0 : i32
          %dma_start3A_551 = tpu.memref_slice %arg8[%dma_start3A_549, %dma_start3A_550] : memref<1024x32xf32, #tpu.memory_space<vmem>> -> memref<128x32xf32, #tpu.memory_space<vmem>>
          %dma_start3A_552 = arith.constant 0 : i32
          %dma_start3A_553 = tpu.memref_slice %arg6[%dma_start3A_548, %dma_start3A_552] : memref<8x128xi32, #tpu.memory_space<vmem>> -> memref<1x128xi32, #tpu.memory_space<vmem>>
          %dma_start3A_554 = tpu.memref_squeeze %dma_start3A_553 : memref<1x128xi32, #tpu.memory_space<vmem>> -> memref<128xi32, #tpu.memory_space<vmem>>
          %dma_start3A_555 = arith.constant 0 : i32
          %dma_start3A_556 = arith.constant 0 : i32
          %dma_start3A_557 = tpu.memref_slice %arg3[%dma_start3A_555, %dma_start3A_556] : memref<1000000x32xf32, #tpu.memory_space<hbm>> -> memref<1000000x32xf32, #tpu.memory_space<hbm>>
          tpu.enqueue_indirect_dma source(%dma_start3A_557 : memref<1000000x32xf32, #tpu.memory_space<hbm>>) target(%dma_start3A_551 : memref<128x32xf32, #tpu.memory_space<vmem>>) offsets(%dma_start3A_554 : memref<128xi32, #tpu.memory_space<vmem>>) semaphore(%arg14 : memref<!tpu.dma_semaphore, #tpu.memory_space<semaphore_mem>>)
          %dma_start3A_558 = arith.constant 6 : i32
          %dma_start3A_559 = arith.constant 768 : i32
          %dma_start3A_560 = arith.constant 0 : i32
          %dma_start3A_561 = tpu.memref_slice %arg8[%dma_start3A_559, %dma_start3A_560] : memref<1024x32xf32, #tpu.memory_space<vmem>> -> memref<128x32xf32, #tpu.memory_space<vmem>>
          %dma_start3A_562 = arith.constant 0 : i32
          %dma_start3A_563 = tpu.memref_slice %arg6[%dma_start3A_558, %dma_start3A_562] : memref<8x128xi32, #tpu.memory_space<vmem>> -> memref<1x128xi32, #tpu.memory_space<vmem>>
          %dma_start3A_564 = tpu.memref_squeeze %dma_start3A_563 : memref<1x128xi32, #tpu.memory_space<vmem>> -> memref<128xi32, #tpu.memory_space<vmem>>
          %dma_start3A_565 = arith.constant 0 : i32
          %dma_start3A_566 = arith.constant 0 : i32
          %dma_start3A_567 = tpu.memref_slice %arg3[%dma_start3A_565, %dma_start3A_566] : memref<1000000x32xf32, #tpu.memory_space<hbm>> -> memref<1000000x32xf32, #tpu.memory_space<hbm>>
          tpu.enqueue_indirect_dma source(%dma_start3A_567 : memref<1000000x32xf32, #tpu.memory_space<hbm>>) target(%dma_start3A_561 : memref<128x32xf32, #tpu.memory_space<vmem>>) offsets(%dma_start3A_564 : memref<128xi32, #tpu.memory_space<vmem>>) semaphore(%arg14 : memref<!tpu.dma_semaphore, #tpu.memory_space<semaphore_mem>>)
          %dma_start3A_568 = arith.constant 7 : i32
          %dma_start3A_569 = arith.constant 896 : i32
          %dma_start3A_570 = arith.constant 0 : i32
          %dma_start3A_571 = tpu.memref_slice %arg8[%dma_start3A_569, %dma_start3A_570] : memref<1024x32xf32, #tpu.memory_space<vmem>> -> memref<128x32xf32, #tpu.memory_space<vmem>>
          %dma_start3A_572 = arith.constant 0 : i32
          %dma_start3A_573 = tpu.memref_slice %arg6[%dma_start3A_568, %dma_start3A_572] : memref<8x128xi32, #tpu.memory_space<vmem>> -> memref<1x128xi32, #tpu.memory_space<vmem>>
          %dma_start3A_574 = tpu.memref_squeeze %dma_start3A_573 : memref<1x128xi32, #tpu.memory_space<vmem>> -> memref<128xi32, #tpu.memory_space<vmem>>
          %dma_start3A_575 = arith.constant 0 : i32
          %dma_start3A_576 = arith.constant 0 : i32
          %dma_start3A_577 = tpu.memref_slice %arg3[%dma_start3A_575, %dma_start3A_576] : memref<1000000x32xf32, #tpu.memory_space<hbm>> -> memref<1000000x32xf32, #tpu.memory_space<hbm>>
          tpu.enqueue_indirect_dma source(%dma_start3A_577 : memref<1000000x32xf32, #tpu.memory_space<hbm>>) target(%dma_start3A_571 : memref<128x32xf32, #tpu.memory_space<vmem>>) offsets(%dma_start3A_574 : memref<128xi32, #tpu.memory_space<vmem>>) semaphore(%arg14 : memref<!tpu.dma_semaphore, #tpu.memory_space<semaphore_mem>>)
        } else {
        }
        %dma_wait3A_356 = arith.constant 0 : i32
        %dma_wait3A_357 = arith.constant 0 : i32
        %dma_wait3A_358 = arith.constant 0 : i32
        %dma_wait3A_359 = tpu.memref_slice %arg7[%dma_wait3A_357, %dma_wait3A_358] : memref<1024x32xf32, #tpu.memory_space<vmem>> -> memref<128x32xf32, #tpu.memory_space<vmem>>
        %dma_wait3A_360 = arith.constant 0 : i32
        %dma_wait3A_361 = tpu.memref_slice %arg5[%dma_wait3A_356, %dma_wait3A_360] : memref<8x128xi32, #tpu.memory_space<vmem>> -> memref<1x128xi32, #tpu.memory_space<vmem>>
        %dma_wait3A_362 = tpu.memref_squeeze %dma_wait3A_361 : memref<1x128xi32, #tpu.memory_space<vmem>> -> memref<128xi32, #tpu.memory_space<vmem>>
        %dma_wait3A_363 = arith.constant 0 : i32
        %dma_wait3A_364 = arith.constant 0 : i32
        %dma_wait3A_365 = tpu.memref_slice %arg3[%dma_wait3A_363, %dma_wait3A_364] : memref<1000000x32xf32, #tpu.memory_space<hbm>> -> memref<1000000x32xf32, #tpu.memory_space<hbm>>
        tpu.wait_indirect_dma semaphore(%arg13 : memref<!tpu.dma_semaphore, #tpu.memory_space<semaphore_mem>>) src(%dma_wait3A_365 : memref<1000000x32xf32, #tpu.memory_space<hbm>>) dst(%dma_wait3A_359 : memref<128x32xf32, #tpu.memory_space<vmem>>)
        %dma_wait3A_366 = arith.constant 1 : i32
        %dma_wait3A_367 = arith.constant 128 : i32
        %dma_wait3A_368 = arith.constant 0 : i32
        %dma_wait3A_369 = tpu.memref_slice %arg7[%dma_wait3A_367, %dma_wait3A_368] : memref<1024x32xf32, #tpu.memory_space<vmem>> -> memref<128x32xf32, #tpu.memory_space<vmem>>
        %dma_wait3A_370 = arith.constant 0 : i32
        %dma_wait3A_371 = tpu.memref_slice %arg5[%dma_wait3A_366, %dma_wait3A_370] : memref<8x128xi32, #tpu.memory_space<vmem>> -> memref<1x128xi32, #tpu.memory_space<vmem>>
        %dma_wait3A_372 = tpu.memref_squeeze %dma_wait3A_371 : memref<1x128xi32, #tpu.memory_space<vmem>> -> memref<128xi32, #tpu.memory_space<vmem>>
        %dma_wait3A_373 = arith.constant 0 : i32
        %dma_wait3A_374 = arith.constant 0 : i32
        %dma_wait3A_375 = tpu.memref_slice %arg3[%dma_wait3A_373, %dma_wait3A_374] : memref<1000000x32xf32, #tpu.memory_space<hbm>> -> memref<1000000x32xf32, #tpu.memory_space<hbm>>
        tpu.wait_indirect_dma semaphore(%arg13 : memref<!tpu.dma_semaphore, #tpu.memory_space<semaphore_mem>>) src(%dma_wait3A_375 : memref<1000000x32xf32, #tpu.memory_space<hbm>>) dst(%dma_wait3A_369 : memref<128x32xf32, #tpu.memory_space<vmem>>)
        %dma_wait3A_376 = arith.constant 2 : i32
        %dma_wait3A_377 = arith.constant 256 : i32
        %dma_wait3A_378 = arith.constant 0 : i32
        %dma_wait3A_379 = tpu.memref_slice %arg7[%dma_wait3A_377, %dma_wait3A_378] : memref<1024x32xf32, #tpu.memory_space<vmem>> -> memref<128x32xf32, #tpu.memory_space<vmem>>
        %dma_wait3A_380 = arith.constant 0 : i32
        %dma_wait3A_381 = tpu.memref_slice %arg5[%dma_wait3A_376, %dma_wait3A_380] : memref<8x128xi32, #tpu.memory_space<vmem>> -> memref<1x128xi32, #tpu.memory_space<vmem>>
        %dma_wait3A_382 = tpu.memref_squeeze %dma_wait3A_381 : memref<1x128xi32, #tpu.memory_space<vmem>> -> memref<128xi32, #tpu.memory_space<vmem>>
        %dma_wait3A_383 = arith.constant 0 : i32
        %dma_wait3A_384 = arith.constant 0 : i32
        %dma_wait3A_385 = tpu.memref_slice %arg3[%dma_wait3A_383, %dma_wait3A_384] : memref<1000000x32xf32, #tpu.memory_space<hbm>> -> memref<1000000x32xf32, #tpu.memory_space<hbm>>
        tpu.wait_indirect_dma semaphore(%arg13 : memref<!tpu.dma_semaphore, #tpu.memory_space<semaphore_mem>>) src(%dma_wait3A_385 : memref<1000000x32xf32, #tpu.memory_space<hbm>>) dst(%dma_wait3A_379 : memref<128x32xf32, #tpu.memory_space<vmem>>)
        %dma_wait3A_386 = arith.constant 3 : i32
        %dma_wait3A_387 = arith.constant 384 : i32
        %dma_wait3A_388 = arith.constant 0 : i32
        %dma_wait3A_389 = tpu.memref_slice %arg7[%dma_wait3A_387, %dma_wait3A_388] : memref<1024x32xf32, #tpu.memory_space<vmem>> -> memref<128x32xf32, #tpu.memory_space<vmem>>
        %dma_wait3A_390 = arith.constant 0 : i32
        %dma_wait3A_391 = tpu.memref_slice %arg5[%dma_wait3A_386, %dma_wait3A_390] : memref<8x128xi32, #tpu.memory_space<vmem>> -> memref<1x128xi32, #tpu.memory_space<vmem>>
        %dma_wait3A_392 = tpu.memref_squeeze %dma_wait3A_391 : memref<1x128xi32, #tpu.memory_space<vmem>> -> memref<128xi32, #tpu.memory_space<vmem>>
        %dma_wait3A_393 = arith.constant 0 : i32
        %dma_wait3A_394 = arith.constant 0 : i32
        %dma_wait3A_395 = tpu.memref_slice %arg3[%dma_wait3A_393, %dma_wait3A_394] : memref<1000000x32xf32, #tpu.memory_space<hbm>> -> memref<1000000x32xf32, #tpu.memory_space<hbm>>
        tpu.wait_indirect_dma semaphore(%arg13 : memref<!tpu.dma_semaphore, #tpu.memory_space<semaphore_mem>>) src(%dma_wait3A_395 : memref<1000000x32xf32, #tpu.memory_space<hbm>>) dst(%dma_wait3A_389 : memref<128x32xf32, #tpu.memory_space<vmem>>)
        %dma_wait3A_396 = arith.constant 4 : i32
        %dma_wait3A_397 = arith.constant 512 : i32
        %dma_wait3A_398 = arith.constant 0 : i32
        %dma_wait3A_399 = tpu.memref_slice %arg7[%dma_wait3A_397, %dma_wait3A_398] : memref<1024x32xf32, #tpu.memory_space<vmem>> -> memref<128x32xf32, #tpu.memory_space<vmem>>
        %dma_wait3A_400 = arith.constant 0 : i32
        %dma_wait3A_401 = tpu.memref_slice %arg5[%dma_wait3A_396, %dma_wait3A_400] : memref<8x128xi32, #tpu.memory_space<vmem>> -> memref<1x128xi32, #tpu.memory_space<vmem>>
        %dma_wait3A_402 = tpu.memref_squeeze %dma_wait3A_401 : memref<1x128xi32, #tpu.memory_space<vmem>> -> memref<128xi32, #tpu.memory_space<vmem>>
        %dma_wait3A_403 = arith.constant 0 : i32
        %dma_wait3A_404 = arith.constant 0 : i32
        %dma_wait3A_405 = tpu.memref_slice %arg3[%dma_wait3A_403, %dma_wait3A_404] : memref<1000000x32xf32, #tpu.memory_space<hbm>> -> memref<1000000x32xf32, #tpu.memory_space<hbm>>
        tpu.wait_indirect_dma semaphore(%arg13 : memref<!tpu.dma_semaphore, #tpu.memory_space<semaphore_mem>>) src(%dma_wait3A_405 : memref<1000000x32xf32, #tpu.memory_space<hbm>>) dst(%dma_wait3A_399 : memref<128x32xf32, #tpu.memory_space<vmem>>)
        %dma_wait3A_406 = arith.constant 5 : i32
        %dma_wait3A_407 = arith.constant 640 : i32
        %dma_wait3A_408 = arith.constant 0 : i32
        %dma_wait3A_409 = tpu.memref_slice %arg7[%dma_wait3A_407, %dma_wait3A_408] : memref<1024x32xf32, #tpu.memory_space<vmem>> -> memref<128x32xf32, #tpu.memory_space<vmem>>
        %dma_wait3A_410 = arith.constant 0 : i32
        %dma_wait3A_411 = tpu.memref_slice %arg5[%dma_wait3A_406, %dma_wait3A_410] : memref<8x128xi32, #tpu.memory_space<vmem>> -> memref<1x128xi32, #tpu.memory_space<vmem>>
        %dma_wait3A_412 = tpu.memref_squeeze %dma_wait3A_411 : memref<1x128xi32, #tpu.memory_space<vmem>> -> memref<128xi32, #tpu.memory_space<vmem>>
        %dma_wait3A_413 = arith.constant 0 : i32
        %dma_wait3A_414 = arith.constant 0 : i32
        %dma_wait3A_415 = tpu.memref_slice %arg3[%dma_wait3A_413, %dma_wait3A_414] : memref<1000000x32xf32, #tpu.memory_space<hbm>> -> memref<1000000x32xf32, #tpu.memory_space<hbm>>
        tpu.wait_indirect_dma semaphore(%arg13 : memref<!tpu.dma_semaphore, #tpu.memory_space<semaphore_mem>>) src(%dma_wait3A_415 : memref<1000000x32xf32, #tpu.memory_space<hbm>>) dst(%dma_wait3A_409 : memref<128x32xf32, #tpu.memory_space<vmem>>)
        %dma_wait3A_416 = arith.constant 6 : i32
        %dma_wait3A_417 = arith.constant 768 : i32
        %dma_wait3A_418 = arith.constant 0 : i32
        %dma_wait3A_419 = tpu.memref_slice %arg7[%dma_wait3A_417, %dma_wait3A_418] : memref<1024x32xf32, #tpu.memory_space<vmem>> -> memref<128x32xf32, #tpu.memory_space<vmem>>
        %dma_wait3A_420 = arith.constant 0 : i32
        %dma_wait3A_421 = tpu.memref_slice %arg5[%dma_wait3A_416, %dma_wait3A_420] : memref<8x128xi32, #tpu.memory_space<vmem>> -> memref<1x128xi32, #tpu.memory_space<vmem>>
        %dma_wait3A_422 = tpu.memref_squeeze %dma_wait3A_421 : memref<1x128xi32, #tpu.memory_space<vmem>> -> memref<128xi32, #tpu.memory_space<vmem>>
        %dma_wait3A_423 = arith.constant 0 : i32
        %dma_wait3A_424 = arith.constant 0 : i32
        %dma_wait3A_425 = tpu.memref_slice %arg3[%dma_wait3A_423, %dma_wait3A_424] : memref<1000000x32xf32, #tpu.memory_space<hbm>> -> memref<1000000x32xf32, #tpu.memory_space<hbm>>
        tpu.wait_indirect_dma semaphore(%arg13 : memref<!tpu.dma_semaphore, #tpu.memory_space<semaphore_mem>>) src(%dma_wait3A_425 : memref<1000000x32xf32, #tpu.memory_space<hbm>>) dst(%dma_wait3A_419 : memref<128x32xf32, #tpu.memory_space<vmem>>)
        %dma_wait3A_426 = arith.constant 7 : i32
        %dma_wait3A_427 = arith.constant 896 : i32
        %dma_wait3A_428 = arith.constant 0 : i32
        %dma_wait3A_429 = tpu.memref_slice %arg7[%dma_wait3A_427, %dma_wait3A_428] : memref<1024x32xf32, #tpu.memory_space<vmem>> -> memref<128x32xf32, #tpu.memory_space<vmem>>
        %dma_wait3A_430 = arith.constant 0 : i32
        %dma_wait3A_431 = tpu.memref_slice %arg5[%dma_wait3A_426, %dma_wait3A_430] : memref<8x128xi32, #tpu.memory_space<vmem>> -> memref<1x128xi32, #tpu.memory_space<vmem>>
        %dma_wait3A_432 = tpu.memref_squeeze %dma_wait3A_431 : memref<1x128xi32, #tpu.memory_space<vmem>> -> memref<128xi32, #tpu.memory_space<vmem>>
        %dma_wait3A_433 = arith.constant 0 : i32
        %dma_wait3A_434 = arith.constant 0 : i32
        %dma_wait3A_435 = tpu.memref_slice %arg3[%dma_wait3A_433, %dma_wait3A_434] : memref<1000000x32xf32, #tpu.memory_space<hbm>> -> memref<1000000x32xf32, #tpu.memory_space<hbm>>
        tpu.wait_indirect_dma semaphore(%arg13 : memref<!tpu.dma_semaphore, #tpu.memory_space<semaphore_mem>>) src(%dma_wait3A_435 : memref<1000000x32xf32, #tpu.memory_space<hbm>>) dst(%dma_wait3A_429 : memref<128x32xf32, #tpu.memory_space<vmem>>)
        %scan3A_436 = arith.constant 0 : i32
        %scan3A_437 = arith.constant 0 : i32
        %scan3A_438 = arith.constant 8 : i32
        %scan3A_439 = arith.addi %scan3A_437, %scan3A_438 : i32
        %scan3A_440 = arith.constant 1 : i32
        scf.for %scan3A_447 = %scan3A_437 to %scan3A_439 step %scan3A_440  : i32 {
          %jit3A_448 = arith.constant 2 : i32
          %eq3A_449 = arith.constant 0 : i32
          %eq3A_450 = arith.cmpi eq, %jit3A_448, %eq3A_449 : i32
          %jit3A_451 = arith.constant 1 : i32
          %select_n3A_452 = arith.select %eq3A_450, %jit3A_451, %jit3A_448 : i32
          %rem3A_453 = arith.remsi %scan3A_447, %select_n3A_452 : i32
          %ne3A_454 = arith.constant 0 : i32
          %ne3A_455 = arith.cmpi ne, %rem3A_453, %ne3A_454 : i32
          %lt3A_456 = arith.constant 0 : i32
          %lt3A_457 = arith.cmpi slt, %rem3A_453, %lt3A_456 : i32
          %lt3A_458 = arith.constant 0 : i32
          %lt3A_459 = arith.cmpi slt, %select_n3A_452, %lt3A_458 : i32
          %ne3A_460 = arith.xori %lt3A_457, %lt3A_459 : i1
          %and3A_461 = arith.andi %ne3A_460, %ne3A_455 : i1
          %add3A_462 = arith.addi %rem3A_453, %select_n3A_452 : i32
          %select_n3A_463 = arith.select %and3A_461, %add3A_462, %rem3A_453 : i32
          %eq3A_464 = arith.constant 0 : i32
          %eq3A_465 = arith.cmpi eq, %select_n3A_463, %eq3A_464 : i32
          %convert_element_type3A_466 = arith.extui %eq3A_465 : i1 to i32
          %cond3A_467 = arith.constant 0 : i32
          %cond3A_468 = arith.cmpi ne, %convert_element_type3A_466, %cond3A_467 : i32
          scf.if %cond3A_468 {
            %gt3A = arith.constant 0 : i32
            %gt3A_490 = arith.cmpi sgt, %scan3A_310, %gt3A : i32
            %ge3A = arith.constant 2 : i32
            %ge3A_491 = arith.cmpi sge, %scan3A_447, %ge3A : i32
            %or3A = arith.ori %gt3A_490, %ge3A_491 : i1
            %convert_element_type3A_492 = arith.extui %or3A : i1 to i32
            %cond3A_493 = arith.constant 0 : i32
            %cond3A_494 = arith.cmpi ne, %convert_element_type3A_492, %cond3A_493 : i32
            scf.if %cond3A_494 {
              %dma_wait3A_607 = arith.constant 0 : i32
              %dma_wait3A_608 = arith.constant 0 : i32
              %dma_wait3A_609 = arith.constant 0 : i32
              %dma_wait3A_610 = arith.constant 0 : i32
              %dma_wait3A_611 = arith.constant 0 : i32
              %dma_wait3A_612 = tpu.memref_slice %arg9[%dma_wait3A_610, %dma_wait3A_611] : memref<32x129xf32, #tpu.memory_space<vmem>> -> memref<8x128xf32, #tpu.memory_space<vmem>>
              %dma_wait3A_613 = arith.constant 0 : i32
              %dma_wait3A_614 = arith.constant 0 : i32
              %dma_wait3A_615 = tpu.memref_slice %arg4[%dma_wait3A_607, %dma_wait3A_608, %dma_wait3A_609, %dma_wait3A_613, %dma_wait3A_614] : memref<200x4x128x8x128xf32, #tpu.memory_space<hbm>> -> memref<1x1x1x8x128xf32, #tpu.memory_space<hbm>>
              %dma_wait3A_616 = tpu.memref_squeeze %dma_wait3A_615 : memref<1x1x1x8x128xf32, #tpu.memory_space<hbm>> -> memref<8x128xf32, #tpu.memory_space<hbm>>
              %dma_wait3A_617 = arith.constant 0 : i32
              %dma_wait3A_618 = arith.constant 0 : i32
              %dma_wait3A_619 = tpu.memref_slice %arg4[%dma_wait3A_607, %dma_wait3A_608, %dma_wait3A_609, %dma_wait3A_617, %dma_wait3A_618] : memref<200x4x128x8x128xf32, #tpu.memory_space<hbm>> -> memref<1x1x1x8x128xf32, #tpu.memory_space<hbm>>
              %dma_wait3A_620 = tpu.memref_squeeze %dma_wait3A_619 : memref<1x1x1x8x128xf32, #tpu.memory_space<hbm>> -> memref<8x128xf32, #tpu.memory_space<hbm>>
              %dma_wait3A_621 = arith.constant 0 : i32
              %dma_wait3A_622 = arith.constant 0 : i32
              %dma_wait3A_623 = tpu.memref_slice %arg9[%dma_wait3A_621, %dma_wait3A_622] : memref<32x129xf32, #tpu.memory_space<vmem>> -> memref<8x128xf32, #tpu.memory_space<vmem>>
              tpu.wait_dma2 semaphore(%arg15 : memref<!tpu.dma_semaphore, #tpu.memory_space<semaphore_mem>>) src(%dma_wait3A_623 : memref<8x128xf32, #tpu.memory_space<vmem>>) dst(%dma_wait3A_620 : memref<8x128xf32, #tpu.memory_space<hbm>>)
              %dma_wait3A_624 = arith.constant 0 : i32
              %dma_wait3A_625 = arith.constant 0 : i32
              %dma_wait3A_626 = arith.constant 0 : i32
              %dma_wait3A_627 = arith.constant 8 : i32
              %dma_wait3A_628 = arith.constant 0 : i32
              %dma_wait3A_629 = tpu.memref_slice %arg9[%dma_wait3A_627, %dma_wait3A_628] : memref<32x129xf32, #tpu.memory_space<vmem>> -> memref<8x128xf32, #tpu.memory_space<vmem>>
              %dma_wait3A_630 = arith.constant 0 : i32
              %dma_wait3A_631 = arith.constant 0 : i32
              %dma_wait3A_632 = tpu.memref_slice %arg4[%dma_wait3A_624, %dma_wait3A_625, %dma_wait3A_626, %dma_wait3A_630, %dma_wait3A_631] : memref<200x4x128x8x128xf32, #tpu.memory_space<hbm>> -> memref<1x1x1x8x128xf32, #tpu.memory_space<hbm>>
              %dma_wait3A_633 = tpu.memref_squeeze %dma_wait3A_632 : memref<1x1x1x8x128xf32, #tpu.memory_space<hbm>> -> memref<8x128xf32, #tpu.memory_space<hbm>>
              %dma_wait3A_634 = arith.constant 0 : i32
              %dma_wait3A_635 = arith.constant 0 : i32
              %dma_wait3A_636 = tpu.memref_slice %arg4[%dma_wait3A_624, %dma_wait3A_625, %dma_wait3A_626, %dma_wait3A_634, %dma_wait3A_635] : memref<200x4x128x8x128xf32, #tpu.memory_space<hbm>> -> memref<1x1x1x8x128xf32, #tpu.memory_space<hbm>>
              %dma_wait3A_637 = tpu.memref_squeeze %dma_wait3A_636 : memref<1x1x1x8x128xf32, #tpu.memory_space<hbm>> -> memref<8x128xf32, #tpu.memory_space<hbm>>
              %dma_wait3A_638 = arith.constant 8 : i32
              %dma_wait3A_639 = arith.constant 0 : i32
              %dma_wait3A_640 = tpu.memref_slice %arg9[%dma_wait3A_638, %dma_wait3A_639] : memref<32x129xf32, #tpu.memory_space<vmem>> -> memref<8x128xf32, #tpu.memory_space<vmem>>
              tpu.wait_dma2 semaphore(%arg15 : memref<!tpu.dma_semaphore, #tpu.memory_space<semaphore_mem>>) src(%dma_wait3A_640 : memref<8x128xf32, #tpu.memory_space<vmem>>) dst(%dma_wait3A_637 : memref<8x128xf32, #tpu.memory_space<hbm>>)
              %dma_wait3A_641 = arith.constant 0 : i32
              %dma_wait3A_642 = arith.constant 0 : i32
              %dma_wait3A_643 = arith.constant 0 : i32
              %dma_wait3A_644 = arith.constant 16 : i32
              %dma_wait3A_645 = arith.constant 0 : i32
              %dma_wait3A_646 = tpu.memref_slice %arg9[%dma_wait3A_644, %dma_wait3A_645] : memref<32x129xf32, #tpu.memory_space<vmem>> -> memref<8x128xf32, #tpu.memory_space<vmem>>
              %dma_wait3A_647 = arith.constant 0 : i32
              %dma_wait3A_648 = arith.constant 0 : i32
              %dma_wait3A_649 = tpu.memref_slice %arg4[%dma_wait3A_641, %dma_wait3A_642, %dma_wait3A_643, %dma_wait3A_647, %dma_wait3A_648] : memref<200x4x128x8x128xf32, #tpu.memory_space<hbm>> -> memref<1x1x1x8x128xf32, #tpu.memory_space<hbm>>
              %dma_wait3A_650 = tpu.memref_squeeze %dma_wait3A_649 : memref<1x1x1x8x128xf32, #tpu.memory_space<hbm>> -> memref<8x128xf32, #tpu.memory_space<hbm>>
              %dma_wait3A_651 = arith.constant 0 : i32
              %dma_wait3A_652 = arith.constant 0 : i32
              %dma_wait3A_653 = tpu.memref_slice %arg4[%dma_wait3A_641, %dma_wait3A_642, %dma_wait3A_643, %dma_wait3A_651, %dma_wait3A_652] : memref<200x4x128x8x128xf32, #tpu.memory_space<hbm>> -> memref<1x1x1x8x128xf32, #tpu.memory_space<hbm>>
              %dma_wait3A_654 = tpu.memref_squeeze %dma_wait3A_653 : memref<1x1x1x8x128xf32, #tpu.memory_space<hbm>> -> memref<8x128xf32, #tpu.memory_space<hbm>>
              %dma_wait3A_655 = arith.constant 16 : i32
              %dma_wait3A_656 = arith.constant 0 : i32
              %dma_wait3A_657 = tpu.memref_slice %arg9[%dma_wait3A_655, %dma_wait3A_656] : memref<32x129xf32, #tpu.memory_space<vmem>> -> memref<8x128xf32, #tpu.memory_space<vmem>>
              tpu.wait_dma2 semaphore(%arg15 : memref<!tpu.dma_semaphore, #tpu.memory_space<semaphore_mem>>) src(%dma_wait3A_657 : memref<8x128xf32, #tpu.memory_space<vmem>>) dst(%dma_wait3A_654 : memref<8x128xf32, #tpu.memory_space<hbm>>)
              %dma_wait3A_658 = arith.constant 0 : i32
              %dma_wait3A_659 = arith.constant 0 : i32
              %dma_wait3A_660 = arith.constant 0 : i32
              %dma_wait3A_661 = arith.constant 24 : i32
              %dma_wait3A_662 = arith.constant 0 : i32
              %dma_wait3A_663 = tpu.memref_slice %arg9[%dma_wait3A_661, %dma_wait3A_662] : memref<32x129xf32, #tpu.memory_space<vmem>> -> memref<8x128xf32, #tpu.memory_space<vmem>>
              %dma_wait3A_664 = arith.constant 0 : i32
              %dma_wait3A_665 = arith.constant 0 : i32
              %dma_wait3A_666 = tpu.memref_slice %arg4[%dma_wait3A_658, %dma_wait3A_659, %dma_wait3A_660, %dma_wait3A_664, %dma_wait3A_665] : memref<200x4x128x8x128xf32, #tpu.memory_space<hbm>> -> memref<1x1x1x8x128xf32, #tpu.memory_space<hbm>>
              %dma_wait3A_667 = tpu.memref_squeeze %dma_wait3A_666 : memref<1x1x1x8x128xf32, #tpu.memory_space<hbm>> -> memref<8x128xf32, #tpu.memory_space<hbm>>
              %dma_wait3A_668 = arith.constant 0 : i32
              %dma_wait3A_669 = arith.constant 0 : i32
              %dma_wait3A_670 = tpu.memref_slice %arg4[%dma_wait3A_658, %dma_wait3A_659, %dma_wait3A_660, %dma_wait3A_668, %dma_wait3A_669] : memref<200x4x128x8x128xf32, #tpu.memory_space<hbm>> -> memref<1x1x1x8x128xf32, #tpu.memory_space<hbm>>
              %dma_wait3A_671 = tpu.memref_squeeze %dma_wait3A_670 : memref<1x1x1x8x128xf32, #tpu.memory_space<hbm>> -> memref<8x128xf32, #tpu.memory_space<hbm>>
              %dma_wait3A_672 = arith.constant 24 : i32
              %dma_wait3A_673 = arith.constant 0 : i32
              %dma_wait3A_674 = tpu.memref_slice %arg9[%dma_wait3A_672, %dma_wait3A_673] : memref<32x129xf32, #tpu.memory_space<vmem>> -> memref<8x128xf32, #tpu.memory_space<vmem>>
              tpu.wait_dma2 semaphore(%arg15 : memref<!tpu.dma_semaphore, #tpu.memory_space<semaphore_mem>>) src(%dma_wait3A_674 : memref<8x128xf32, #tpu.memory_space<vmem>>) dst(%dma_wait3A_671 : memref<8x128xf32, #tpu.memory_space<hbm>>)
            } else {
            }
            %mul3A_495 = arith.constant 128 : i32
            %mul3A_496 = arith.muli %scan3A_447, %mul3A_495 : i32
            %scan3A_497 = arith.constant 0 : i32
            %scan3A_498 = arith.constant 0 : i32
            %scan3A_499 = arith.constant 32 : i32
            %scan3A_500 = arith.addi %scan3A_498, %scan3A_499 : i32
            %scan3A_501 = arith.constant 1 : i32
            scf.for %scan3A_607 = %scan3A_498 to %scan3A_500 step %scan3A_501  : i32 {
              %mul3A_608 = arith.constant 4 : i32
              %mul3A_609 = arith.muli %mul3A_608, %scan3A_607 : i32
              %add3A_610 = arith.addi %mul3A_496, %mul3A_609 : i32
              %add3A_611 = arith.constant 0 : i32
              %add3A_612 = arith.addi %add3A_610, %add3A_611 : i32
              %get3A = arith.index_cast %add3A_612 : i32 to index
              %get3A_613 = arith.constant 0 : index
              %get3A_614 = tpu.vector_load %arg7[%get3A, %get3A_613] {strides = array<i32>} : memref<1024x32xf32, #tpu.memory_space<vmem>>, vector<16xf32>,
              %add3A_615 = arith.addi %mul3A_496, %mul3A_609 : i32
              %add3A_616 = arith.constant 0 : i32
              %add3A_617 = arith.addi %add3A_615, %add3A_616 : i32
              %get3A_618 = arith.index_cast %add3A_617 : i32 to index
              %get3A_619 = arith.constant 16 : index
              %get3A_620 = tpu.vector_load %arg7[%get3A_618, %get3A_619] {strides = array<i32>} : memref<1024x32xf32, #tpu.memory_space<vmem>>, vector<16xf32>,
              %add3A_621 = arith.addi %mul3A_496, %mul3A_609 : i32
              %add3A_622 = arith.constant 1 : i32
              %add3A_623 = arith.addi %add3A_621, %add3A_622 : i32
              %get3A_624 = arith.index_cast %add3A_623 : i32 to index
              %get3A_625 = arith.constant 0 : index
              %get3A_626 = tpu.vector_load %arg7[%get3A_624, %get3A_625] {strides = array<i32>} : memref<1024x32xf32, #tpu.memory_space<vmem>>, vector<16xf32>,
              %add3A_627 = arith.addi %mul3A_496, %mul3A_609 : i32
              %add3A_628 = arith.constant 1 : i32
              %add3A_629 = arith.addi %add3A_627, %add3A_628 : i32
              %get3A_630 = arith.index_cast %add3A_629 : i32 to index
              %get3A_631 = arith.constant 16 : index
              %get3A_632 = tpu.vector_load %arg7[%get3A_630, %get3A_631] {strides = array<i32>} : memref<1024x32xf32, #tpu.memory_space<vmem>>, vector<16xf32>,
              %add3A_633 = arith.addi %mul3A_496, %mul3A_609 : i32
              %add3A_634 = arith.constant 2 : i32
              %add3A_635 = arith.addi %add3A_633, %add3A_634 : i32
              %get3A_636 = arith.index_cast %add3A_635 : i32 to index
              %get3A_637 = arith.constant 0 : index
              %get3A_638 = tpu.vector_load %arg7[%get3A_636, %get3A_637] {strides = array<i32>} : memref<1024x32xf32, #tpu.memory_space<vmem>>, vector<16xf32>,
              %add3A_639 = arith.addi %mul3A_496, %mul3A_609 : i32
              %add3A_640 = arith.constant 2 : i32
              %add3A_641 = arith.addi %add3A_639, %add3A_640 : i32
              %get3A_642 = arith.index_cast %add3A_641 : i32 to index
              %get3A_643 = arith.constant 16 : index
              %get3A_644 = tpu.vector_load %arg7[%get3A_642, %get3A_643] {strides = array<i32>} : memref<1024x32xf32, #tpu.memory_space<vmem>>, vector<16xf32>,
              %add3A_645 = arith.addi %mul3A_496, %mul3A_609 : i32
              %add3A_646 = arith.constant 3 : i32
              %add3A_647 = arith.addi %add3A_645, %add3A_646 : i32
              %get3A_648 = arith.index_cast %add3A_647 : i32 to index
              %get3A_649 = arith.constant 0 : index
              %get3A_650 = tpu.vector_load %arg7[%get3A_648, %get3A_649] {strides = array<i32>} : memref<1024x32xf32, #tpu.memory_space<vmem>>, vector<16xf32>,
              %add3A_651 = arith.addi %mul3A_496, %mul3A_609 : i32
              %add3A_652 = arith.constant 3 : i32
              %add3A_653 = arith.addi %add3A_651, %add3A_652 : i32
              %get3A_654 = arith.index_cast %add3A_653 : i32 to index
              %get3A_655 = arith.constant 16 : index
              %get3A_656 = tpu.vector_load %arg7[%get3A_654, %get3A_655] {strides = array<i32>} : memref<1024x32xf32, #tpu.memory_space<vmem>>, vector<16xf32>,
              %add3A_657 = arith.constant 0 : i32
              %add3A_658 = arith.addi %mul3A_609, %add3A_657 : i32
              %broadcast_in_dim3A = vector.broadcast %add3A_658 : i32 to vector<16xi32>
              tpu.vector_store_idx %arg9[%add3A_5, %broadcast_in_dim3A], %get3A_614 : memref<32x129xf32, #tpu.memory_space<vmem>>[vector<16xi32>, vector<16xi32>], vector<16xf32>,
              tpu.vector_store_idx %arg9[%add3A_8, %broadcast_in_dim3A], %get3A_620 : memref<32x129xf32, #tpu.memory_space<vmem>>[vector<16xi32>, vector<16xi32>], vector<16xf32>,
              %add3A_659 = arith.constant 1 : i32
              %add3A_660 = arith.addi %mul3A_609, %add3A_659 : i32
              %broadcast_in_dim3A_661 = vector.broadcast %add3A_660 : i32 to vector<16xi32>
              tpu.vector_store_idx %arg9[%add3A_5, %broadcast_in_dim3A_661], %get3A_626 : memref<32x129xf32, #tpu.memory_space<vmem>>[vector<16xi32>, vector<16xi32>], vector<16xf32>,
              tpu.vector_store_idx %arg9[%add3A_8, %broadcast_in_dim3A_661], %get3A_632 : memref<32x129xf32, #tpu.memory_space<vmem>>[vector<16xi32>, vector<16xi32>], vector<16xf32>,
              %add3A_662 = arith.constant 2 : i32
              %add3A_663 = arith.addi %mul3A_609, %add3A_662 : i32
              %broadcast_in_dim3A_664 = vector.broadcast %add3A_663 : i32 to vector<16xi32>
              tpu.vector_store_idx %arg9[%add3A_5, %broadcast_in_dim3A_664], %get3A_638 : memref<32x129xf32, #tpu.memory_space<vmem>>[vector<16xi32>, vector<16xi32>], vector<16xf32>,
              tpu.vector_store_idx %arg9[%add3A_8, %broadcast_in_dim3A_664], %get3A_644 : memref<32x129xf32, #tpu.memory_space<vmem>>[vector<16xi32>, vector<16xi32>], vector<16xf32>,
              %add3A_665 = arith.constant 3 : i32
              %add3A_666 = arith.addi %mul3A_609, %add3A_665 : i32
              %broadcast_in_dim3A_667 = vector.broadcast %add3A_666 : i32 to vector<16xi32>
              tpu.vector_store_idx %arg9[%add3A_5, %broadcast_in_dim3A_667], %get3A_650 : memref<32x129xf32, #tpu.memory_space<vmem>>[vector<16xi32>, vector<16xi32>], vector<16xf32>,
              tpu.vector_store_idx %arg9[%add3A_8, %broadcast_in_dim3A_667], %get3A_656 : memref<32x129xf32, #tpu.memory_space<vmem>>[vector<16xi32>, vector<16xi32>], vector<16xf32>,
            }
            %scan3A_502 = arith.constant 32 : i32
            %add3A_503 = arith.addi %mul3A_2, %scan3A_310 : i32
            %jit3A_504 = arith.constant 128 : i32
            %div3A_505 = arith.divsi %add3A_503, %jit3A_504 : i32
            %sign3A_506 = arith.constant 0 : i32
            %sign3A_507 = arith.cmpi sgt, %add3A_503, %sign3A_506 : i32
            %sign3A_508 = arith.extui %sign3A_507 : i1 to i32
            %sign3A_509 = arith.constant 0 : i32
            %sign3A_510 = arith.cmpi slt, %add3A_503, %sign3A_509 : i32
            %sign3A_511 = arith.extui %sign3A_510 : i1 to i32
            %sign3A_512 = arith.subi %sign3A_508, %sign3A_511 : i32
            %sign3A_513 = arith.constant 0 : i32
            %sign3A_514 = arith.cmpi sgt, %jit3A_504, %sign3A_513 : i32
            %sign3A_515 = arith.extui %sign3A_514 : i1 to i32
            %sign3A_516 = arith.constant 0 : i32
            %sign3A_517 = arith.cmpi slt, %jit3A_504, %sign3A_516 : i32
            %sign3A_518 = arith.extui %sign3A_517 : i1 to i32
            %sign3A_519 = arith.subi %sign3A_515, %sign3A_518 : i32
            %ne3A_520 = arith.cmpi ne, %sign3A_512, %sign3A_519 : i32
            %rem3A_521 = arith.remsi %add3A_503, %jit3A_504 : i32
            %ne3A_522 = arith.constant 0 : i32
            %ne3A_523 = arith.cmpi ne, %rem3A_521, %ne3A_522 : i32
            %and3A_524 = arith.andi %ne3A_520, %ne3A_523 : i1
            %sub3A_525 = arith.constant 1 : i32
            %sub3A_526 = arith.subi %div3A_505, %sub3A_525 : i32
            %select_n3A_527 = arith.select %and3A_524, %sub3A_526, %div3A_505 : i32
            %mul3A_528 = arith.constant 8 : i32
            %mul3A_529 = arith.muli %select_n3A_527, %mul3A_528 : i32
            %add3A_530 = arith.addi %mul3A_529, %scan3A_447 : i32
            %jit3A_531 = arith.constant 128 : i32
            %eq3A_532 = arith.constant 0 : i32
            %eq3A_533 = arith.cmpi eq, %jit3A_531, %eq3A_532 : i32
            %jit3A_534 = arith.constant 1 : i32
            %select_n3A_535 = arith.select %eq3A_533, %jit3A_534, %jit3A_531 : i32
            %rem3A_536 = arith.remsi %add3A_503, %select_n3A_535 : i32
            %ne3A_537 = arith.constant 0 : i32
            %ne3A_538 = arith.cmpi ne, %rem3A_536, %ne3A_537 : i32
            %lt3A_539 = arith.constant 0 : i32
            %lt3A_540 = arith.cmpi slt, %rem3A_536, %lt3A_539 : i32
            %lt3A_541 = arith.constant 0 : i32
            %lt3A_542 = arith.cmpi slt, %select_n3A_535, %lt3A_541 : i32
            %ne3A_543 = arith.xori %lt3A_540, %lt3A_542 : i1
            %and3A_544 = arith.andi %ne3A_543, %ne3A_538 : i1
            %add3A_545 = arith.addi %rem3A_536, %select_n3A_535 : i32
            %select_n3A_546 = arith.select %and3A_544, %add3A_545, %rem3A_536 : i32
            %dma_start3A_547 = arith.constant 0 : i32
            %dma_start3A_548 = arith.constant 0 : i32
            %dma_start3A_549 = arith.constant 0 : i32
            %dma_start3A_550 = tpu.memref_slice %arg9[%dma_start3A_548, %dma_start3A_549] : memref<32x129xf32, #tpu.memory_space<vmem>> -> memref<8x128xf32, #tpu.memory_space<vmem>>
            %dma_start3A_551 = arith.constant 0 : i32
            %dma_start3A_552 = arith.constant 0 : i32
            %dma_start3A_553 = tpu.memref_slice %arg4[%add3A_530, %dma_start3A_547, %select_n3A_546, %dma_start3A_551, %dma_start3A_552] : memref<200x4x128x8x128xf32, #tpu.memory_space<hbm>> -> memref<1x1x1x8x128xf32, #tpu.memory_space<hbm>>
            %dma_start3A_554 = tpu.memref_squeeze %dma_start3A_553 : memref<1x1x1x8x128xf32, #tpu.memory_space<hbm>> -> memref<8x128xf32, #tpu.memory_space<hbm>>
            %dma_start3A_555 = arith.constant 0 : i32
            %dma_start3A_556 = arith.constant 0 : i32
            %dma_start3A_557 = tpu.memref_slice %arg4[%add3A_530, %dma_start3A_547, %select_n3A_546, %dma_start3A_555, %dma_start3A_556] : memref<200x4x128x8x128xf32, #tpu.memory_space<hbm>> -> memref<1x1x1x8x128xf32, #tpu.memory_space<hbm>>
            %dma_start3A_558 = tpu.memref_squeeze %dma_start3A_557 : memref<1x1x1x8x128xf32, #tpu.memory_space<hbm>> -> memref<8x128xf32, #tpu.memory_space<hbm>>
            %dma_start3A_559 = arith.constant 0 : i32
            %dma_start3A_560 = arith.constant 0 : i32
            %dma_start3A_561 = tpu.memref_slice %arg9[%dma_start3A_559, %dma_start3A_560] : memref<32x129xf32, #tpu.memory_space<vmem>> -> memref<8x128xf32, #tpu.memory_space<vmem>>
            tpu.enqueue_dma source(%dma_start3A_561 : memref<8x128xf32, #tpu.memory_space<vmem>>) target(%dma_start3A_558 : memref<8x128xf32, #tpu.memory_space<hbm>>) target_semaphore(%arg15 : memref<!tpu.dma_semaphore, #tpu.memory_space<semaphore_mem>>)
            %dma_start3A_562 = arith.constant 1 : i32
            %dma_start3A_563 = arith.constant 8 : i32
            %dma_start3A_564 = arith.constant 0 : i32
            %dma_start3A_565 = tpu.memref_slice %arg9[%dma_start3A_563, %dma_start3A_564] : memref<32x129xf32, #tpu.memory_space<vmem>> -> memref<8x128xf32, #tpu.memory_space<vmem>>
            %dma_start3A_566 = arith.constant 0 : i32
            %dma_start3A_567 = arith.constant 0 : i32
            %dma_start3A_568 = tpu.memref_slice %arg4[%add3A_530, %dma_start3A_562, %select_n3A_546, %dma_start3A_566, %dma_start3A_567] : memref<200x4x128x8x128xf32, #tpu.memory_space<hbm>> -> memref<1x1x1x8x128xf32, #tpu.memory_space<hbm>>
            %dma_start3A_569 = tpu.memref_squeeze %dma_start3A_568 : memref<1x1x1x8x128xf32, #tpu.memory_space<hbm>> -> memref<8x128xf32, #tpu.memory_space<hbm>>
            %dma_start3A_570 = arith.constant 0 : i32
            %dma_start3A_571 = arith.constant 0 : i32
            %dma_start3A_572 = tpu.memref_slice %arg4[%add3A_530, %dma_start3A_562, %select_n3A_546, %dma_start3A_570, %dma_start3A_571] : memref<200x4x128x8x128xf32, #tpu.memory_space<hbm>> -> memref<1x1x1x8x128xf32, #tpu.memory_space<hbm>>
            %dma_start3A_573 = tpu.memref_squeeze %dma_start3A_572 : memref<1x1x1x8x128xf32, #tpu.memory_space<hbm>> -> memref<8x128xf32, #tpu.memory_space<hbm>>
            %dma_start3A_574 = arith.constant 8 : i32
            %dma_start3A_575 = arith.constant 0 : i32
            %dma_start3A_576 = tpu.memref_slice %arg9[%dma_start3A_574, %dma_start3A_575] : memref<32x129xf32, #tpu.memory_space<vmem>> -> memref<8x128xf32, #tpu.memory_space<vmem>>
            tpu.enqueue_dma source(%dma_start3A_576 : memref<8x128xf32, #tpu.memory_space<vmem>>) target(%dma_start3A_573 : memref<8x128xf32, #tpu.memory_space<hbm>>) target_semaphore(%arg15 : memref<!tpu.dma_semaphore, #tpu.memory_space<semaphore_mem>>)
            %dma_start3A_577 = arith.constant 2 : i32
            %dma_start3A_578 = arith.constant 16 : i32
            %dma_start3A_579 = arith.constant 0 : i32
            %dma_start3A_580 = tpu.memref_slice %arg9[%dma_start3A_578, %dma_start3A_579] : memref<32x129xf32, #tpu.memory_space<vmem>> -> memref<8x128xf32, #tpu.memory_space<vmem>>
            %dma_start3A_581 = arith.constant 0 : i32
            %dma_start3A_582 = arith.constant 0 : i32
            %dma_start3A_583 = tpu.memref_slice %arg4[%add3A_530, %dma_start3A_577, %select_n3A_546, %dma_start3A_581, %dma_start3A_582] : memref<200x4x128x8x128xf32, #tpu.memory_space<hbm>> -> memref<1x1x1x8x128xf32, #tpu.memory_space<hbm>>
            %dma_start3A_584 = tpu.memref_squeeze %dma_start3A_583 : memref<1x1x1x8x128xf32, #tpu.memory_space<hbm>> -> memref<8x128xf32, #tpu.memory_space<hbm>>
            %dma_start3A_585 = arith.constant 0 : i32
            %dma_start3A_586 = arith.constant 0 : i32
            %dma_start3A_587 = tpu.memref_slice %arg4[%add3A_530, %dma_start3A_577, %select_n3A_546, %dma_start3A_585, %dma_start3A_586] : memref<200x4x128x8x128xf32, #tpu.memory_space<hbm>> -> memref<1x1x1x8x128xf32, #tpu.memory_space<hbm>>
            %dma_start3A_588 = tpu.memref_squeeze %dma_start3A_587 : memref<1x1x1x8x128xf32, #tpu.memory_space<hbm>> -> memref<8x128xf32, #tpu.memory_space<hbm>>
            %dma_start3A_589 = arith.constant 16 : i32
            %dma_start3A_590 = arith.constant 0 : i32
            %dma_start3A_591 = tpu.memref_slice %arg9[%dma_start3A_589, %dma_start3A_590] : memref<32x129xf32, #tpu.memory_space<vmem>> -> memref<8x128xf32, #tpu.memory_space<vmem>>
            tpu.enqueue_dma source(%dma_start3A_591 : memref<8x128xf32, #tpu.memory_space<vmem>>) target(%dma_start3A_588 : memref<8x128xf32, #tpu.memory_space<hbm>>) target_semaphore(%arg15 : memref<!tpu.dma_semaphore, #tpu.memory_space<semaphore_mem>>)
            %dma_start3A_592 = arith.constant 3 : i32
            %dma_start3A_593 = arith.constant 24 : i32
            %dma_start3A_594 = arith.constant 0 : i32
            %dma_start3A_595 = tpu.memref_slice %arg9[%dma_start3A_593, %dma_start3A_594] : memref<32x129xf32, #tpu.memory_space<vmem>> -> memref<8x128xf32, #tpu.memory_space<vmem>>
            %dma_start3A_596 = arith.constant 0 : i32
            %dma_start3A_597 = arith.constant 0 : i32
            %dma_start3A_598 = tpu.memref_slice %arg4[%add3A_530, %dma_start3A_592, %select_n3A_546, %dma_start3A_596, %dma_start3A_597] : memref<200x4x128x8x128xf32, #tpu.memory_space<hbm>> -> memref<1x1x1x8x128xf32, #tpu.memory_space<hbm>>
            %dma_start3A_599 = tpu.memref_squeeze %dma_start3A_598 : memref<1x1x1x8x128xf32, #tpu.memory_space<hbm>> -> memref<8x128xf32, #tpu.memory_space<hbm>>
            %dma_start3A_600 = arith.constant 0 : i32
            %dma_start3A_601 = arith.constant 0 : i32
            %dma_start3A_602 = tpu.memref_slice %arg4[%add3A_530, %dma_start3A_592, %select_n3A_546, %dma_start3A_600, %dma_start3A_601] : memref<200x4x128x8x128xf32, #tpu.memory_space<hbm>> -> memref<1x1x1x8x128xf32, #tpu.memory_space<hbm>>
            %dma_start3A_603 = tpu.memref_squeeze %dma_start3A_602 : memref<1x1x1x8x128xf32, #tpu.memory_space<hbm>> -> memref<8x128xf32, #tpu.memory_space<hbm>>
            %dma_start3A_604 = arith.constant 24 : i32
            %dma_start3A_605 = arith.constant 0 : i32
            %dma_start3A_606 = tpu.memref_slice %arg9[%dma_start3A_604, %dma_start3A_605] : memref<32x129xf32, #tpu.memory_space<vmem>> -> memref<8x128xf32, #tpu.memory_space<vmem>>
            tpu.enqueue_dma source(%dma_start3A_606 : memref<8x128xf32, #tpu.memory_space<vmem>>) target(%dma_start3A_603 : memref<8x128xf32, #tpu.memory_space<hbm>>) target_semaphore(%arg15 : memref<!tpu.dma_semaphore, #tpu.memory_space<semaphore_mem>>)
          } else {
          }
          %jit3A_469 = arith.constant 2 : i32
          %eq3A_470 = arith.constant 0 : i32
          %eq3A_471 = arith.cmpi eq, %jit3A_469, %eq3A_470 : i32
          %jit3A_472 = arith.constant 1 : i32
          %select_n3A_473 = arith.select %eq3A_471, %jit3A_472, %jit3A_469 : i32
          %rem3A_474 = arith.remsi %scan3A_447, %select_n3A_473 : i32
          %ne3A_475 = arith.constant 0 : i32
          %ne3A_476 = arith.cmpi ne, %rem3A_474, %ne3A_475 : i32
          %lt3A_477 = arith.constant 0 : i32
          %lt3A_478 = arith.cmpi slt, %rem3A_474, %lt3A_477 : i32
          %lt3A_479 = arith.constant 0 : i32
          %lt3A_480 = arith.cmpi slt, %select_n3A_473, %lt3A_479 : i32
          %ne3A_481 = arith.xori %lt3A_478, %lt3A_480 : i1
          %and3A_482 = arith.andi %ne3A_481, %ne3A_476 : i1
          %add3A_483 = arith.addi %rem3A_474, %select_n3A_473 : i32
          %select_n3A_484 = arith.select %and3A_482, %add3A_483, %rem3A_474 : i32
          %eq3A_485 = arith.constant 1 : i32
          %eq3A_486 = arith.cmpi eq, %select_n3A_484, %eq3A_485 : i32
          %convert_element_type3A_487 = arith.extui %eq3A_486 : i1 to i32
          %cond3A_488 = arith.constant 0 : i32
          %cond3A_489 = arith.cmpi ne, %convert_element_type3A_487, %cond3A_488 : i32
          scf.if %cond3A_489 {
            %gt3A = arith.constant 0 : i32
            %gt3A_490 = arith.cmpi sgt, %scan3A_310, %gt3A : i32
            %ge3A = arith.constant 2 : i32
            %ge3A_491 = arith.cmpi sge, %scan3A_447, %ge3A : i32
            %or3A = arith.ori %gt3A_490, %ge3A_491 : i1
            %convert_element_type3A_492 = arith.extui %or3A : i1 to i32
            %cond3A_493 = arith.constant 0 : i32
            %cond3A_494 = arith.cmpi ne, %convert_element_type3A_492, %cond3A_493 : i32
            scf.if %cond3A_494 {
              %dma_wait3A_607 = arith.constant 0 : i32
              %dma_wait3A_608 = arith.constant 0 : i32
              %dma_wait3A_609 = arith.constant 0 : i32
              %dma_wait3A_610 = arith.constant 0 : i32
              %dma_wait3A_611 = arith.constant 0 : i32
              %dma_wait3A_612 = tpu.memref_slice %arg10[%dma_wait3A_610, %dma_wait3A_611] : memref<32x129xf32, #tpu.memory_space<vmem>> -> memref<8x128xf32, #tpu.memory_space<vmem>>
              %dma_wait3A_613 = arith.constant 0 : i32
              %dma_wait3A_614 = arith.constant 0 : i32
              %dma_wait3A_615 = tpu.memref_slice %arg4[%dma_wait3A_607, %dma_wait3A_608, %dma_wait3A_609, %dma_wait3A_613, %dma_wait3A_614] : memref<200x4x128x8x128xf32, #tpu.memory_space<hbm>> -> memref<1x1x1x8x128xf32, #tpu.memory_space<hbm>>
              %dma_wait3A_616 = tpu.memref_squeeze %dma_wait3A_615 : memref<1x1x1x8x128xf32, #tpu.memory_space<hbm>> -> memref<8x128xf32, #tpu.memory_space<hbm>>
              %dma_wait3A_617 = arith.constant 0 : i32
              %dma_wait3A_618 = arith.constant 0 : i32
              %dma_wait3A_619 = tpu.memref_slice %arg4[%dma_wait3A_607, %dma_wait3A_608, %dma_wait3A_609, %dma_wait3A_617, %dma_wait3A_618] : memref<200x4x128x8x128xf32, #tpu.memory_space<hbm>> -> memref<1x1x1x8x128xf32, #tpu.memory_space<hbm>>
              %dma_wait3A_620 = tpu.memref_squeeze %dma_wait3A_619 : memref<1x1x1x8x128xf32, #tpu.memory_space<hbm>> -> memref<8x128xf32, #tpu.memory_space<hbm>>
              %dma_wait3A_621 = arith.constant 0 : i32
              %dma_wait3A_622 = arith.constant 0 : i32
              %dma_wait3A_623 = tpu.memref_slice %arg10[%dma_wait3A_621, %dma_wait3A_622] : memref<32x129xf32, #tpu.memory_space<vmem>> -> memref<8x128xf32, #tpu.memory_space<vmem>>
              tpu.wait_dma2 semaphore(%arg16 : memref<!tpu.dma_semaphore, #tpu.memory_space<semaphore_mem>>) src(%dma_wait3A_623 : memref<8x128xf32, #tpu.memory_space<vmem>>) dst(%dma_wait3A_620 : memref<8x128xf32, #tpu.memory_space<hbm>>)
              %dma_wait3A_624 = arith.constant 0 : i32
              %dma_wait3A_625 = arith.constant 0 : i32
              %dma_wait3A_626 = arith.constant 0 : i32
              %dma_wait3A_627 = arith.constant 8 : i32
              %dma_wait3A_628 = arith.constant 0 : i32
              %dma_wait3A_629 = tpu.memref_slice %arg10[%dma_wait3A_627, %dma_wait3A_628] : memref<32x129xf32, #tpu.memory_space<vmem>> -> memref<8x128xf32, #tpu.memory_space<vmem>>
              %dma_wait3A_630 = arith.constant 0 : i32
              %dma_wait3A_631 = arith.constant 0 : i32
              %dma_wait3A_632 = tpu.memref_slice %arg4[%dma_wait3A_624, %dma_wait3A_625, %dma_wait3A_626, %dma_wait3A_630, %dma_wait3A_631] : memref<200x4x128x8x128xf32, #tpu.memory_space<hbm>> -> memref<1x1x1x8x128xf32, #tpu.memory_space<hbm>>
              %dma_wait3A_633 = tpu.memref_squeeze %dma_wait3A_632 : memref<1x1x1x8x128xf32, #tpu.memory_space<hbm>> -> memref<8x128xf32, #tpu.memory_space<hbm>>
              %dma_wait3A_634 = arith.constant 0 : i32
              %dma_wait3A_635 = arith.constant 0 : i32
              %dma_wait3A_636 = tpu.memref_slice %arg4[%dma_wait3A_624, %dma_wait3A_625, %dma_wait3A_626, %dma_wait3A_634, %dma_wait3A_635] : memref<200x4x128x8x128xf32, #tpu.memory_space<hbm>> -> memref<1x1x1x8x128xf32, #tpu.memory_space<hbm>>
              %dma_wait3A_637 = tpu.memref_squeeze %dma_wait3A_636 : memref<1x1x1x8x128xf32, #tpu.memory_space<hbm>> -> memref<8x128xf32, #tpu.memory_space<hbm>>
              %dma_wait3A_638 = arith.constant 8 : i32
              %dma_wait3A_639 = arith.constant 0 : i32
              %dma_wait3A_640 = tpu.memref_slice %arg10[%dma_wait3A_638, %dma_wait3A_639] : memref<32x129xf32, #tpu.memory_space<vmem>> -> memref<8x128xf32, #tpu.memory_space<vmem>>
              tpu.wait_dma2 semaphore(%arg16 : memref<!tpu.dma_semaphore, #tpu.memory_space<semaphore_mem>>) src(%dma_wait3A_640 : memref<8x128xf32, #tpu.memory_space<vmem>>) dst(%dma_wait3A_637 : memref<8x128xf32, #tpu.memory_space<hbm>>)
              %dma_wait3A_641 = arith.constant 0 : i32
              %dma_wait3A_642 = arith.constant 0 : i32
              %dma_wait3A_643 = arith.constant 0 : i32
              %dma_wait3A_644 = arith.constant 16 : i32
              %dma_wait3A_645 = arith.constant 0 : i32
              %dma_wait3A_646 = tpu.memref_slice %arg10[%dma_wait3A_644, %dma_wait3A_645] : memref<32x129xf32, #tpu.memory_space<vmem>> -> memref<8x128xf32, #tpu.memory_space<vmem>>
              %dma_wait3A_647 = arith.constant 0 : i32
              %dma_wait3A_648 = arith.constant 0 : i32
              %dma_wait3A_649 = tpu.memref_slice %arg4[%dma_wait3A_641, %dma_wait3A_642, %dma_wait3A_643, %dma_wait3A_647, %dma_wait3A_648] : memref<200x4x128x8x128xf32, #tpu.memory_space<hbm>> -> memref<1x1x1x8x128xf32, #tpu.memory_space<hbm>>
              %dma_wait3A_650 = tpu.memref_squeeze %dma_wait3A_649 : memref<1x1x1x8x128xf32, #tpu.memory_space<hbm>> -> memref<8x128xf32, #tpu.memory_space<hbm>>
              %dma_wait3A_651 = arith.constant 0 : i32
              %dma_wait3A_652 = arith.constant 0 : i32
              %dma_wait3A_653 = tpu.memref_slice %arg4[%dma_wait3A_641, %dma_wait3A_642, %dma_wait3A_643, %dma_wait3A_651, %dma_wait3A_652] : memref<200x4x128x8x128xf32, #tpu.memory_space<hbm>> -> memref<1x1x1x8x128xf32, #tpu.memory_space<hbm>>
              %dma_wait3A_654 = tpu.memref_squeeze %dma_wait3A_653 : memref<1x1x1x8x128xf32, #tpu.memory_space<hbm>> -> memref<8x128xf32, #tpu.memory_space<hbm>>
              %dma_wait3A_655 = arith.constant 16 : i32
              %dma_wait3A_656 = arith.constant 0 : i32
              %dma_wait3A_657 = tpu.memref_slice %arg10[%dma_wait3A_655, %dma_wait3A_656] : memref<32x129xf32, #tpu.memory_space<vmem>> -> memref<8x128xf32, #tpu.memory_space<vmem>>
              tpu.wait_dma2 semaphore(%arg16 : memref<!tpu.dma_semaphore, #tpu.memory_space<semaphore_mem>>) src(%dma_wait3A_657 : memref<8x128xf32, #tpu.memory_space<vmem>>) dst(%dma_wait3A_654 : memref<8x128xf32, #tpu.memory_space<hbm>>)
              %dma_wait3A_658 = arith.constant 0 : i32
              %dma_wait3A_659 = arith.constant 0 : i32
              %dma_wait3A_660 = arith.constant 0 : i32
              %dma_wait3A_661 = arith.constant 24 : i32
              %dma_wait3A_662 = arith.constant 0 : i32
              %dma_wait3A_663 = tpu.memref_slice %arg10[%dma_wait3A_661, %dma_wait3A_662] : memref<32x129xf32, #tpu.memory_space<vmem>> -> memref<8x128xf32, #tpu.memory_space<vmem>>
              %dma_wait3A_664 = arith.constant 0 : i32
              %dma_wait3A_665 = arith.constant 0 : i32
              %dma_wait3A_666 = tpu.memref_slice %arg4[%dma_wait3A_658, %dma_wait3A_659, %dma_wait3A_660, %dma_wait3A_664, %dma_wait3A_665] : memref<200x4x128x8x128xf32, #tpu.memory_space<hbm>> -> memref<1x1x1x8x128xf32, #tpu.memory_space<hbm>>
              %dma_wait3A_667 = tpu.memref_squeeze %dma_wait3A_666 : memref<1x1x1x8x128xf32, #tpu.memory_space<hbm>> -> memref<8x128xf32, #tpu.memory_space<hbm>>
              %dma_wait3A_668 = arith.constant 0 : i32
              %dma_wait3A_669 = arith.constant 0 : i32
              %dma_wait3A_670 = tpu.memref_slice %arg4[%dma_wait3A_658, %dma_wait3A_659, %dma_wait3A_660, %dma_wait3A_668, %dma_wait3A_669] : memref<200x4x128x8x128xf32, #tpu.memory_space<hbm>> -> memref<1x1x1x8x128xf32, #tpu.memory_space<hbm>>
              %dma_wait3A_671 = tpu.memref_squeeze %dma_wait3A_670 : memref<1x1x1x8x128xf32, #tpu.memory_space<hbm>> -> memref<8x128xf32, #tpu.memory_space<hbm>>
              %dma_wait3A_672 = arith.constant 24 : i32
              %dma_wait3A_673 = arith.constant 0 : i32
              %dma_wait3A_674 = tpu.memref_slice %arg10[%dma_wait3A_672, %dma_wait3A_673] : memref<32x129xf32, #tpu.memory_space<vmem>> -> memref<8x128xf32, #tpu.memory_space<vmem>>
              tpu.wait_dma2 semaphore(%arg16 : memref<!tpu.dma_semaphore, #tpu.memory_space<semaphore_mem>>) src(%dma_wait3A_674 : memref<8x128xf32, #tpu.memory_space<vmem>>) dst(%dma_wait3A_671 : memref<8x128xf32, #tpu.memory_space<hbm>>)
            } else {
            }
            %mul3A_495 = arith.constant 128 : i32
            %mul3A_496 = arith.muli %scan3A_447, %mul3A_495 : i32
            %scan3A_497 = arith.constant 0 : i32
            %scan3A_498 = arith.constant 0 : i32
            %scan3A_499 = arith.constant 32 : i32
            %scan3A_500 = arith.addi %scan3A_498, %scan3A_499 : i32
            %scan3A_501 = arith.constant 1 : i32
            scf.for %scan3A_607 = %scan3A_498 to %scan3A_500 step %scan3A_501  : i32 {
              %mul3A_608 = arith.constant 4 : i32
              %mul3A_609 = arith.muli %mul3A_608, %scan3A_607 : i32
              %add3A_610 = arith.addi %mul3A_496, %mul3A_609 : i32
              %add3A_611 = arith.constant 0 : i32
              %add3A_612 = arith.addi %add3A_610, %add3A_611 : i32
              %get3A = arith.index_cast %add3A_612 : i32 to index
              %get3A_613 = arith.constant 0 : index
              %get3A_614 = tpu.vector_load %arg7[%get3A, %get3A_613] {strides = array<i32>} : memref<1024x32xf32, #tpu.memory_space<vmem>>, vector<16xf32>,
              %add3A_615 = arith.addi %mul3A_496, %mul3A_609 : i32
              %add3A_616 = arith.constant 0 : i32
              %add3A_617 = arith.addi %add3A_615, %add3A_616 : i32
              %get3A_618 = arith.index_cast %add3A_617 : i32 to index
              %get3A_619 = arith.constant 16 : index
              %get3A_620 = tpu.vector_load %arg7[%get3A_618, %get3A_619] {strides = array<i32>} : memref<1024x32xf32, #tpu.memory_space<vmem>>, vector<16xf32>,
              %add3A_621 = arith.addi %mul3A_496, %mul3A_609 : i32
              %add3A_622 = arith.constant 1 : i32
              %add3A_623 = arith.addi %add3A_621, %add3A_622 : i32
              %get3A_624 = arith.index_cast %add3A_623 : i32 to index
              %get3A_625 = arith.constant 0 : index
              %get3A_626 = tpu.vector_load %arg7[%get3A_624, %get3A_625] {strides = array<i32>} : memref<1024x32xf32, #tpu.memory_space<vmem>>, vector<16xf32>,
              %add3A_627 = arith.addi %mul3A_496, %mul3A_609 : i32
              %add3A_628 = arith.constant 1 : i32
              %add3A_629 = arith.addi %add3A_627, %add3A_628 : i32
              %get3A_630 = arith.index_cast %add3A_629 : i32 to index
              %get3A_631 = arith.constant 16 : index
              %get3A_632 = tpu.vector_load %arg7[%get3A_630, %get3A_631] {strides = array<i32>} : memref<1024x32xf32, #tpu.memory_space<vmem>>, vector<16xf32>,
              %add3A_633 = arith.addi %mul3A_496, %mul3A_609 : i32
              %add3A_634 = arith.constant 2 : i32
              %add3A_635 = arith.addi %add3A_633, %add3A_634 : i32
              %get3A_636 = arith.index_cast %add3A_635 : i32 to index
              %get3A_637 = arith.constant 0 : index
              %get3A_638 = tpu.vector_load %arg7[%get3A_636, %get3A_637] {strides = array<i32>} : memref<1024x32xf32, #tpu.memory_space<vmem>>, vector<16xf32>,
              %add3A_639 = arith.addi %mul3A_496, %mul3A_609 : i32
              %add3A_640 = arith.constant 2 : i32
              %add3A_641 = arith.addi %add3A_639, %add3A_640 : i32
              %get3A_642 = arith.index_cast %add3A_641 : i32 to index
              %get3A_643 = arith.constant 16 : index
              %get3A_644 = tpu.vector_load %arg7[%get3A_642, %get3A_643] {strides = array<i32>} : memref<1024x32xf32, #tpu.memory_space<vmem>>, vector<16xf32>,
              %add3A_645 = arith.addi %mul3A_496, %mul3A_609 : i32
              %add3A_646 = arith.constant 3 : i32
              %add3A_647 = arith.addi %add3A_645, %add3A_646 : i32
              %get3A_648 = arith.index_cast %add3A_647 : i32 to index
              %get3A_649 = arith.constant 0 : index
              %get3A_650 = tpu.vector_load %arg7[%get3A_648, %get3A_649] {strides = array<i32>} : memref<1024x32xf32, #tpu.memory_space<vmem>>, vector<16xf32>,
              %add3A_651 = arith.addi %mul3A_496, %mul3A_609 : i32
              %add3A_652 = arith.constant 3 : i32
              %add3A_653 = arith.addi %add3A_651, %add3A_652 : i32
              %get3A_654 = arith.index_cast %add3A_653 : i32 to index
              %get3A_655 = arith.constant 16 : index
              %get3A_656 = tpu.vector_load %arg7[%get3A_654, %get3A_655] {strides = array<i32>} : memref<1024x32xf32, #tpu.memory_space<vmem>>, vector<16xf32>,
              %add3A_657 = arith.constant 0 : i32
              %add3A_658 = arith.addi %mul3A_609, %add3A_657 : i32
              %broadcast_in_dim3A = vector.broadcast %add3A_658 : i32 to vector<16xi32>
              tpu.vector_store_idx %arg10[%add3A_5, %broadcast_in_dim3A], %get3A_614 : memref<32x129xf32, #tpu.memory_space<vmem>>[vector<16xi32>, vector<16xi32>], vector<16xf32>,
              tpu.vector_store_idx %arg10[%add3A_8, %broadcast_in_dim3A], %get3A_620 : memref<32x129xf32, #tpu.memory_space<vmem>>[vector<16xi32>, vector<16xi32>], vector<16xf32>,
              %add3A_659 = arith.constant 1 : i32
              %add3A_660 = arith.addi %mul3A_609, %add3A_659 : i32
              %broadcast_in_dim3A_661 = vector.broadcast %add3A_660 : i32 to vector<16xi32>
              tpu.vector_store_idx %arg10[%add3A_5, %broadcast_in_dim3A_661], %get3A_626 : memref<32x129xf32, #tpu.memory_space<vmem>>[vector<16xi32>, vector<16xi32>], vector<16xf32>,
              tpu.vector_store_idx %arg10[%add3A_8, %broadcast_in_dim3A_661], %get3A_632 : memref<32x129xf32, #tpu.memory_space<vmem>>[vector<16xi32>, vector<16xi32>], vector<16xf32>,
              %add3A_662 = arith.constant 2 : i32
              %add3A_663 = arith.addi %mul3A_609, %add3A_662 : i32
              %broadcast_in_dim3A_664 = vector.broadcast %add3A_663 : i32 to vector<16xi32>
              tpu.vector_store_idx %arg10[%add3A_5, %broadcast_in_dim3A_664], %get3A_638 : memref<32x129xf32, #tpu.memory_space<vmem>>[vector<16xi32>, vector<16xi32>], vector<16xf32>,
              tpu.vector_store_idx %arg10[%add3A_8, %broadcast_in_dim3A_664], %get3A_644 : memref<32x129xf32, #tpu.memory_space<vmem>>[vector<16xi32>, vector<16xi32>], vector<16xf32>,
              %add3A_665 = arith.constant 3 : i32
              %add3A_666 = arith.addi %mul3A_609, %add3A_665 : i32
              %broadcast_in_dim3A_667 = vector.broadcast %add3A_666 : i32 to vector<16xi32>
              tpu.vector_store_idx %arg10[%add3A_5, %broadcast_in_dim3A_667], %get3A_650 : memref<32x129xf32, #tpu.memory_space<vmem>>[vector<16xi32>, vector<16xi32>], vector<16xf32>,
              tpu.vector_store_idx %arg10[%add3A_8, %broadcast_in_dim3A_667], %get3A_656 : memref<32x129xf32, #tpu.memory_space<vmem>>[vector<16xi32>, vector<16xi32>], vector<16xf32>,
            }
            %scan3A_502 = arith.constant 32 : i32
            %add3A_503 = arith.addi %mul3A_2, %scan3A_310 : i32
            %jit3A_504 = arith.constant 128 : i32
            %div3A_505 = arith.divsi %add3A_503, %jit3A_504 : i32
            %sign3A_506 = arith.constant 0 : i32
            %sign3A_507 = arith.cmpi sgt, %add3A_503, %sign3A_506 : i32
            %sign3A_508 = arith.extui %sign3A_507 : i1 to i32
            %sign3A_509 = arith.constant 0 : i32
            %sign3A_510 = arith.cmpi slt, %add3A_503, %sign3A_509 : i32
            %sign3A_511 = arith.extui %sign3A_510 : i1 to i32
            %sign3A_512 = arith.subi %sign3A_508, %sign3A_511 : i32
            %sign3A_513 = arith.constant 0 : i32
            %sign3A_514 = arith.cmpi sgt, %jit3A_504, %sign3A_513 : i32
            %sign3A_515 = arith.extui %sign3A_514 : i1 to i32
            %sign3A_516 = arith.constant 0 : i32
            %sign3A_517 = arith.cmpi slt, %jit3A_504, %sign3A_516 : i32
            %sign3A_518 = arith.extui %sign3A_517 : i1 to i32
            %sign3A_519 = arith.subi %sign3A_515, %sign3A_518 : i32
            %ne3A_520 = arith.cmpi ne, %sign3A_512, %sign3A_519 : i32
            %rem3A_521 = arith.remsi %add3A_503, %jit3A_504 : i32
            %ne3A_522 = arith.constant 0 : i32
            %ne3A_523 = arith.cmpi ne, %rem3A_521, %ne3A_522 : i32
            %and3A_524 = arith.andi %ne3A_520, %ne3A_523 : i1
            %sub3A_525 = arith.constant 1 : i32
            %sub3A_526 = arith.subi %div3A_505, %sub3A_525 : i32
            %select_n3A_527 = arith.select %and3A_524, %sub3A_526, %div3A_505 : i32
            %mul3A_528 = arith.constant 8 : i32
            %mul3A_529 = arith.muli %select_n3A_527, %mul3A_528 : i32
            %add3A_530 = arith.addi %mul3A_529, %scan3A_447 : i32
            %jit3A_531 = arith.constant 128 : i32
            %eq3A_532 = arith.constant 0 : i32
            %eq3A_533 = arith.cmpi eq, %jit3A_531, %eq3A_532 : i32
            %jit3A_534 = arith.constant 1 : i32
            %select_n3A_535 = arith.select %eq3A_533, %jit3A_534, %jit3A_531 : i32
            %rem3A_536 = arith.remsi %add3A_503, %select_n3A_535 : i32
            %ne3A_537 = arith.constant 0 : i32
            %ne3A_538 = arith.cmpi ne, %rem3A_536, %ne3A_537 : i32
            %lt3A_539 = arith.constant 0 : i32
            %lt3A_540 = arith.cmpi slt, %rem3A_536, %lt3A_539 : i32
            %lt3A_541 = arith.constant 0 : i32
            %lt3A_542 = arith.cmpi slt, %select_n3A_535, %lt3A_541 : i32
            %ne3A_543 = arith.xori %lt3A_540, %lt3A_542 : i1
            %and3A_544 = arith.andi %ne3A_543, %ne3A_538 : i1
            %add3A_545 = arith.addi %rem3A_536, %select_n3A_535 : i32
            %select_n3A_546 = arith.select %and3A_544, %add3A_545, %rem3A_536 : i32
            %dma_start3A_547 = arith.constant 0 : i32
            %dma_start3A_548 = arith.constant 0 : i32
            %dma_start3A_549 = arith.constant 0 : i32
            %dma_start3A_550 = tpu.memref_slice %arg10[%dma_start3A_548, %dma_start3A_549] : memref<32x129xf32, #tpu.memory_space<vmem>> -> memref<8x128xf32, #tpu.memory_space<vmem>>
            %dma_start3A_551 = arith.constant 0 : i32
            %dma_start3A_552 = arith.constant 0 : i32
            %dma_start3A_553 = tpu.memref_slice %arg4[%add3A_530, %dma_start3A_547, %select_n3A_546, %dma_start3A_551, %dma_start3A_552] : memref<200x4x128x8x128xf32, #tpu.memory_space<hbm>> -> memref<1x1x1x8x128xf32, #tpu.memory_space<hbm>>
            %dma_start3A_554 = tpu.memref_squeeze %dma_start3A_553 : memref<1x1x1x8x128xf32, #tpu.memory_space<hbm>> -> memref<8x128xf32, #tpu.memory_space<hbm>>
            %dma_start3A_555 = arith.constant 0 : i32
            %dma_start3A_556 = arith.constant 0 : i32
            %dma_start3A_557 = tpu.memref_slice %arg4[%add3A_530, %dma_start3A_547, %select_n3A_546, %dma_start3A_555, %dma_start3A_556] : memref<200x4x128x8x128xf32, #tpu.memory_space<hbm>> -> memref<1x1x1x8x128xf32, #tpu.memory_space<hbm>>
            %dma_start3A_558 = tpu.memref_squeeze %dma_start3A_557 : memref<1x1x1x8x128xf32, #tpu.memory_space<hbm>> -> memref<8x128xf32, #tpu.memory_space<hbm>>
            %dma_start3A_559 = arith.constant 0 : i32
            %dma_start3A_560 = arith.constant 0 : i32
            %dma_start3A_561 = tpu.memref_slice %arg10[%dma_start3A_559, %dma_start3A_560] : memref<32x129xf32, #tpu.memory_space<vmem>> -> memref<8x128xf32, #tpu.memory_space<vmem>>
            tpu.enqueue_dma source(%dma_start3A_561 : memref<8x128xf32, #tpu.memory_space<vmem>>) target(%dma_start3A_558 : memref<8x128xf32, #tpu.memory_space<hbm>>) target_semaphore(%arg16 : memref<!tpu.dma_semaphore, #tpu.memory_space<semaphore_mem>>)
            %dma_start3A_562 = arith.constant 1 : i32
            %dma_start3A_563 = arith.constant 8 : i32
            %dma_start3A_564 = arith.constant 0 : i32
            %dma_start3A_565 = tpu.memref_slice %arg10[%dma_start3A_563, %dma_start3A_564] : memref<32x129xf32, #tpu.memory_space<vmem>> -> memref<8x128xf32, #tpu.memory_space<vmem>>
            %dma_start3A_566 = arith.constant 0 : i32
            %dma_start3A_567 = arith.constant 0 : i32
            %dma_start3A_568 = tpu.memref_slice %arg4[%add3A_530, %dma_start3A_562, %select_n3A_546, %dma_start3A_566, %dma_start3A_567] : memref<200x4x128x8x128xf32, #tpu.memory_space<hbm>> -> memref<1x1x1x8x128xf32, #tpu.memory_space<hbm>>
            %dma_start3A_569 = tpu.memref_squeeze %dma_start3A_568 : memref<1x1x1x8x128xf32, #tpu.memory_space<hbm>> -> memref<8x128xf32, #tpu.memory_space<hbm>>
            %dma_start3A_570 = arith.constant 0 : i32
            %dma_start3A_571 = arith.constant 0 : i32
            %dma_start3A_572 = tpu.memref_slice %arg4[%add3A_530, %dma_start3A_562, %select_n3A_546, %dma_start3A_570, %dma_start3A_571] : memref<200x4x128x8x128xf32, #tpu.memory_space<hbm>> -> memref<1x1x1x8x128xf32, #tpu.memory_space<hbm>>
            %dma_start3A_573 = tpu.memref_squeeze %dma_start3A_572 : memref<1x1x1x8x128xf32, #tpu.memory_space<hbm>> -> memref<8x128xf32, #tpu.memory_space<hbm>>
            %dma_start3A_574 = arith.constant 8 : i32
            %dma_start3A_575 = arith.constant 0 : i32
            %dma_start3A_576 = tpu.memref_slice %arg10[%dma_start3A_574, %dma_start3A_575] : memref<32x129xf32, #tpu.memory_space<vmem>> -> memref<8x128xf32, #tpu.memory_space<vmem>>
            tpu.enqueue_dma source(%dma_start3A_576 : memref<8x128xf32, #tpu.memory_space<vmem>>) target(%dma_start3A_573 : memref<8x128xf32, #tpu.memory_space<hbm>>) target_semaphore(%arg16 : memref<!tpu.dma_semaphore, #tpu.memory_space<semaphore_mem>>)
            %dma_start3A_577 = arith.constant 2 : i32
            %dma_start3A_578 = arith.constant 16 : i32
            %dma_start3A_579 = arith.constant 0 : i32
            %dma_start3A_580 = tpu.memref_slice %arg10[%dma_start3A_578, %dma_start3A_579] : memref<32x129xf32, #tpu.memory_space<vmem>> -> memref<8x128xf32, #tpu.memory_space<vmem>>
            %dma_start3A_581 = arith.constant 0 : i32
            %dma_start3A_582 = arith.constant 0 : i32
            %dma_start3A_583 = tpu.memref_slice %arg4[%add3A_530, %dma_start3A_577, %select_n3A_546, %dma_start3A_581, %dma_start3A_582] : memref<200x4x128x8x128xf32, #tpu.memory_space<hbm>> -> memref<1x1x1x8x128xf32, #tpu.memory_space<hbm>>
            %dma_start3A_584 = tpu.memref_squeeze %dma_start3A_583 : memref<1x1x1x8x128xf32, #tpu.memory_space<hbm>> -> memref<8x128xf32, #tpu.memory_space<hbm>>
            %dma_start3A_585 = arith.constant 0 : i32
            %dma_start3A_586 = arith.constant 0 : i32
            %dma_start3A_587 = tpu.memref_slice %arg4[%add3A_530, %dma_start3A_577, %select_n3A_546, %dma_start3A_585, %dma_start3A_586] : memref<200x4x128x8x128xf32, #tpu.memory_space<hbm>> -> memref<1x1x1x8x128xf32, #tpu.memory_space<hbm>>
            %dma_start3A_588 = tpu.memref_squeeze %dma_start3A_587 : memref<1x1x1x8x128xf32, #tpu.memory_space<hbm>> -> memref<8x128xf32, #tpu.memory_space<hbm>>
            %dma_start3A_589 = arith.constant 16 : i32
            %dma_start3A_590 = arith.constant 0 : i32
            %dma_start3A_591 = tpu.memref_slice %arg10[%dma_start3A_589, %dma_start3A_590] : memref<32x129xf32, #tpu.memory_space<vmem>> -> memref<8x128xf32, #tpu.memory_space<vmem>>
            tpu.enqueue_dma source(%dma_start3A_591 : memref<8x128xf32, #tpu.memory_space<vmem>>) target(%dma_start3A_588 : memref<8x128xf32, #tpu.memory_space<hbm>>) target_semaphore(%arg16 : memref<!tpu.dma_semaphore, #tpu.memory_space<semaphore_mem>>)
            %dma_start3A_592 = arith.constant 3 : i32
            %dma_start3A_593 = arith.constant 24 : i32
            %dma_start3A_594 = arith.constant 0 : i32
            %dma_start3A_595 = tpu.memref_slice %arg10[%dma_start3A_593, %dma_start3A_594] : memref<32x129xf32, #tpu.memory_space<vmem>> -> memref<8x128xf32, #tpu.memory_space<vmem>>
            %dma_start3A_596 = arith.constant 0 : i32
            %dma_start3A_597 = arith.constant 0 : i32
            %dma_start3A_598 = tpu.memref_slice %arg4[%add3A_530, %dma_start3A_592, %select_n3A_546, %dma_start3A_596, %dma_start3A_597] : memref<200x4x128x8x128xf32, #tpu.memory_space<hbm>> -> memref<1x1x1x8x128xf32, #tpu.memory_space<hbm>>
            %dma_start3A_599 = tpu.memref_squeeze %dma_start3A_598 : memref<1x1x1x8x128xf32, #tpu.memory_space<hbm>> -> memref<8x128xf32, #tpu.memory_space<hbm>>
            %dma_start3A_600 = arith.constant 0 : i32
            %dma_start3A_601 = arith.constant 0 : i32
            %dma_start3A_602 = tpu.memref_slice %arg4[%add3A_530, %dma_start3A_592, %select_n3A_546, %dma_start3A_600, %dma_start3A_601] : memref<200x4x128x8x128xf32, #tpu.memory_space<hbm>> -> memref<1x1x1x8x128xf32, #tpu.memory_space<hbm>>
            %dma_start3A_603 = tpu.memref_squeeze %dma_start3A_602 : memref<1x1x1x8x128xf32, #tpu.memory_space<hbm>> -> memref<8x128xf32, #tpu.memory_space<hbm>>
            %dma_start3A_604 = arith.constant 24 : i32
            %dma_start3A_605 = arith.constant 0 : i32
            %dma_start3A_606 = tpu.memref_slice %arg10[%dma_start3A_604, %dma_start3A_605] : memref<32x129xf32, #tpu.memory_space<vmem>> -> memref<8x128xf32, #tpu.memory_space<vmem>>
            tpu.enqueue_dma source(%dma_start3A_606 : memref<8x128xf32, #tpu.memory_space<vmem>>) target(%dma_start3A_603 : memref<8x128xf32, #tpu.memory_space<hbm>>) target_semaphore(%arg16 : memref<!tpu.dma_semaphore, #tpu.memory_space<semaphore_mem>>)
          } else {
          }
        }
        %scan3A_441 = arith.constant 8 : i32
        %lt3A_442 = arith.constant 98 : i32
        %lt3A_443 = arith.cmpi slt, %scan3A_310, %lt3A_442 : i32
        %convert_element_type3A_444 = arith.extui %lt3A_443 : i1 to i32
        %cond3A_445 = arith.constant 0 : i32
        %cond3A_446 = arith.cmpi ne, %convert_element_type3A_444, %cond3A_445 : i32
        scf.if %cond3A_446 {
          %add3A_447 = arith.constant 2 : i32
          %add3A_448 = arith.addi %scan3A_310, %add3A_447 : i32
          %add3A_449 = arith.addi %mul3A_2, %add3A_448 : i32
          %jit3A_450 = arith.constant 128 : i32
          %div3A_451 = arith.divsi %add3A_449, %jit3A_450 : i32
          %sign3A_452 = arith.constant 0 : i32
          %sign3A_453 = arith.cmpi sgt, %add3A_449, %sign3A_452 : i32
          %sign3A_454 = arith.extui %sign3A_453 : i1 to i32
          %sign3A_455 = arith.constant 0 : i32
          %sign3A_456 = arith.cmpi slt, %add3A_449, %sign3A_455 : i32
          %sign3A_457 = arith.extui %sign3A_456 : i1 to i32
          %sign3A_458 = arith.subi %sign3A_454, %sign3A_457 : i32
          %sign3A_459 = arith.constant 0 : i32
          %sign3A_460 = arith.cmpi sgt, %jit3A_450, %sign3A_459 : i32
          %sign3A_461 = arith.extui %sign3A_460 : i1 to i32
          %sign3A_462 = arith.constant 0 : i32
          %sign3A_463 = arith.cmpi slt, %jit3A_450, %sign3A_462 : i32
          %sign3A_464 = arith.extui %sign3A_463 : i1 to i32
          %sign3A_465 = arith.subi %sign3A_461, %sign3A_464 : i32
          %ne3A_466 = arith.cmpi ne, %sign3A_458, %sign3A_465 : i32
          %rem3A_467 = arith.remsi %add3A_449, %jit3A_450 : i32
          %ne3A_468 = arith.constant 0 : i32
          %ne3A_469 = arith.cmpi ne, %rem3A_467, %ne3A_468 : i32
          %and3A_470 = arith.andi %ne3A_466, %ne3A_469 : i1
          %sub3A_471 = arith.constant 1 : i32
          %sub3A_472 = arith.subi %div3A_451, %sub3A_471 : i32
          %select_n3A_473 = arith.select %and3A_470, %sub3A_472, %div3A_451 : i32
          %jit3A_474 = arith.constant 128 : i32
          %eq3A_475 = arith.constant 0 : i32
          %eq3A_476 = arith.cmpi eq, %jit3A_474, %eq3A_475 : i32
          %jit3A_477 = arith.constant 1 : i32
          %select_n3A_478 = arith.select %eq3A_476, %jit3A_477, %jit3A_474 : i32
          %rem3A_479 = arith.remsi %add3A_449, %select_n3A_478 : i32
          %ne3A_480 = arith.constant 0 : i32
          %ne3A_481 = arith.cmpi ne, %rem3A_479, %ne3A_480 : i32
          %lt3A_482 = arith.constant 0 : i32
          %lt3A_483 = arith.cmpi slt, %rem3A_479, %lt3A_482 : i32
          %lt3A_484 = arith.constant 0 : i32
          %lt3A_485 = arith.cmpi slt, %select_n3A_478, %lt3A_484 : i32
          %ne3A_486 = arith.xori %lt3A_483, %lt3A_485 : i1
          %and3A_487 = arith.andi %ne3A_486, %ne3A_481 : i1
          %add3A_488 = arith.addi %rem3A_479, %select_n3A_478 : i32
          %select_n3A_489 = arith.select %and3A_487, %add3A_488, %rem3A_479 : i32
          %dma_start3A_490 = arith.constant 0 : i32
          %dma_start3A_491 = arith.constant 0 : i32
          %dma_start3A_492 = tpu.memref_slice %arg2[%select_n3A_473, %select_n3A_489, %dma_start3A_490, %dma_start3A_491] : memref<25x128x8x128xi32, #tpu.memory_space<hbm>> -> memref<1x1x8x128xi32, #tpu.memory_space<hbm>>
          %dma_start3A_493 = tpu.memref_squeeze %dma_start3A_492 : memref<1x1x8x128xi32, #tpu.memory_space<hbm>> -> memref<8x128xi32, #tpu.memory_space<hbm>>
          %dma_start3A_494 = arith.constant 0 : i32
          %dma_start3A_495 = arith.constant 0 : i32
          %dma_start3A_496 = tpu.memref_slice %arg2[%select_n3A_473, %select_n3A_489, %dma_start3A_494, %dma_start3A_495] : memref<25x128x8x128xi32, #tpu.memory_space<hbm>> -> memref<1x1x8x128xi32, #tpu.memory_space<hbm>>
          %dma_start3A_497 = tpu.memref_squeeze %dma_start3A_496 : memref<1x1x8x128xi32, #tpu.memory_space<hbm>> -> memref<8x128xi32, #tpu.memory_space<hbm>>
          tpu.enqueue_dma source(%dma_start3A_497 : memref<8x128xi32, #tpu.memory_space<hbm>>) target(%arg5 : memref<8x128xi32, #tpu.memory_space<vmem>>) target_semaphore(%arg11 : memref<!tpu.dma_semaphore, #tpu.memory_space<semaphore_mem>>)
        } else {
        }
      } else {
      }
      %jit3A_330 = arith.constant 2 : i32
      %eq3A_331 = arith.constant 0 : i32
      %eq3A_332 = arith.cmpi eq, %jit3A_330, %eq3A_331 : i32
      %jit3A_333 = arith.constant 1 : i32
      %select_n3A_334 = arith.select %eq3A_332, %jit3A_333, %jit3A_330 : i32
      %rem3A_335 = arith.remsi %scan3A_310, %select_n3A_334 : i32
      %ne3A_336 = arith.constant 0 : i32
      %ne3A_337 = arith.cmpi ne, %rem3A_335, %ne3A_336 : i32
      %lt3A_338 = arith.constant 0 : i32
      %lt3A_339 = arith.cmpi slt, %rem3A_335, %lt3A_338 : i32
      %lt3A_340 = arith.constant 0 : i32
      %lt3A_341 = arith.cmpi slt, %select_n3A_334, %lt3A_340 : i32
      %ne3A_342 = arith.xori %lt3A_339, %lt3A_341 : i1
      %and3A_343 = arith.andi %ne3A_342, %ne3A_337 : i1
      %add3A_344 = arith.addi %rem3A_335, %select_n3A_334 : i32
      %select_n3A_345 = arith.select %and3A_343, %add3A_344, %rem3A_335 : i32
      %eq3A_346 = arith.constant 1 : i32
      %eq3A_347 = arith.cmpi eq, %select_n3A_345, %eq3A_346 : i32
      %convert_element_type3A_348 = arith.extui %eq3A_347 : i1 to i32
      %cond3A_349 = arith.constant 0 : i32
      %cond3A_350 = arith.cmpi ne, %convert_element_type3A_348, %cond3A_349 : i32
      scf.if %cond3A_350 {
        %lt3A_351 = arith.constant 99 : i32
        %lt3A_352 = arith.cmpi slt, %scan3A_310, %lt3A_351 : i32
        %convert_element_type3A_353 = arith.extui %lt3A_352 : i1 to i32
        %cond3A_354 = arith.constant 0 : i32
        %cond3A_355 = arith.cmpi ne, %convert_element_type3A_353, %cond3A_354 : i32
        scf.if %cond3A_355 {
          %add3A_447 = arith.constant 1 : i32
          %add3A_448 = arith.addi %scan3A_310, %add3A_447 : i32
          %add3A_449 = arith.addi %mul3A_2, %add3A_448 : i32
          %jit3A_450 = arith.constant 128 : i32
          %div3A_451 = arith.divsi %add3A_449, %jit3A_450 : i32
          %sign3A_452 = arith.constant 0 : i32
          %sign3A_453 = arith.cmpi sgt, %add3A_449, %sign3A_452 : i32
          %sign3A_454 = arith.extui %sign3A_453 : i1 to i32
          %sign3A_455 = arith.constant 0 : i32
          %sign3A_456 = arith.cmpi slt, %add3A_449, %sign3A_455 : i32
          %sign3A_457 = arith.extui %sign3A_456 : i1 to i32
          %sign3A_458 = arith.subi %sign3A_454, %sign3A_457 : i32
          %sign3A_459 = arith.constant 0 : i32
          %sign3A_460 = arith.cmpi sgt, %jit3A_450, %sign3A_459 : i32
          %sign3A_461 = arith.extui %sign3A_460 : i1 to i32
          %sign3A_462 = arith.constant 0 : i32
          %sign3A_463 = arith.cmpi slt, %jit3A_450, %sign3A_462 : i32
          %sign3A_464 = arith.extui %sign3A_463 : i1 to i32
          %sign3A_465 = arith.subi %sign3A_461, %sign3A_464 : i32
          %ne3A_466 = arith.cmpi ne, %sign3A_458, %sign3A_465 : i32
          %rem3A_467 = arith.remsi %add3A_449, %jit3A_450 : i32
          %ne3A_468 = arith.constant 0 : i32
          %ne3A_469 = arith.cmpi ne, %rem3A_467, %ne3A_468 : i32
          %and3A_470 = arith.andi %ne3A_466, %ne3A_469 : i1
          %sub3A_471 = arith.constant 1 : i32
          %sub3A_472 = arith.subi %div3A_451, %sub3A_471 : i32
          %select_n3A_473 = arith.select %and3A_470, %sub3A_472, %div3A_451 : i32
          %jit3A_474 = arith.constant 128 : i32
          %eq3A_475 = arith.constant 0 : i32
          %eq3A_476 = arith.cmpi eq, %jit3A_474, %eq3A_475 : i32
          %jit3A_477 = arith.constant 1 : i32
          %select_n3A_478 = arith.select %eq3A_476, %jit3A_477, %jit3A_474 : i32
          %rem3A_479 = arith.remsi %add3A_449, %select_n3A_478 : i32
          %ne3A_480 = arith.constant 0 : i32
          %ne3A_481 = arith.cmpi ne, %rem3A_479, %ne3A_480 : i32
          %lt3A_482 = arith.constant 0 : i32
          %lt3A_483 = arith.cmpi slt, %rem3A_479, %lt3A_482 : i32
          %lt3A_484 = arith.constant 0 : i32
          %lt3A_485 = arith.cmpi slt, %select_n3A_478, %lt3A_484 : i32
          %ne3A_486 = arith.xori %lt3A_483, %lt3A_485 : i1
          %and3A_487 = arith.andi %ne3A_486, %ne3A_481 : i1
          %add3A_488 = arith.addi %rem3A_479, %select_n3A_478 : i32
          %select_n3A_489 = arith.select %and3A_487, %add3A_488, %rem3A_479 : i32
          %dma_wait3A_490 = arith.constant 0 : i32
          %dma_wait3A_491 = arith.constant 0 : i32
          %dma_wait3A_492 = tpu.memref_slice %arg2[%select_n3A_473, %select_n3A_489, %dma_wait3A_490, %dma_wait3A_491] : memref<25x128x8x128xi32, #tpu.memory_space<hbm>> -> memref<1x1x8x128xi32, #tpu.memory_space<hbm>>
          %dma_wait3A_493 = tpu.memref_squeeze %dma_wait3A_492 : memref<1x1x8x128xi32, #tpu.memory_space<hbm>> -> memref<8x128xi32, #tpu.memory_space<hbm>>
          %dma_wait3A_494 = arith.constant 0 : i32
          %dma_wait3A_495 = arith.constant 0 : i32
          %dma_wait3A_496 = tpu.memref_slice %arg2[%select_n3A_473, %select_n3A_489, %dma_wait3A_494, %dma_wait3A_495] : memref<25x128x8x128xi32, #tpu.memory_space<hbm>> -> memref<1x1x8x128xi32, #tpu.memory_space<hbm>>
          %dma_wait3A_497 = tpu.memref_squeeze %dma_wait3A_496 : memref<1x1x8x128xi32, #tpu.memory_space<hbm>> -> memref<8x128xi32, #tpu.memory_space<hbm>>
          tpu.wait_dma2 semaphore(%arg11 : memref<!tpu.dma_semaphore, #tpu.memory_space<semaphore_mem>>) src(%dma_wait3A_497 : memref<8x128xi32, #tpu.memory_space<hbm>>) dst(%arg5 : memref<8x128xi32, #tpu.memory_space<vmem>>)
          %dma_start3A_498 = arith.constant 0 : i32
          %dma_start3A_499 = arith.constant 0 : i32
          %dma_start3A_500 = arith.constant 0 : i32
          %dma_start3A_501 = tpu.memref_slice %arg7[%dma_start3A_499, %dma_start3A_500] : memref<1024x32xf32, #tpu.memory_space<vmem>> -> memref<128x32xf32, #tpu.memory_space<vmem>>
          %dma_start3A_502 = arith.constant 0 : i32
          %dma_start3A_503 = tpu.memref_slice %arg5[%dma_start3A_498, %dma_start3A_502] : memref<8x128xi32, #tpu.memory_space<vmem>> -> memref<1x128xi32, #tpu.memory_space<vmem>>
          %dma_start3A_504 = tpu.memref_squeeze %dma_start3A_503 : memref<1x128xi32, #tpu.memory_space<vmem>> -> memref<128xi32, #tpu.memory_space<vmem>>
          %dma_start3A_505 = arith.constant 0 : i32
          %dma_start3A_506 = arith.constant 0 : i32
          %dma_start3A_507 = tpu.memref_slice %arg3[%dma_start3A_505, %dma_start3A_506] : memref<1000000x32xf32, #tpu.memory_space<hbm>> -> memref<1000000x32xf32, #tpu.memory_space<hbm>>
          tpu.enqueue_indirect_dma source(%dma_start3A_507 : memref<1000000x32xf32, #tpu.memory_space<hbm>>) target(%dma_start3A_501 : memref<128x32xf32, #tpu.memory_space<vmem>>) offsets(%dma_start3A_504 : memref<128xi32, #tpu.memory_space<vmem>>) semaphore(%arg13 : memref<!tpu.dma_semaphore, #tpu.memory_space<semaphore_mem>>)
          %dma_start3A_508 = arith.constant 1 : i32
          %dma_start3A_509 = arith.constant 128 : i32
          %dma_start3A_510 = arith.constant 0 : i32
          %dma_start3A_511 = tpu.memref_slice %arg7[%dma_start3A_509, %dma_start3A_510] : memref<1024x32xf32, #tpu.memory_space<vmem>> -> memref<128x32xf32, #tpu.memory_space<vmem>>
          %dma_start3A_512 = arith.constant 0 : i32
          %dma_start3A_513 = tpu.memref_slice %arg5[%dma_start3A_508, %dma_start3A_512] : memref<8x128xi32, #tpu.memory_space<vmem>> -> memref<1x128xi32, #tpu.memory_space<vmem>>
          %dma_start3A_514 = tpu.memref_squeeze %dma_start3A_513 : memref<1x128xi32, #tpu.memory_space<vmem>> -> memref<128xi32, #tpu.memory_space<vmem>>
          %dma_start3A_515 = arith.constant 0 : i32
          %dma_start3A_516 = arith.constant 0 : i32
          %dma_start3A_517 = tpu.memref_slice %arg3[%dma_start3A_515, %dma_start3A_516] : memref<1000000x32xf32, #tpu.memory_space<hbm>> -> memref<1000000x32xf32, #tpu.memory_space<hbm>>
          tpu.enqueue_indirect_dma source(%dma_start3A_517 : memref<1000000x32xf32, #tpu.memory_space<hbm>>) target(%dma_start3A_511 : memref<128x32xf32, #tpu.memory_space<vmem>>) offsets(%dma_start3A_514 : memref<128xi32, #tpu.memory_space<vmem>>) semaphore(%arg13 : memref<!tpu.dma_semaphore, #tpu.memory_space<semaphore_mem>>)
          %dma_start3A_518 = arith.constant 2 : i32
          %dma_start3A_519 = arith.constant 256 : i32
          %dma_start3A_520 = arith.constant 0 : i32
          %dma_start3A_521 = tpu.memref_slice %arg7[%dma_start3A_519, %dma_start3A_520] : memref<1024x32xf32, #tpu.memory_space<vmem>> -> memref<128x32xf32, #tpu.memory_space<vmem>>
          %dma_start3A_522 = arith.constant 0 : i32
          %dma_start3A_523 = tpu.memref_slice %arg5[%dma_start3A_518, %dma_start3A_522] : memref<8x128xi32, #tpu.memory_space<vmem>> -> memref<1x128xi32, #tpu.memory_space<vmem>>
          %dma_start3A_524 = tpu.memref_squeeze %dma_start3A_523 : memref<1x128xi32, #tpu.memory_space<vmem>> -> memref<128xi32, #tpu.memory_space<vmem>>
          %dma_start3A_525 = arith.constant 0 : i32
          %dma_start3A_526 = arith.constant 0 : i32
          %dma_start3A_527 = tpu.memref_slice %arg3[%dma_start3A_525, %dma_start3A_526] : memref<1000000x32xf32, #tpu.memory_space<hbm>> -> memref<1000000x32xf32, #tpu.memory_space<hbm>>
          tpu.enqueue_indirect_dma source(%dma_start3A_527 : memref<1000000x32xf32, #tpu.memory_space<hbm>>) target(%dma_start3A_521 : memref<128x32xf32, #tpu.memory_space<vmem>>) offsets(%dma_start3A_524 : memref<128xi32, #tpu.memory_space<vmem>>) semaphore(%arg13 : memref<!tpu.dma_semaphore, #tpu.memory_space<semaphore_mem>>)
          %dma_start3A_528 = arith.constant 3 : i32
          %dma_start3A_529 = arith.constant 384 : i32
          %dma_start3A_530 = arith.constant 0 : i32
          %dma_start3A_531 = tpu.memref_slice %arg7[%dma_start3A_529, %dma_start3A_530] : memref<1024x32xf32, #tpu.memory_space<vmem>> -> memref<128x32xf32, #tpu.memory_space<vmem>>
          %dma_start3A_532 = arith.constant 0 : i32
          %dma_start3A_533 = tpu.memref_slice %arg5[%dma_start3A_528, %dma_start3A_532] : memref<8x128xi32, #tpu.memory_space<vmem>> -> memref<1x128xi32, #tpu.memory_space<vmem>>
          %dma_start3A_534 = tpu.memref_squeeze %dma_start3A_533 : memref<1x128xi32, #tpu.memory_space<vmem>> -> memref<128xi32, #tpu.memory_space<vmem>>
          %dma_start3A_535 = arith.constant 0 : i32
          %dma_start3A_536 = arith.constant 0 : i32
          %dma_start3A_537 = tpu.memref_slice %arg3[%dma_start3A_535, %dma_start3A_536] : memref<1000000x32xf32, #tpu.memory_space<hbm>> -> memref<1000000x32xf32, #tpu.memory_space<hbm>>
          tpu.enqueue_indirect_dma source(%dma_start3A_537 : memref<1000000x32xf32, #tpu.memory_space<hbm>>) target(%dma_start3A_531 : memref<128x32xf32, #tpu.memory_space<vmem>>) offsets(%dma_start3A_534 : memref<128xi32, #tpu.memory_space<vmem>>) semaphore(%arg13 : memref<!tpu.dma_semaphore, #tpu.memory_space<semaphore_mem>>)
          %dma_start3A_538 = arith.constant 4 : i32
          %dma_start3A_539 = arith.constant 512 : i32
          %dma_start3A_540 = arith.constant 0 : i32
          %dma_start3A_541 = tpu.memref_slice %arg7[%dma_start3A_539, %dma_start3A_540] : memref<1024x32xf32, #tpu.memory_space<vmem>> -> memref<128x32xf32, #tpu.memory_space<vmem>>
          %dma_start3A_542 = arith.constant 0 : i32
          %dma_start3A_543 = tpu.memref_slice %arg5[%dma_start3A_538, %dma_start3A_542] : memref<8x128xi32, #tpu.memory_space<vmem>> -> memref<1x128xi32, #tpu.memory_space<vmem>>
          %dma_start3A_544 = tpu.memref_squeeze %dma_start3A_543 : memref<1x128xi32, #tpu.memory_space<vmem>> -> memref<128xi32, #tpu.memory_space<vmem>>
          %dma_start3A_545 = arith.constant 0 : i32
          %dma_start3A_546 = arith.constant 0 : i32
          %dma_start3A_547 = tpu.memref_slice %arg3[%dma_start3A_545, %dma_start3A_546] : memref<1000000x32xf32, #tpu.memory_space<hbm>> -> memref<1000000x32xf32, #tpu.memory_space<hbm>>
          tpu.enqueue_indirect_dma source(%dma_start3A_547 : memref<1000000x32xf32, #tpu.memory_space<hbm>>) target(%dma_start3A_541 : memref<128x32xf32, #tpu.memory_space<vmem>>) offsets(%dma_start3A_544 : memref<128xi32, #tpu.memory_space<vmem>>) semaphore(%arg13 : memref<!tpu.dma_semaphore, #tpu.memory_space<semaphore_mem>>)
          %dma_start3A_548 = arith.constant 5 : i32
          %dma_start3A_549 = arith.constant 640 : i32
          %dma_start3A_550 = arith.constant 0 : i32
          %dma_start3A_551 = tpu.memref_slice %arg7[%dma_start3A_549, %dma_start3A_550] : memref<1024x32xf32, #tpu.memory_space<vmem>> -> memref<128x32xf32, #tpu.memory_space<vmem>>
          %dma_start3A_552 = arith.constant 0 : i32
          %dma_start3A_553 = tpu.memref_slice %arg5[%dma_start3A_548, %dma_start3A_552] : memref<8x128xi32, #tpu.memory_space<vmem>> -> memref<1x128xi32, #tpu.memory_space<vmem>>
          %dma_start3A_554 = tpu.memref_squeeze %dma_start3A_553 : memref<1x128xi32, #tpu.memory_space<vmem>> -> memref<128xi32, #tpu.memory_space<vmem>>
          %dma_start3A_555 = arith.constant 0 : i32
          %dma_start3A_556 = arith.constant 0 : i32
          %dma_start3A_557 = tpu.memref_slice %arg3[%dma_start3A_555, %dma_start3A_556] : memref<1000000x32xf32, #tpu.memory_space<hbm>> -> memref<1000000x32xf32, #tpu.memory_space<hbm>>
          tpu.enqueue_indirect_dma source(%dma_start3A_557 : memref<1000000x32xf32, #tpu.memory_space<hbm>>) target(%dma_start3A_551 : memref<128x32xf32, #tpu.memory_space<vmem>>) offsets(%dma_start3A_554 : memref<128xi32, #tpu.memory_space<vmem>>) semaphore(%arg13 : memref<!tpu.dma_semaphore, #tpu.memory_space<semaphore_mem>>)
          %dma_start3A_558 = arith.constant 6 : i32
          %dma_start3A_559 = arith.constant 768 : i32
          %dma_start3A_560 = arith.constant 0 : i32
          %dma_start3A_561 = tpu.memref_slice %arg7[%dma_start3A_559, %dma_start3A_560] : memref<1024x32xf32, #tpu.memory_space<vmem>> -> memref<128x32xf32, #tpu.memory_space<vmem>>
          %dma_start3A_562 = arith.constant 0 : i32
          %dma_start3A_563 = tpu.memref_slice %arg5[%dma_start3A_558, %dma_start3A_562] : memref<8x128xi32, #tpu.memory_space<vmem>> -> memref<1x128xi32, #tpu.memory_space<vmem>>
          %dma_start3A_564 = tpu.memref_squeeze %dma_start3A_563 : memref<1x128xi32, #tpu.memory_space<vmem>> -> memref<128xi32, #tpu.memory_space<vmem>>
          %dma_start3A_565 = arith.constant 0 : i32
          %dma_start3A_566 = arith.constant 0 : i32
          %dma_start3A_567 = tpu.memref_slice %arg3[%dma_start3A_565, %dma_start3A_566] : memref<1000000x32xf32, #tpu.memory_space<hbm>> -> memref<1000000x32xf32, #tpu.memory_space<hbm>>
          tpu.enqueue_indirect_dma source(%dma_start3A_567 : memref<1000000x32xf32, #tpu.memory_space<hbm>>) target(%dma_start3A_561 : memref<128x32xf32, #tpu.memory_space<vmem>>) offsets(%dma_start3A_564 : memref<128xi32, #tpu.memory_space<vmem>>) semaphore(%arg13 : memref<!tpu.dma_semaphore, #tpu.memory_space<semaphore_mem>>)
          %dma_start3A_568 = arith.constant 7 : i32
          %dma_start3A_569 = arith.constant 896 : i32
          %dma_start3A_570 = arith.constant 0 : i32
          %dma_start3A_571 = tpu.memref_slice %arg7[%dma_start3A_569, %dma_start3A_570] : memref<1024x32xf32, #tpu.memory_space<vmem>> -> memref<128x32xf32, #tpu.memory_space<vmem>>
          %dma_start3A_572 = arith.constant 0 : i32
          %dma_start3A_573 = tpu.memref_slice %arg5[%dma_start3A_568, %dma_start3A_572] : memref<8x128xi32, #tpu.memory_space<vmem>> -> memref<1x128xi32, #tpu.memory_space<vmem>>
          %dma_start3A_574 = tpu.memref_squeeze %dma_start3A_573 : memref<1x128xi32, #tpu.memory_space<vmem>> -> memref<128xi32, #tpu.memory_space<vmem>>
          %dma_start3A_575 = arith.constant 0 : i32
          %dma_start3A_576 = arith.constant 0 : i32
          %dma_start3A_577 = tpu.memref_slice %arg3[%dma_start3A_575, %dma_start3A_576] : memref<1000000x32xf32, #tpu.memory_space<hbm>> -> memref<1000000x32xf32, #tpu.memory_space<hbm>>
          tpu.enqueue_indirect_dma source(%dma_start3A_577 : memref<1000000x32xf32, #tpu.memory_space<hbm>>) target(%dma_start3A_571 : memref<128x32xf32, #tpu.memory_space<vmem>>) offsets(%dma_start3A_574 : memref<128xi32, #tpu.memory_space<vmem>>) semaphore(%arg13 : memref<!tpu.dma_semaphore, #tpu.memory_space<semaphore_mem>>)
        } else {
        }
        %dma_wait3A_356 = arith.constant 0 : i32
        %dma_wait3A_357 = arith.constant 0 : i32
        %dma_wait3A_358 = arith.constant 0 : i32
        %dma_wait3A_359 = tpu.memref_slice %arg8[%dma_wait3A_357, %dma_wait3A_358] : memref<1024x32xf32, #tpu.memory_space<vmem>> -> memref<128x32xf32, #tpu.memory_space<vmem>>
        %dma_wait3A_360 = arith.constant 0 : i32
        %dma_wait3A_361 = tpu.memref_slice %arg6[%dma_wait3A_356, %dma_wait3A_360] : memref<8x128xi32, #tpu.memory_space<vmem>> -> memref<1x128xi32, #tpu.memory_space<vmem>>
        %dma_wait3A_362 = tpu.memref_squeeze %dma_wait3A_361 : memref<1x128xi32, #tpu.memory_space<vmem>> -> memref<128xi32, #tpu.memory_space<vmem>>
        %dma_wait3A_363 = arith.constant 0 : i32
        %dma_wait3A_364 = arith.constant 0 : i32
        %dma_wait3A_365 = tpu.memref_slice %arg3[%dma_wait3A_363, %dma_wait3A_364] : memref<1000000x32xf32, #tpu.memory_space<hbm>> -> memref<1000000x32xf32, #tpu.memory_space<hbm>>
        tpu.wait_indirect_dma semaphore(%arg14 : memref<!tpu.dma_semaphore, #tpu.memory_space<semaphore_mem>>) src(%dma_wait3A_365 : memref<1000000x32xf32, #tpu.memory_space<hbm>>) dst(%dma_wait3A_359 : memref<128x32xf32, #tpu.memory_space<vmem>>)
        %dma_wait3A_366 = arith.constant 1 : i32
        %dma_wait3A_367 = arith.constant 128 : i32
        %dma_wait3A_368 = arith.constant 0 : i32
        %dma_wait3A_369 = tpu.memref_slice %arg8[%dma_wait3A_367, %dma_wait3A_368] : memref<1024x32xf32, #tpu.memory_space<vmem>> -> memref<128x32xf32, #tpu.memory_space<vmem>>
        %dma_wait3A_370 = arith.constant 0 : i32
        %dma_wait3A_371 = tpu.memref_slice %arg6[%dma_wait3A_366, %dma_wait3A_370] : memref<8x128xi32, #tpu.memory_space<vmem>> -> memref<1x128xi32, #tpu.memory_space<vmem>>
        %dma_wait3A_372 = tpu.memref_squeeze %dma_wait3A_371 : memref<1x128xi32, #tpu.memory_space<vmem>> -> memref<128xi32, #tpu.memory_space<vmem>>
        %dma_wait3A_373 = arith.constant 0 : i32
        %dma_wait3A_374 = arith.constant 0 : i32
        %dma_wait3A_375 = tpu.memref_slice %arg3[%dma_wait3A_373, %dma_wait3A_374] : memref<1000000x32xf32, #tpu.memory_space<hbm>> -> memref<1000000x32xf32, #tpu.memory_space<hbm>>
        tpu.wait_indirect_dma semaphore(%arg14 : memref<!tpu.dma_semaphore, #tpu.memory_space<semaphore_mem>>) src(%dma_wait3A_375 : memref<1000000x32xf32, #tpu.memory_space<hbm>>) dst(%dma_wait3A_369 : memref<128x32xf32, #tpu.memory_space<vmem>>)
        %dma_wait3A_376 = arith.constant 2 : i32
        %dma_wait3A_377 = arith.constant 256 : i32
        %dma_wait3A_378 = arith.constant 0 : i32
        %dma_wait3A_379 = tpu.memref_slice %arg8[%dma_wait3A_377, %dma_wait3A_378] : memref<1024x32xf32, #tpu.memory_space<vmem>> -> memref<128x32xf32, #tpu.memory_space<vmem>>
        %dma_wait3A_380 = arith.constant 0 : i32
        %dma_wait3A_381 = tpu.memref_slice %arg6[%dma_wait3A_376, %dma_wait3A_380] : memref<8x128xi32, #tpu.memory_space<vmem>> -> memref<1x128xi32, #tpu.memory_space<vmem>>
        %dma_wait3A_382 = tpu.memref_squeeze %dma_wait3A_381 : memref<1x128xi32, #tpu.memory_space<vmem>> -> memref<128xi32, #tpu.memory_space<vmem>>
        %dma_wait3A_383 = arith.constant 0 : i32
        %dma_wait3A_384 = arith.constant 0 : i32
        %dma_wait3A_385 = tpu.memref_slice %arg3[%dma_wait3A_383, %dma_wait3A_384] : memref<1000000x32xf32, #tpu.memory_space<hbm>> -> memref<1000000x32xf32, #tpu.memory_space<hbm>>
        tpu.wait_indirect_dma semaphore(%arg14 : memref<!tpu.dma_semaphore, #tpu.memory_space<semaphore_mem>>) src(%dma_wait3A_385 : memref<1000000x32xf32, #tpu.memory_space<hbm>>) dst(%dma_wait3A_379 : memref<128x32xf32, #tpu.memory_space<vmem>>)
        %dma_wait3A_386 = arith.constant 3 : i32
        %dma_wait3A_387 = arith.constant 384 : i32
        %dma_wait3A_388 = arith.constant 0 : i32
        %dma_wait3A_389 = tpu.memref_slice %arg8[%dma_wait3A_387, %dma_wait3A_388] : memref<1024x32xf32, #tpu.memory_space<vmem>> -> memref<128x32xf32, #tpu.memory_space<vmem>>
        %dma_wait3A_390 = arith.constant 0 : i32
        %dma_wait3A_391 = tpu.memref_slice %arg6[%dma_wait3A_386, %dma_wait3A_390] : memref<8x128xi32, #tpu.memory_space<vmem>> -> memref<1x128xi32, #tpu.memory_space<vmem>>
        %dma_wait3A_392 = tpu.memref_squeeze %dma_wait3A_391 : memref<1x128xi32, #tpu.memory_space<vmem>> -> memref<128xi32, #tpu.memory_space<vmem>>
        %dma_wait3A_393 = arith.constant 0 : i32
        %dma_wait3A_394 = arith.constant 0 : i32
        %dma_wait3A_395 = tpu.memref_slice %arg3[%dma_wait3A_393, %dma_wait3A_394] : memref<1000000x32xf32, #tpu.memory_space<hbm>> -> memref<1000000x32xf32, #tpu.memory_space<hbm>>
        tpu.wait_indirect_dma semaphore(%arg14 : memref<!tpu.dma_semaphore, #tpu.memory_space<semaphore_mem>>) src(%dma_wait3A_395 : memref<1000000x32xf32, #tpu.memory_space<hbm>>) dst(%dma_wait3A_389 : memref<128x32xf32, #tpu.memory_space<vmem>>)
        %dma_wait3A_396 = arith.constant 4 : i32
        %dma_wait3A_397 = arith.constant 512 : i32
        %dma_wait3A_398 = arith.constant 0 : i32
        %dma_wait3A_399 = tpu.memref_slice %arg8[%dma_wait3A_397, %dma_wait3A_398] : memref<1024x32xf32, #tpu.memory_space<vmem>> -> memref<128x32xf32, #tpu.memory_space<vmem>>
        %dma_wait3A_400 = arith.constant 0 : i32
        %dma_wait3A_401 = tpu.memref_slice %arg6[%dma_wait3A_396, %dma_wait3A_400] : memref<8x128xi32, #tpu.memory_space<vmem>> -> memref<1x128xi32, #tpu.memory_space<vmem>>
        %dma_wait3A_402 = tpu.memref_squeeze %dma_wait3A_401 : memref<1x128xi32, #tpu.memory_space<vmem>> -> memref<128xi32, #tpu.memory_space<vmem>>
        %dma_wait3A_403 = arith.constant 0 : i32
        %dma_wait3A_404 = arith.constant 0 : i32
        %dma_wait3A_405 = tpu.memref_slice %arg3[%dma_wait3A_403, %dma_wait3A_404] : memref<1000000x32xf32, #tpu.memory_space<hbm>> -> memref<1000000x32xf32, #tpu.memory_space<hbm>>
        tpu.wait_indirect_dma semaphore(%arg14 : memref<!tpu.dma_semaphore, #tpu.memory_space<semaphore_mem>>) src(%dma_wait3A_405 : memref<1000000x32xf32, #tpu.memory_space<hbm>>) dst(%dma_wait3A_399 : memref<128x32xf32, #tpu.memory_space<vmem>>)
        %dma_wait3A_406 = arith.constant 5 : i32
        %dma_wait3A_407 = arith.constant 640 : i32
        %dma_wait3A_408 = arith.constant 0 : i32
        %dma_wait3A_409 = tpu.memref_slice %arg8[%dma_wait3A_407, %dma_wait3A_408] : memref<1024x32xf32, #tpu.memory_space<vmem>> -> memref<128x32xf32, #tpu.memory_space<vmem>>
        %dma_wait3A_410 = arith.constant 0 : i32
        %dma_wait3A_411 = tpu.memref_slice %arg6[%dma_wait3A_406, %dma_wait3A_410] : memref<8x128xi32, #tpu.memory_space<vmem>> -> memref<1x128xi32, #tpu.memory_space<vmem>>
        %dma_wait3A_412 = tpu.memref_squeeze %dma_wait3A_411 : memref<1x128xi32, #tpu.memory_space<vmem>> -> memref<128xi32, #tpu.memory_space<vmem>>
        %dma_wait3A_413 = arith.constant 0 : i32
        %dma_wait3A_414 = arith.constant 0 : i32
        %dma_wait3A_415 = tpu.memref_slice %arg3[%dma_wait3A_413, %dma_wait3A_414] : memref<1000000x32xf32, #tpu.memory_space<hbm>> -> memref<1000000x32xf32, #tpu.memory_space<hbm>>
        tpu.wait_indirect_dma semaphore(%arg14 : memref<!tpu.dma_semaphore, #tpu.memory_space<semaphore_mem>>) src(%dma_wait3A_415 : memref<1000000x32xf32, #tpu.memory_space<hbm>>) dst(%dma_wait3A_409 : memref<128x32xf32, #tpu.memory_space<vmem>>)
        %dma_wait3A_416 = arith.constant 6 : i32
        %dma_wait3A_417 = arith.constant 768 : i32
        %dma_wait3A_418 = arith.constant 0 : i32
        %dma_wait3A_419 = tpu.memref_slice %arg8[%dma_wait3A_417, %dma_wait3A_418] : memref<1024x32xf32, #tpu.memory_space<vmem>> -> memref<128x32xf32, #tpu.memory_space<vmem>>
        %dma_wait3A_420 = arith.constant 0 : i32
        %dma_wait3A_421 = tpu.memref_slice %arg6[%dma_wait3A_416, %dma_wait3A_420] : memref<8x128xi32, #tpu.memory_space<vmem>> -> memref<1x128xi32, #tpu.memory_space<vmem>>
        %dma_wait3A_422 = tpu.memref_squeeze %dma_wait3A_421 : memref<1x128xi32, #tpu.memory_space<vmem>> -> memref<128xi32, #tpu.memory_space<vmem>>
        %dma_wait3A_423 = arith.constant 0 : i32
        %dma_wait3A_424 = arith.constant 0 : i32
        %dma_wait3A_425 = tpu.memref_slice %arg3[%dma_wait3A_423, %dma_wait3A_424] : memref<1000000x32xf32, #tpu.memory_space<hbm>> -> memref<1000000x32xf32, #tpu.memory_space<hbm>>
        tpu.wait_indirect_dma semaphore(%arg14 : memref<!tpu.dma_semaphore, #tpu.memory_space<semaphore_mem>>) src(%dma_wait3A_425 : memref<1000000x32xf32, #tpu.memory_space<hbm>>) dst(%dma_wait3A_419 : memref<128x32xf32, #tpu.memory_space<vmem>>)
        %dma_wait3A_426 = arith.constant 7 : i32
        %dma_wait3A_427 = arith.constant 896 : i32
        %dma_wait3A_428 = arith.constant 0 : i32
        %dma_wait3A_429 = tpu.memref_slice %arg8[%dma_wait3A_427, %dma_wait3A_428] : memref<1024x32xf32, #tpu.memory_space<vmem>> -> memref<128x32xf32, #tpu.memory_space<vmem>>
        %dma_wait3A_430 = arith.constant 0 : i32
        %dma_wait3A_431 = tpu.memref_slice %arg6[%dma_wait3A_426, %dma_wait3A_430] : memref<8x128xi32, #tpu.memory_space<vmem>> -> memref<1x128xi32, #tpu.memory_space<vmem>>
        %dma_wait3A_432 = tpu.memref_squeeze %dma_wait3A_431 : memref<1x128xi32, #tpu.memory_space<vmem>> -> memref<128xi32, #tpu.memory_space<vmem>>
        %dma_wait3A_433 = arith.constant 0 : i32
        %dma_wait3A_434 = arith.constant 0 : i32
        %dma_wait3A_435 = tpu.memref_slice %arg3[%dma_wait3A_433, %dma_wait3A_434] : memref<1000000x32xf32, #tpu.memory_space<hbm>> -> memref<1000000x32xf32, #tpu.memory_space<hbm>>
        tpu.wait_indirect_dma semaphore(%arg14 : memref<!tpu.dma_semaphore, #tpu.memory_space<semaphore_mem>>) src(%dma_wait3A_435 : memref<1000000x32xf32, #tpu.memory_space<hbm>>) dst(%dma_wait3A_429 : memref<128x32xf32, #tpu.memory_space<vmem>>)
        %scan3A_436 = arith.constant 0 : i32
        %scan3A_437 = arith.constant 0 : i32
        %scan3A_438 = arith.constant 8 : i32
        %scan3A_439 = arith.addi %scan3A_437, %scan3A_438 : i32
        %scan3A_440 = arith.constant 1 : i32
        scf.for %scan3A_447 = %scan3A_437 to %scan3A_439 step %scan3A_440  : i32 {
          %jit3A_448 = arith.constant 2 : i32
          %eq3A_449 = arith.constant 0 : i32
          %eq3A_450 = arith.cmpi eq, %jit3A_448, %eq3A_449 : i32
          %jit3A_451 = arith.constant 1 : i32
          %select_n3A_452 = arith.select %eq3A_450, %jit3A_451, %jit3A_448 : i32
          %rem3A_453 = arith.remsi %scan3A_447, %select_n3A_452 : i32
          %ne3A_454 = arith.constant 0 : i32
          %ne3A_455 = arith.cmpi ne, %rem3A_453, %ne3A_454 : i32
          %lt3A_456 = arith.constant 0 : i32
          %lt3A_457 = arith.cmpi slt, %rem3A_453, %lt3A_456 : i32
          %lt3A_458 = arith.constant 0 : i32
          %lt3A_459 = arith.cmpi slt, %select_n3A_452, %lt3A_458 : i32
          %ne3A_460 = arith.xori %lt3A_457, %lt3A_459 : i1
          %and3A_461 = arith.andi %ne3A_460, %ne3A_455 : i1
          %add3A_462 = arith.addi %rem3A_453, %select_n3A_452 : i32
          %select_n3A_463 = arith.select %and3A_461, %add3A_462, %rem3A_453 : i32
          %eq3A_464 = arith.constant 0 : i32
          %eq3A_465 = arith.cmpi eq, %select_n3A_463, %eq3A_464 : i32
          %convert_element_type3A_466 = arith.extui %eq3A_465 : i1 to i32
          %cond3A_467 = arith.constant 0 : i32
          %cond3A_468 = arith.cmpi ne, %convert_element_type3A_466, %cond3A_467 : i32
          scf.if %cond3A_468 {
            %gt3A = arith.constant 0 : i32
            %gt3A_490 = arith.cmpi sgt, %scan3A_310, %gt3A : i32
            %ge3A = arith.constant 2 : i32
            %ge3A_491 = arith.cmpi sge, %scan3A_447, %ge3A : i32
            %or3A = arith.ori %gt3A_490, %ge3A_491 : i1
            %convert_element_type3A_492 = arith.extui %or3A : i1 to i32
            %cond3A_493 = arith.constant 0 : i32
            %cond3A_494 = arith.cmpi ne, %convert_element_type3A_492, %cond3A_493 : i32
            scf.if %cond3A_494 {
              %dma_wait3A_607 = arith.constant 0 : i32
              %dma_wait3A_608 = arith.constant 0 : i32
              %dma_wait3A_609 = arith.constant 0 : i32
              %dma_wait3A_610 = arith.constant 0 : i32
              %dma_wait3A_611 = arith.constant 0 : i32
              %dma_wait3A_612 = tpu.memref_slice %arg9[%dma_wait3A_610, %dma_wait3A_611] : memref<32x129xf32, #tpu.memory_space<vmem>> -> memref<8x128xf32, #tpu.memory_space<vmem>>
              %dma_wait3A_613 = arith.constant 0 : i32
              %dma_wait3A_614 = arith.constant 0 : i32
              %dma_wait3A_615 = tpu.memref_slice %arg4[%dma_wait3A_607, %dma_wait3A_608, %dma_wait3A_609, %dma_wait3A_613, %dma_wait3A_614] : memref<200x4x128x8x128xf32, #tpu.memory_space<hbm>> -> memref<1x1x1x8x128xf32, #tpu.memory_space<hbm>>
              %dma_wait3A_616 = tpu.memref_squeeze %dma_wait3A_615 : memref<1x1x1x8x128xf32, #tpu.memory_space<hbm>> -> memref<8x128xf32, #tpu.memory_space<hbm>>
              %dma_wait3A_617 = arith.constant 0 : i32
              %dma_wait3A_618 = arith.constant 0 : i32
              %dma_wait3A_619 = tpu.memref_slice %arg4[%dma_wait3A_607, %dma_wait3A_608, %dma_wait3A_609, %dma_wait3A_617, %dma_wait3A_618] : memref<200x4x128x8x128xf32, #tpu.memory_space<hbm>> -> memref<1x1x1x8x128xf32, #tpu.memory_space<hbm>>
              %dma_wait3A_620 = tpu.memref_squeeze %dma_wait3A_619 : memref<1x1x1x8x128xf32, #tpu.memory_space<hbm>> -> memref<8x128xf32, #tpu.memory_space<hbm>>
              %dma_wait3A_621 = arith.constant 0 : i32
              %dma_wait3A_622 = arith.constant 0 : i32
              %dma_wait3A_623 = tpu.memref_slice %arg9[%dma_wait3A_621, %dma_wait3A_622] : memref<32x129xf32, #tpu.memory_space<vmem>> -> memref<8x128xf32, #tpu.memory_space<vmem>>
              tpu.wait_dma2 semaphore(%arg15 : memref<!tpu.dma_semaphore, #tpu.memory_space<semaphore_mem>>) src(%dma_wait3A_623 : memref<8x128xf32, #tpu.memory_space<vmem>>) dst(%dma_wait3A_620 : memref<8x128xf32, #tpu.memory_space<hbm>>)
              %dma_wait3A_624 = arith.constant 0 : i32
              %dma_wait3A_625 = arith.constant 0 : i32
              %dma_wait3A_626 = arith.constant 0 : i32
              %dma_wait3A_627 = arith.constant 8 : i32
              %dma_wait3A_628 = arith.constant 0 : i32
              %dma_wait3A_629 = tpu.memref_slice %arg9[%dma_wait3A_627, %dma_wait3A_628] : memref<32x129xf32, #tpu.memory_space<vmem>> -> memref<8x128xf32, #tpu.memory_space<vmem>>
              %dma_wait3A_630 = arith.constant 0 : i32
              %dma_wait3A_631 = arith.constant 0 : i32
              %dma_wait3A_632 = tpu.memref_slice %arg4[%dma_wait3A_624, %dma_wait3A_625, %dma_wait3A_626, %dma_wait3A_630, %dma_wait3A_631] : memref<200x4x128x8x128xf32, #tpu.memory_space<hbm>> -> memref<1x1x1x8x128xf32, #tpu.memory_space<hbm>>
              %dma_wait3A_633 = tpu.memref_squeeze %dma_wait3A_632 : memref<1x1x1x8x128xf32, #tpu.memory_space<hbm>> -> memref<8x128xf32, #tpu.memory_space<hbm>>
              %dma_wait3A_634 = arith.constant 0 : i32
              %dma_wait3A_635 = arith.constant 0 : i32
              %dma_wait3A_636 = tpu.memref_slice %arg4[%dma_wait3A_624, %dma_wait3A_625, %dma_wait3A_626, %dma_wait3A_634, %dma_wait3A_635] : memref<200x4x128x8x128xf32, #tpu.memory_space<hbm>> -> memref<1x1x1x8x128xf32, #tpu.memory_space<hbm>>
              %dma_wait3A_637 = tpu.memref_squeeze %dma_wait3A_636 : memref<1x1x1x8x128xf32, #tpu.memory_space<hbm>> -> memref<8x128xf32, #tpu.memory_space<hbm>>
              %dma_wait3A_638 = arith.constant 8 : i32
              %dma_wait3A_639 = arith.constant 0 : i32
              %dma_wait3A_640 = tpu.memref_slice %arg9[%dma_wait3A_638, %dma_wait3A_639] : memref<32x129xf32, #tpu.memory_space<vmem>> -> memref<8x128xf32, #tpu.memory_space<vmem>>
              tpu.wait_dma2 semaphore(%arg15 : memref<!tpu.dma_semaphore, #tpu.memory_space<semaphore_mem>>) src(%dma_wait3A_640 : memref<8x128xf32, #tpu.memory_space<vmem>>) dst(%dma_wait3A_637 : memref<8x128xf32, #tpu.memory_space<hbm>>)
              %dma_wait3A_641 = arith.constant 0 : i32
              %dma_wait3A_642 = arith.constant 0 : i32
              %dma_wait3A_643 = arith.constant 0 : i32
              %dma_wait3A_644 = arith.constant 16 : i32
              %dma_wait3A_645 = arith.constant 0 : i32
              %dma_wait3A_646 = tpu.memref_slice %arg9[%dma_wait3A_644, %dma_wait3A_645] : memref<32x129xf32, #tpu.memory_space<vmem>> -> memref<8x128xf32, #tpu.memory_space<vmem>>
              %dma_wait3A_647 = arith.constant 0 : i32
              %dma_wait3A_648 = arith.constant 0 : i32
              %dma_wait3A_649 = tpu.memref_slice %arg4[%dma_wait3A_641, %dma_wait3A_642, %dma_wait3A_643, %dma_wait3A_647, %dma_wait3A_648] : memref<200x4x128x8x128xf32, #tpu.memory_space<hbm>> -> memref<1x1x1x8x128xf32, #tpu.memory_space<hbm>>
              %dma_wait3A_650 = tpu.memref_squeeze %dma_wait3A_649 : memref<1x1x1x8x128xf32, #tpu.memory_space<hbm>> -> memref<8x128xf32, #tpu.memory_space<hbm>>
              %dma_wait3A_651 = arith.constant 0 : i32
              %dma_wait3A_652 = arith.constant 0 : i32
              %dma_wait3A_653 = tpu.memref_slice %arg4[%dma_wait3A_641, %dma_wait3A_642, %dma_wait3A_643, %dma_wait3A_651, %dma_wait3A_652] : memref<200x4x128x8x128xf32, #tpu.memory_space<hbm>> -> memref<1x1x1x8x128xf32, #tpu.memory_space<hbm>>
              %dma_wait3A_654 = tpu.memref_squeeze %dma_wait3A_653 : memref<1x1x1x8x128xf32, #tpu.memory_space<hbm>> -> memref<8x128xf32, #tpu.memory_space<hbm>>
              %dma_wait3A_655 = arith.constant 16 : i32
              %dma_wait3A_656 = arith.constant 0 : i32
              %dma_wait3A_657 = tpu.memref_slice %arg9[%dma_wait3A_655, %dma_wait3A_656] : memref<32x129xf32, #tpu.memory_space<vmem>> -> memref<8x128xf32, #tpu.memory_space<vmem>>
              tpu.wait_dma2 semaphore(%arg15 : memref<!tpu.dma_semaphore, #tpu.memory_space<semaphore_mem>>) src(%dma_wait3A_657 : memref<8x128xf32, #tpu.memory_space<vmem>>) dst(%dma_wait3A_654 : memref<8x128xf32, #tpu.memory_space<hbm>>)
              %dma_wait3A_658 = arith.constant 0 : i32
              %dma_wait3A_659 = arith.constant 0 : i32
              %dma_wait3A_660 = arith.constant 0 : i32
              %dma_wait3A_661 = arith.constant 24 : i32
              %dma_wait3A_662 = arith.constant 0 : i32
              %dma_wait3A_663 = tpu.memref_slice %arg9[%dma_wait3A_661, %dma_wait3A_662] : memref<32x129xf32, #tpu.memory_space<vmem>> -> memref<8x128xf32, #tpu.memory_space<vmem>>
              %dma_wait3A_664 = arith.constant 0 : i32
              %dma_wait3A_665 = arith.constant 0 : i32
              %dma_wait3A_666 = tpu.memref_slice %arg4[%dma_wait3A_658, %dma_wait3A_659, %dma_wait3A_660, %dma_wait3A_664, %dma_wait3A_665] : memref<200x4x128x8x128xf32, #tpu.memory_space<hbm>> -> memref<1x1x1x8x128xf32, #tpu.memory_space<hbm>>
              %dma_wait3A_667 = tpu.memref_squeeze %dma_wait3A_666 : memref<1x1x1x8x128xf32, #tpu.memory_space<hbm>> -> memref<8x128xf32, #tpu.memory_space<hbm>>
              %dma_wait3A_668 = arith.constant 0 : i32
              %dma_wait3A_669 = arith.constant 0 : i32
              %dma_wait3A_670 = tpu.memref_slice %arg4[%dma_wait3A_658, %dma_wait3A_659, %dma_wait3A_660, %dma_wait3A_668, %dma_wait3A_669] : memref<200x4x128x8x128xf32, #tpu.memory_space<hbm>> -> memref<1x1x1x8x128xf32, #tpu.memory_space<hbm>>
              %dma_wait3A_671 = tpu.memref_squeeze %dma_wait3A_670 : memref<1x1x1x8x128xf32, #tpu.memory_space<hbm>> -> memref<8x128xf32, #tpu.memory_space<hbm>>
              %dma_wait3A_672 = arith.constant 24 : i32
              %dma_wait3A_673 = arith.constant 0 : i32
              %dma_wait3A_674 = tpu.memref_slice %arg9[%dma_wait3A_672, %dma_wait3A_673] : memref<32x129xf32, #tpu.memory_space<vmem>> -> memref<8x128xf32, #tpu.memory_space<vmem>>
              tpu.wait_dma2 semaphore(%arg15 : memref<!tpu.dma_semaphore, #tpu.memory_space<semaphore_mem>>) src(%dma_wait3A_674 : memref<8x128xf32, #tpu.memory_space<vmem>>) dst(%dma_wait3A_671 : memref<8x128xf32, #tpu.memory_space<hbm>>)
            } else {
            }
            %mul3A_495 = arith.constant 128 : i32
            %mul3A_496 = arith.muli %scan3A_447, %mul3A_495 : i32
            %scan3A_497 = arith.constant 0 : i32
            %scan3A_498 = arith.constant 0 : i32
            %scan3A_499 = arith.constant 32 : i32
            %scan3A_500 = arith.addi %scan3A_498, %scan3A_499 : i32
            %scan3A_501 = arith.constant 1 : i32
            scf.for %scan3A_607 = %scan3A_498 to %scan3A_500 step %scan3A_501  : i32 {
              %mul3A_608 = arith.constant 4 : i32
              %mul3A_609 = arith.muli %mul3A_608, %scan3A_607 : i32
              %add3A_610 = arith.addi %mul3A_496, %mul3A_609 : i32
              %add3A_611 = arith.constant 0 : i32
              %add3A_612 = arith.addi %add3A_610, %add3A_611 : i32
              %get3A = arith.index_cast %add3A_612 : i32 to index
              %get3A_613 = arith.constant 0 : index
              %get3A_614 = tpu.vector_load %arg8[%get3A, %get3A_613] {strides = array<i32>} : memref<1024x32xf32, #tpu.memory_space<vmem>>, vector<16xf32>,
              %add3A_615 = arith.addi %mul3A_496, %mul3A_609 : i32
              %add3A_616 = arith.constant 0 : i32
              %add3A_617 = arith.addi %add3A_615, %add3A_616 : i32
              %get3A_618 = arith.index_cast %add3A_617 : i32 to index
              %get3A_619 = arith.constant 16 : index
              %get3A_620 = tpu.vector_load %arg8[%get3A_618, %get3A_619] {strides = array<i32>} : memref<1024x32xf32, #tpu.memory_space<vmem>>, vector<16xf32>,
              %add3A_621 = arith.addi %mul3A_496, %mul3A_609 : i32
              %add3A_622 = arith.constant 1 : i32
              %add3A_623 = arith.addi %add3A_621, %add3A_622 : i32
              %get3A_624 = arith.index_cast %add3A_623 : i32 to index
              %get3A_625 = arith.constant 0 : index
              %get3A_626 = tpu.vector_load %arg8[%get3A_624, %get3A_625] {strides = array<i32>} : memref<1024x32xf32, #tpu.memory_space<vmem>>, vector<16xf32>,
              %add3A_627 = arith.addi %mul3A_496, %mul3A_609 : i32
              %add3A_628 = arith.constant 1 : i32
              %add3A_629 = arith.addi %add3A_627, %add3A_628 : i32
              %get3A_630 = arith.index_cast %add3A_629 : i32 to index
              %get3A_631 = arith.constant 16 : index
              %get3A_632 = tpu.vector_load %arg8[%get3A_630, %get3A_631] {strides = array<i32>} : memref<1024x32xf32, #tpu.memory_space<vmem>>, vector<16xf32>,
              %add3A_633 = arith.addi %mul3A_496, %mul3A_609 : i32
              %add3A_634 = arith.constant 2 : i32
              %add3A_635 = arith.addi %add3A_633, %add3A_634 : i32
              %get3A_636 = arith.index_cast %add3A_635 : i32 to index
              %get3A_637 = arith.constant 0 : index
              %get3A_638 = tpu.vector_load %arg8[%get3A_636, %get3A_637] {strides = array<i32>} : memref<1024x32xf32, #tpu.memory_space<vmem>>, vector<16xf32>,
              %add3A_639 = arith.addi %mul3A_496, %mul3A_609 : i32
              %add3A_640 = arith.constant 2 : i32
              %add3A_641 = arith.addi %add3A_639, %add3A_640 : i32
              %get3A_642 = arith.index_cast %add3A_641 : i32 to index
              %get3A_643 = arith.constant 16 : index
              %get3A_644 = tpu.vector_load %arg8[%get3A_642, %get3A_643] {strides = array<i32>} : memref<1024x32xf32, #tpu.memory_space<vmem>>, vector<16xf32>,
              %add3A_645 = arith.addi %mul3A_496, %mul3A_609 : i32
              %add3A_646 = arith.constant 3 : i32
              %add3A_647 = arith.addi %add3A_645, %add3A_646 : i32
              %get3A_648 = arith.index_cast %add3A_647 : i32 to index
              %get3A_649 = arith.constant 0 : index
              %get3A_650 = tpu.vector_load %arg8[%get3A_648, %get3A_649] {strides = array<i32>} : memref<1024x32xf32, #tpu.memory_space<vmem>>, vector<16xf32>,
              %add3A_651 = arith.addi %mul3A_496, %mul3A_609 : i32
              %add3A_652 = arith.constant 3 : i32
              %add3A_653 = arith.addi %add3A_651, %add3A_652 : i32
              %get3A_654 = arith.index_cast %add3A_653 : i32 to index
              %get3A_655 = arith.constant 16 : index
              %get3A_656 = tpu.vector_load %arg8[%get3A_654, %get3A_655] {strides = array<i32>} : memref<1024x32xf32, #tpu.memory_space<vmem>>, vector<16xf32>,
              %add3A_657 = arith.constant 0 : i32
              %add3A_658 = arith.addi %mul3A_609, %add3A_657 : i32
              %broadcast_in_dim3A = vector.broadcast %add3A_658 : i32 to vector<16xi32>
              tpu.vector_store_idx %arg9[%add3A_5, %broadcast_in_dim3A], %get3A_614 : memref<32x129xf32, #tpu.memory_space<vmem>>[vector<16xi32>, vector<16xi32>], vector<16xf32>,
              tpu.vector_store_idx %arg9[%add3A_8, %broadcast_in_dim3A], %get3A_620 : memref<32x129xf32, #tpu.memory_space<vmem>>[vector<16xi32>, vector<16xi32>], vector<16xf32>,
              %add3A_659 = arith.constant 1 : i32
              %add3A_660 = arith.addi %mul3A_609, %add3A_659 : i32
              %broadcast_in_dim3A_661 = vector.broadcast %add3A_660 : i32 to vector<16xi32>
              tpu.vector_store_idx %arg9[%add3A_5, %broadcast_in_dim3A_661], %get3A_626 : memref<32x129xf32, #tpu.memory_space<vmem>>[vector<16xi32>, vector<16xi32>], vector<16xf32>,
              tpu.vector_store_idx %arg9[%add3A_8, %broadcast_in_dim3A_661], %get3A_632 : memref<32x129xf32, #tpu.memory_space<vmem>>[vector<16xi32>, vector<16xi32>], vector<16xf32>,
              %add3A_662 = arith.constant 2 : i32
              %add3A_663 = arith.addi %mul3A_609, %add3A_662 : i32
              %broadcast_in_dim3A_664 = vector.broadcast %add3A_663 : i32 to vector<16xi32>
              tpu.vector_store_idx %arg9[%add3A_5, %broadcast_in_dim3A_664], %get3A_638 : memref<32x129xf32, #tpu.memory_space<vmem>>[vector<16xi32>, vector<16xi32>], vector<16xf32>,
              tpu.vector_store_idx %arg9[%add3A_8, %broadcast_in_dim3A_664], %get3A_644 : memref<32x129xf32, #tpu.memory_space<vmem>>[vector<16xi32>, vector<16xi32>], vector<16xf32>,
              %add3A_665 = arith.constant 3 : i32
              %add3A_666 = arith.addi %mul3A_609, %add3A_665 : i32
              %broadcast_in_dim3A_667 = vector.broadcast %add3A_666 : i32 to vector<16xi32>
              tpu.vector_store_idx %arg9[%add3A_5, %broadcast_in_dim3A_667], %get3A_650 : memref<32x129xf32, #tpu.memory_space<vmem>>[vector<16xi32>, vector<16xi32>], vector<16xf32>,
              tpu.vector_store_idx %arg9[%add3A_8, %broadcast_in_dim3A_667], %get3A_656 : memref<32x129xf32, #tpu.memory_space<vmem>>[vector<16xi32>, vector<16xi32>], vector<16xf32>,
            }
            %scan3A_502 = arith.constant 32 : i32
            %add3A_503 = arith.addi %mul3A_2, %scan3A_310 : i32
            %jit3A_504 = arith.constant 128 : i32
            %div3A_505 = arith.divsi %add3A_503, %jit3A_504 : i32
            %sign3A_506 = arith.constant 0 : i32
            %sign3A_507 = arith.cmpi sgt, %add3A_503, %sign3A_506 : i32
            %sign3A_508 = arith.extui %sign3A_507 : i1 to i32
            %sign3A_509 = arith.constant 0 : i32
            %sign3A_510 = arith.cmpi slt, %add3A_503, %sign3A_509 : i32
            %sign3A_511 = arith.extui %sign3A_510 : i1 to i32
            %sign3A_512 = arith.subi %sign3A_508, %sign3A_511 : i32
            %sign3A_513 = arith.constant 0 : i32
            %sign3A_514 = arith.cmpi sgt, %jit3A_504, %sign3A_513 : i32
            %sign3A_515 = arith.extui %sign3A_514 : i1 to i32
            %sign3A_516 = arith.constant 0 : i32
            %sign3A_517 = arith.cmpi slt, %jit3A_504, %sign3A_516 : i32
            %sign3A_518 = arith.extui %sign3A_517 : i1 to i32
            %sign3A_519 = arith.subi %sign3A_515, %sign3A_518 : i32
            %ne3A_520 = arith.cmpi ne, %sign3A_512, %sign3A_519 : i32
            %rem3A_521 = arith.remsi %add3A_503, %jit3A_504 : i32
            %ne3A_522 = arith.constant 0 : i32
            %ne3A_523 = arith.cmpi ne, %rem3A_521, %ne3A_522 : i32
            %and3A_524 = arith.andi %ne3A_520, %ne3A_523 : i1
            %sub3A_525 = arith.constant 1 : i32
            %sub3A_526 = arith.subi %div3A_505, %sub3A_525 : i32
            %select_n3A_527 = arith.select %and3A_524, %sub3A_526, %div3A_505 : i32
            %mul3A_528 = arith.constant 8 : i32
            %mul3A_529 = arith.muli %select_n3A_527, %mul3A_528 : i32
            %add3A_530 = arith.addi %mul3A_529, %scan3A_447 : i32
            %jit3A_531 = arith.constant 128 : i32
            %eq3A_532 = arith.constant 0 : i32
            %eq3A_533 = arith.cmpi eq, %jit3A_531, %eq3A_532 : i32
            %jit3A_534 = arith.constant 1 : i32
            %select_n3A_535 = arith.select %eq3A_533, %jit3A_534, %jit3A_531 : i32
            %rem3A_536 = arith.remsi %add3A_503, %select_n3A_535 : i32
            %ne3A_537 = arith.constant 0 : i32
            %ne3A_538 = arith.cmpi ne, %rem3A_536, %ne3A_537 : i32
            %lt3A_539 = arith.constant 0 : i32
            %lt3A_540 = arith.cmpi slt, %rem3A_536, %lt3A_539 : i32
            %lt3A_541 = arith.constant 0 : i32
            %lt3A_542 = arith.cmpi slt, %select_n3A_535, %lt3A_541 : i32
            %ne3A_543 = arith.xori %lt3A_540, %lt3A_542 : i1
            %and3A_544 = arith.andi %ne3A_543, %ne3A_538 : i1
            %add3A_545 = arith.addi %rem3A_536, %select_n3A_535 : i32
            %select_n3A_546 = arith.select %and3A_544, %add3A_545, %rem3A_536 : i32
            %dma_start3A_547 = arith.constant 0 : i32
            %dma_start3A_548 = arith.constant 0 : i32
            %dma_start3A_549 = arith.constant 0 : i32
            %dma_start3A_550 = tpu.memref_slice %arg9[%dma_start3A_548, %dma_start3A_549] : memref<32x129xf32, #tpu.memory_space<vmem>> -> memref<8x128xf32, #tpu.memory_space<vmem>>
            %dma_start3A_551 = arith.constant 0 : i32
            %dma_start3A_552 = arith.constant 0 : i32
            %dma_start3A_553 = tpu.memref_slice %arg4[%add3A_530, %dma_start3A_547, %select_n3A_546, %dma_start3A_551, %dma_start3A_552] : memref<200x4x128x8x128xf32, #tpu.memory_space<hbm>> -> memref<1x1x1x8x128xf32, #tpu.memory_space<hbm>>
            %dma_start3A_554 = tpu.memref_squeeze %dma_start3A_553 : memref<1x1x1x8x128xf32, #tpu.memory_space<hbm>> -> memref<8x128xf32, #tpu.memory_space<hbm>>
            %dma_start3A_555 = arith.constant 0 : i32
            %dma_start3A_556 = arith.constant 0 : i32
            %dma_start3A_557 = tpu.memref_slice %arg4[%add3A_530, %dma_start3A_547, %select_n3A_546, %dma_start3A_555, %dma_start3A_556] : memref<200x4x128x8x128xf32, #tpu.memory_space<hbm>> -> memref<1x1x1x8x128xf32, #tpu.memory_space<hbm>>
            %dma_start3A_558 = tpu.memref_squeeze %dma_start3A_557 : memref<1x1x1x8x128xf32, #tpu.memory_space<hbm>> -> memref<8x128xf32, #tpu.memory_space<hbm>>
            %dma_start3A_559 = arith.constant 0 : i32
            %dma_start3A_560 = arith.constant 0 : i32
            %dma_start3A_561 = tpu.memref_slice %arg9[%dma_start3A_559, %dma_start3A_560] : memref<32x129xf32, #tpu.memory_space<vmem>> -> memref<8x128xf32, #tpu.memory_space<vmem>>
            tpu.enqueue_dma source(%dma_start3A_561 : memref<8x128xf32, #tpu.memory_space<vmem>>) target(%dma_start3A_558 : memref<8x128xf32, #tpu.memory_space<hbm>>) target_semaphore(%arg15 : memref<!tpu.dma_semaphore, #tpu.memory_space<semaphore_mem>>)
            %dma_start3A_562 = arith.constant 1 : i32
            %dma_start3A_563 = arith.constant 8 : i32
            %dma_start3A_564 = arith.constant 0 : i32
            %dma_start3A_565 = tpu.memref_slice %arg9[%dma_start3A_563, %dma_start3A_564] : memref<32x129xf32, #tpu.memory_space<vmem>> -> memref<8x128xf32, #tpu.memory_space<vmem>>
            %dma_start3A_566 = arith.constant 0 : i32
            %dma_start3A_567 = arith.constant 0 : i32
            %dma_start3A_568 = tpu.memref_slice %arg4[%add3A_530, %dma_start3A_562, %select_n3A_546, %dma_start3A_566, %dma_start3A_567] : memref<200x4x128x8x128xf32, #tpu.memory_space<hbm>> -> memref<1x1x1x8x128xf32, #tpu.memory_space<hbm>>
            %dma_start3A_569 = tpu.memref_squeeze %dma_start3A_568 : memref<1x1x1x8x128xf32, #tpu.memory_space<hbm>> -> memref<8x128xf32, #tpu.memory_space<hbm>>
            %dma_start3A_570 = arith.constant 0 : i32
            %dma_start3A_571 = arith.constant 0 : i32
            %dma_start3A_572 = tpu.memref_slice %arg4[%add3A_530, %dma_start3A_562, %select_n3A_546, %dma_start3A_570, %dma_start3A_571] : memref<200x4x128x8x128xf32, #tpu.memory_space<hbm>> -> memref<1x1x1x8x128xf32, #tpu.memory_space<hbm>>
            %dma_start3A_573 = tpu.memref_squeeze %dma_start3A_572 : memref<1x1x1x8x128xf32, #tpu.memory_space<hbm>> -> memref<8x128xf32, #tpu.memory_space<hbm>>
            %dma_start3A_574 = arith.constant 8 : i32
            %dma_start3A_575 = arith.constant 0 : i32
            %dma_start3A_576 = tpu.memref_slice %arg9[%dma_start3A_574, %dma_start3A_575] : memref<32x129xf32, #tpu.memory_space<vmem>> -> memref<8x128xf32, #tpu.memory_space<vmem>>
            tpu.enqueue_dma source(%dma_start3A_576 : memref<8x128xf32, #tpu.memory_space<vmem>>) target(%dma_start3A_573 : memref<8x128xf32, #tpu.memory_space<hbm>>) target_semaphore(%arg15 : memref<!tpu.dma_semaphore, #tpu.memory_space<semaphore_mem>>)
            %dma_start3A_577 = arith.constant 2 : i32
            %dma_start3A_578 = arith.constant 16 : i32
            %dma_start3A_579 = arith.constant 0 : i32
            %dma_start3A_580 = tpu.memref_slice %arg9[%dma_start3A_578, %dma_start3A_579] : memref<32x129xf32, #tpu.memory_space<vmem>> -> memref<8x128xf32, #tpu.memory_space<vmem>>
            %dma_start3A_581 = arith.constant 0 : i32
            %dma_start3A_582 = arith.constant 0 : i32
            %dma_start3A_583 = tpu.memref_slice %arg4[%add3A_530, %dma_start3A_577, %select_n3A_546, %dma_start3A_581, %dma_start3A_582] : memref<200x4x128x8x128xf32, #tpu.memory_space<hbm>> -> memref<1x1x1x8x128xf32, #tpu.memory_space<hbm>>
            %dma_start3A_584 = tpu.memref_squeeze %dma_start3A_583 : memref<1x1x1x8x128xf32, #tpu.memory_space<hbm>> -> memref<8x128xf32, #tpu.memory_space<hbm>>
            %dma_start3A_585 = arith.constant 0 : i32
            %dma_start3A_586 = arith.constant 0 : i32
            %dma_start3A_587 = tpu.memref_slice %arg4[%add3A_530, %dma_start3A_577, %select_n3A_546, %dma_start3A_585, %dma_start3A_586] : memref<200x4x128x8x128xf32, #tpu.memory_space<hbm>> -> memref<1x1x1x8x128xf32, #tpu.memory_space<hbm>>
            %dma_start3A_588 = tpu.memref_squeeze %dma_start3A_587 : memref<1x1x1x8x128xf32, #tpu.memory_space<hbm>> -> memref<8x128xf32, #tpu.memory_space<hbm>>
            %dma_start3A_589 = arith.constant 16 : i32
            %dma_start3A_590 = arith.constant 0 : i32
            %dma_start3A_591 = tpu.memref_slice %arg9[%dma_start3A_589, %dma_start3A_590] : memref<32x129xf32, #tpu.memory_space<vmem>> -> memref<8x128xf32, #tpu.memory_space<vmem>>
            tpu.enqueue_dma source(%dma_start3A_591 : memref<8x128xf32, #tpu.memory_space<vmem>>) target(%dma_start3A_588 : memref<8x128xf32, #tpu.memory_space<hbm>>) target_semaphore(%arg15 : memref<!tpu.dma_semaphore, #tpu.memory_space<semaphore_mem>>)
            %dma_start3A_592 = arith.constant 3 : i32
            %dma_start3A_593 = arith.constant 24 : i32
            %dma_start3A_594 = arith.constant 0 : i32
            %dma_start3A_595 = tpu.memref_slice %arg9[%dma_start3A_593, %dma_start3A_594] : memref<32x129xf32, #tpu.memory_space<vmem>> -> memref<8x128xf32, #tpu.memory_space<vmem>>
            %dma_start3A_596 = arith.constant 0 : i32
            %dma_start3A_597 = arith.constant 0 : i32
            %dma_start3A_598 = tpu.memref_slice %arg4[%add3A_530, %dma_start3A_592, %select_n3A_546, %dma_start3A_596, %dma_start3A_597] : memref<200x4x128x8x128xf32, #tpu.memory_space<hbm>> -> memref<1x1x1x8x128xf32, #tpu.memory_space<hbm>>
            %dma_start3A_599 = tpu.memref_squeeze %dma_start3A_598 : memref<1x1x1x8x128xf32, #tpu.memory_space<hbm>> -> memref<8x128xf32, #tpu.memory_space<hbm>>
            %dma_start3A_600 = arith.constant 0 : i32
            %dma_start3A_601 = arith.constant 0 : i32
            %dma_start3A_602 = tpu.memref_slice %arg4[%add3A_530, %dma_start3A_592, %select_n3A_546, %dma_start3A_600, %dma_start3A_601] : memref<200x4x128x8x128xf32, #tpu.memory_space<hbm>> -> memref<1x1x1x8x128xf32, #tpu.memory_space<hbm>>
            %dma_start3A_603 = tpu.memref_squeeze %dma_start3A_602 : memref<1x1x1x8x128xf32, #tpu.memory_space<hbm>> -> memref<8x128xf32, #tpu.memory_space<hbm>>
            %dma_start3A_604 = arith.constant 24 : i32
            %dma_start3A_605 = arith.constant 0 : i32
            %dma_start3A_606 = tpu.memref_slice %arg9[%dma_start3A_604, %dma_start3A_605] : memref<32x129xf32, #tpu.memory_space<vmem>> -> memref<8x128xf32, #tpu.memory_space<vmem>>
            tpu.enqueue_dma source(%dma_start3A_606 : memref<8x128xf32, #tpu.memory_space<vmem>>) target(%dma_start3A_603 : memref<8x128xf32, #tpu.memory_space<hbm>>) target_semaphore(%arg15 : memref<!tpu.dma_semaphore, #tpu.memory_space<semaphore_mem>>)
          } else {
          }
          %jit3A_469 = arith.constant 2 : i32
          %eq3A_470 = arith.constant 0 : i32
          %eq3A_471 = arith.cmpi eq, %jit3A_469, %eq3A_470 : i32
          %jit3A_472 = arith.constant 1 : i32
          %select_n3A_473 = arith.select %eq3A_471, %jit3A_472, %jit3A_469 : i32
          %rem3A_474 = arith.remsi %scan3A_447, %select_n3A_473 : i32
          %ne3A_475 = arith.constant 0 : i32
          %ne3A_476 = arith.cmpi ne, %rem3A_474, %ne3A_475 : i32
          %lt3A_477 = arith.constant 0 : i32
          %lt3A_478 = arith.cmpi slt, %rem3A_474, %lt3A_477 : i32
          %lt3A_479 = arith.constant 0 : i32
          %lt3A_480 = arith.cmpi slt, %select_n3A_473, %lt3A_479 : i32
          %ne3A_481 = arith.xori %lt3A_478, %lt3A_480 : i1
          %and3A_482 = arith.andi %ne3A_481, %ne3A_476 : i1
          %add3A_483 = arith.addi %rem3A_474, %select_n3A_473 : i32
          %select_n3A_484 = arith.select %and3A_482, %add3A_483, %rem3A_474 : i32
          %eq3A_485 = arith.constant 1 : i32
          %eq3A_486 = arith.cmpi eq, %select_n3A_484, %eq3A_485 : i32
          %convert_element_type3A_487 = arith.extui %eq3A_486 : i1 to i32
          %cond3A_488 = arith.constant 0 : i32
          %cond3A_489 = arith.cmpi ne, %convert_element_type3A_487, %cond3A_488 : i32
          scf.if %cond3A_489 {
            %gt3A = arith.constant 0 : i32
            %gt3A_490 = arith.cmpi sgt, %scan3A_310, %gt3A : i32
            %ge3A = arith.constant 2 : i32
            %ge3A_491 = arith.cmpi sge, %scan3A_447, %ge3A : i32
            %or3A = arith.ori %gt3A_490, %ge3A_491 : i1
            %convert_element_type3A_492 = arith.extui %or3A : i1 to i32
            %cond3A_493 = arith.constant 0 : i32
            %cond3A_494 = arith.cmpi ne, %convert_element_type3A_492, %cond3A_493 : i32
            scf.if %cond3A_494 {
              %dma_wait3A_607 = arith.constant 0 : i32
              %dma_wait3A_608 = arith.constant 0 : i32
              %dma_wait3A_609 = arith.constant 0 : i32
              %dma_wait3A_610 = arith.constant 0 : i32
              %dma_wait3A_611 = arith.constant 0 : i32
              %dma_wait3A_612 = tpu.memref_slice %arg10[%dma_wait3A_610, %dma_wait3A_611] : memref<32x129xf32, #tpu.memory_space<vmem>> -> memref<8x128xf32, #tpu.memory_space<vmem>>
              %dma_wait3A_613 = arith.constant 0 : i32
              %dma_wait3A_614 = arith.constant 0 : i32
              %dma_wait3A_615 = tpu.memref_slice %arg4[%dma_wait3A_607, %dma_wait3A_608, %dma_wait3A_609, %dma_wait3A_613, %dma_wait3A_614] : memref<200x4x128x8x128xf32, #tpu.memory_space<hbm>> -> memref<1x1x1x8x128xf32, #tpu.memory_space<hbm>>
              %dma_wait3A_616 = tpu.memref_squeeze %dma_wait3A_615 : memref<1x1x1x8x128xf32, #tpu.memory_space<hbm>> -> memref<8x128xf32, #tpu.memory_space<hbm>>
              %dma_wait3A_617 = arith.constant 0 : i32
              %dma_wait3A_618 = arith.constant 0 : i32
              %dma_wait3A_619 = tpu.memref_slice %arg4[%dma_wait3A_607, %dma_wait3A_608, %dma_wait3A_609, %dma_wait3A_617, %dma_wait3A_618] : memref<200x4x128x8x128xf32, #tpu.memory_space<hbm>> -> memref<1x1x1x8x128xf32, #tpu.memory_space<hbm>>
              %dma_wait3A_620 = tpu.memref_squeeze %dma_wait3A_619 : memref<1x1x1x8x128xf32, #tpu.memory_space<hbm>> -> memref<8x128xf32, #tpu.memory_space<hbm>>
              %dma_wait3A_621 = arith.constant 0 : i32
              %dma_wait3A_622 = arith.constant 0 : i32
              %dma_wait3A_623 = tpu.memref_slice %arg10[%dma_wait3A_621, %dma_wait3A_622] : memref<32x129xf32, #tpu.memory_space<vmem>> -> memref<8x128xf32, #tpu.memory_space<vmem>>
              tpu.wait_dma2 semaphore(%arg16 : memref<!tpu.dma_semaphore, #tpu.memory_space<semaphore_mem>>) src(%dma_wait3A_623 : memref<8x128xf32, #tpu.memory_space<vmem>>) dst(%dma_wait3A_620 : memref<8x128xf32, #tpu.memory_space<hbm>>)
              %dma_wait3A_624 = arith.constant 0 : i32
              %dma_wait3A_625 = arith.constant 0 : i32
              %dma_wait3A_626 = arith.constant 0 : i32
              %dma_wait3A_627 = arith.constant 8 : i32
              %dma_wait3A_628 = arith.constant 0 : i32
              %dma_wait3A_629 = tpu.memref_slice %arg10[%dma_wait3A_627, %dma_wait3A_628] : memref<32x129xf32, #tpu.memory_space<vmem>> -> memref<8x128xf32, #tpu.memory_space<vmem>>
              %dma_wait3A_630 = arith.constant 0 : i32
              %dma_wait3A_631 = arith.constant 0 : i32
              %dma_wait3A_632 = tpu.memref_slice %arg4[%dma_wait3A_624, %dma_wait3A_625, %dma_wait3A_626, %dma_wait3A_630, %dma_wait3A_631] : memref<200x4x128x8x128xf32, #tpu.memory_space<hbm>> -> memref<1x1x1x8x128xf32, #tpu.memory_space<hbm>>
              %dma_wait3A_633 = tpu.memref_squeeze %dma_wait3A_632 : memref<1x1x1x8x128xf32, #tpu.memory_space<hbm>> -> memref<8x128xf32, #tpu.memory_space<hbm>>
              %dma_wait3A_634 = arith.constant 0 : i32
              %dma_wait3A_635 = arith.constant 0 : i32
              %dma_wait3A_636 = tpu.memref_slice %arg4[%dma_wait3A_624, %dma_wait3A_625, %dma_wait3A_626, %dma_wait3A_634, %dma_wait3A_635] : memref<200x4x128x8x128xf32, #tpu.memory_space<hbm>> -> memref<1x1x1x8x128xf32, #tpu.memory_space<hbm>>
              %dma_wait3A_637 = tpu.memref_squeeze %dma_wait3A_636 : memref<1x1x1x8x128xf32, #tpu.memory_space<hbm>> -> memref<8x128xf32, #tpu.memory_space<hbm>>
              %dma_wait3A_638 = arith.constant 8 : i32
              %dma_wait3A_639 = arith.constant 0 : i32
              %dma_wait3A_640 = tpu.memref_slice %arg10[%dma_wait3A_638, %dma_wait3A_639] : memref<32x129xf32, #tpu.memory_space<vmem>> -> memref<8x128xf32, #tpu.memory_space<vmem>>
              tpu.wait_dma2 semaphore(%arg16 : memref<!tpu.dma_semaphore, #tpu.memory_space<semaphore_mem>>) src(%dma_wait3A_640 : memref<8x128xf32, #tpu.memory_space<vmem>>) dst(%dma_wait3A_637 : memref<8x128xf32, #tpu.memory_space<hbm>>)
              %dma_wait3A_641 = arith.constant 0 : i32
              %dma_wait3A_642 = arith.constant 0 : i32
              %dma_wait3A_643 = arith.constant 0 : i32
              %dma_wait3A_644 = arith.constant 16 : i32
              %dma_wait3A_645 = arith.constant 0 : i32
              %dma_wait3A_646 = tpu.memref_slice %arg10[%dma_wait3A_644, %dma_wait3A_645] : memref<32x129xf32, #tpu.memory_space<vmem>> -> memref<8x128xf32, #tpu.memory_space<vmem>>
              %dma_wait3A_647 = arith.constant 0 : i32
              %dma_wait3A_648 = arith.constant 0 : i32
              %dma_wait3A_649 = tpu.memref_slice %arg4[%dma_wait3A_641, %dma_wait3A_642, %dma_wait3A_643, %dma_wait3A_647, %dma_wait3A_648] : memref<200x4x128x8x128xf32, #tpu.memory_space<hbm>> -> memref<1x1x1x8x128xf32, #tpu.memory_space<hbm>>
              %dma_wait3A_650 = tpu.memref_squeeze %dma_wait3A_649 : memref<1x1x1x8x128xf32, #tpu.memory_space<hbm>> -> memref<8x128xf32, #tpu.memory_space<hbm>>
              %dma_wait3A_651 = arith.constant 0 : i32
              %dma_wait3A_652 = arith.constant 0 : i32
              %dma_wait3A_653 = tpu.memref_slice %arg4[%dma_wait3A_641, %dma_wait3A_642, %dma_wait3A_643, %dma_wait3A_651, %dma_wait3A_652] : memref<200x4x128x8x128xf32, #tpu.memory_space<hbm>> -> memref<1x1x1x8x128xf32, #tpu.memory_space<hbm>>
              %dma_wait3A_654 = tpu.memref_squeeze %dma_wait3A_653 : memref<1x1x1x8x128xf32, #tpu.memory_space<hbm>> -> memref<8x128xf32, #tpu.memory_space<hbm>>
              %dma_wait3A_655 = arith.constant 16 : i32
              %dma_wait3A_656 = arith.constant 0 : i32
              %dma_wait3A_657 = tpu.memref_slice %arg10[%dma_wait3A_655, %dma_wait3A_656] : memref<32x129xf32, #tpu.memory_space<vmem>> -> memref<8x128xf32, #tpu.memory_space<vmem>>
              tpu.wait_dma2 semaphore(%arg16 : memref<!tpu.dma_semaphore, #tpu.memory_space<semaphore_mem>>) src(%dma_wait3A_657 : memref<8x128xf32, #tpu.memory_space<vmem>>) dst(%dma_wait3A_654 : memref<8x128xf32, #tpu.memory_space<hbm>>)
              %dma_wait3A_658 = arith.constant 0 : i32
              %dma_wait3A_659 = arith.constant 0 : i32
              %dma_wait3A_660 = arith.constant 0 : i32
              %dma_wait3A_661 = arith.constant 24 : i32
              %dma_wait3A_662 = arith.constant 0 : i32
              %dma_wait3A_663 = tpu.memref_slice %arg10[%dma_wait3A_661, %dma_wait3A_662] : memref<32x129xf32, #tpu.memory_space<vmem>> -> memref<8x128xf32, #tpu.memory_space<vmem>>
              %dma_wait3A_664 = arith.constant 0 : i32
              %dma_wait3A_665 = arith.constant 0 : i32
              %dma_wait3A_666 = tpu.memref_slice %arg4[%dma_wait3A_658, %dma_wait3A_659, %dma_wait3A_660, %dma_wait3A_664, %dma_wait3A_665] : memref<200x4x128x8x128xf32, #tpu.memory_space<hbm>> -> memref<1x1x1x8x128xf32, #tpu.memory_space<hbm>>
              %dma_wait3A_667 = tpu.memref_squeeze %dma_wait3A_666 : memref<1x1x1x8x128xf32, #tpu.memory_space<hbm>> -> memref<8x128xf32, #tpu.memory_space<hbm>>
              %dma_wait3A_668 = arith.constant 0 : i32
              %dma_wait3A_669 = arith.constant 0 : i32
              %dma_wait3A_670 = tpu.memref_slice %arg4[%dma_wait3A_658, %dma_wait3A_659, %dma_wait3A_660, %dma_wait3A_668, %dma_wait3A_669] : memref<200x4x128x8x128xf32, #tpu.memory_space<hbm>> -> memref<1x1x1x8x128xf32, #tpu.memory_space<hbm>>
              %dma_wait3A_671 = tpu.memref_squeeze %dma_wait3A_670 : memref<1x1x1x8x128xf32, #tpu.memory_space<hbm>> -> memref<8x128xf32, #tpu.memory_space<hbm>>
              %dma_wait3A_672 = arith.constant 24 : i32
              %dma_wait3A_673 = arith.constant 0 : i32
              %dma_wait3A_674 = tpu.memref_slice %arg10[%dma_wait3A_672, %dma_wait3A_673] : memref<32x129xf32, #tpu.memory_space<vmem>> -> memref<8x128xf32, #tpu.memory_space<vmem>>
              tpu.wait_dma2 semaphore(%arg16 : memref<!tpu.dma_semaphore, #tpu.memory_space<semaphore_mem>>) src(%dma_wait3A_674 : memref<8x128xf32, #tpu.memory_space<vmem>>) dst(%dma_wait3A_671 : memref<8x128xf32, #tpu.memory_space<hbm>>)
            } else {
            }
            %mul3A_495 = arith.constant 128 : i32
            %mul3A_496 = arith.muli %scan3A_447, %mul3A_495 : i32
            %scan3A_497 = arith.constant 0 : i32
            %scan3A_498 = arith.constant 0 : i32
            %scan3A_499 = arith.constant 32 : i32
            %scan3A_500 = arith.addi %scan3A_498, %scan3A_499 : i32
            %scan3A_501 = arith.constant 1 : i32
            scf.for %scan3A_607 = %scan3A_498 to %scan3A_500 step %scan3A_501  : i32 {
              %mul3A_608 = arith.constant 4 : i32
              %mul3A_609 = arith.muli %mul3A_608, %scan3A_607 : i32
              %add3A_610 = arith.addi %mul3A_496, %mul3A_609 : i32
              %add3A_611 = arith.constant 0 : i32
              %add3A_612 = arith.addi %add3A_610, %add3A_611 : i32
              %get3A = arith.index_cast %add3A_612 : i32 to index
              %get3A_613 = arith.constant 0 : index
              %get3A_614 = tpu.vector_load %arg8[%get3A, %get3A_613] {strides = array<i32>} : memref<1024x32xf32, #tpu.memory_space<vmem>>, vector<16xf32>,
              %add3A_615 = arith.addi %mul3A_496, %mul3A_609 : i32
              %add3A_616 = arith.constant 0 : i32
              %add3A_617 = arith.addi %add3A_615, %add3A_616 : i32
              %get3A_618 = arith.index_cast %add3A_617 : i32 to index
              %get3A_619 = arith.constant 16 : index
              %get3A_620 = tpu.vector_load %arg8[%get3A_618, %get3A_619] {strides = array<i32>} : memref<1024x32xf32, #tpu.memory_space<vmem>>, vector<16xf32>,
              %add3A_621 = arith.addi %mul3A_496, %mul3A_609 : i32
              %add3A_622 = arith.constant 1 : i32
              %add3A_623 = arith.addi %add3A_621, %add3A_622 : i32
              %get3A_624 = arith.index_cast %add3A_623 : i32 to index
              %get3A_625 = arith.constant 0 : index
              %get3A_626 = tpu.vector_load %arg8[%get3A_624, %get3A_625] {strides = array<i32>} : memref<1024x32xf32, #tpu.memory_space<vmem>>, vector<16xf32>,
              %add3A_627 = arith.addi %mul3A_496, %mul3A_609 : i32
              %add3A_628 = arith.constant 1 : i32
              %add3A_629 = arith.addi %add3A_627, %add3A_628 : i32
              %get3A_630 = arith.index_cast %add3A_629 : i32 to index
              %get3A_631 = arith.constant 16 : index
              %get3A_632 = tpu.vector_load %arg8[%get3A_630, %get3A_631] {strides = array<i32>} : memref<1024x32xf32, #tpu.memory_space<vmem>>, vector<16xf32>,
              %add3A_633 = arith.addi %mul3A_496, %mul3A_609 : i32
              %add3A_634 = arith.constant 2 : i32
              %add3A_635 = arith.addi %add3A_633, %add3A_634 : i32
              %get3A_636 = arith.index_cast %add3A_635 : i32 to index
              %get3A_637 = arith.constant 0 : index
              %get3A_638 = tpu.vector_load %arg8[%get3A_636, %get3A_637] {strides = array<i32>} : memref<1024x32xf32, #tpu.memory_space<vmem>>, vector<16xf32>,
              %add3A_639 = arith.addi %mul3A_496, %mul3A_609 : i32
              %add3A_640 = arith.constant 2 : i32
              %add3A_641 = arith.addi %add3A_639, %add3A_640 : i32
              %get3A_642 = arith.index_cast %add3A_641 : i32 to index
              %get3A_643 = arith.constant 16 : index
              %get3A_644 = tpu.vector_load %arg8[%get3A_642, %get3A_643] {strides = array<i32>} : memref<1024x32xf32, #tpu.memory_space<vmem>>, vector<16xf32>,
              %add3A_645 = arith.addi %mul3A_496, %mul3A_609 : i32
              %add3A_646 = arith.constant 3 : i32
              %add3A_647 = arith.addi %add3A_645, %add3A_646 : i32
              %get3A_648 = arith.index_cast %add3A_647 : i32 to index
              %get3A_649 = arith.constant 0 : index
              %get3A_650 = tpu.vector_load %arg8[%get3A_648, %get3A_649] {strides = array<i32>} : memref<1024x32xf32, #tpu.memory_space<vmem>>, vector<16xf32>,
              %add3A_651 = arith.addi %mul3A_496, %mul3A_609 : i32
              %add3A_652 = arith.constant 3 : i32
              %add3A_653 = arith.addi %add3A_651, %add3A_652 : i32
              %get3A_654 = arith.index_cast %add3A_653 : i32 to index
              %get3A_655 = arith.constant 16 : index
              %get3A_656 = tpu.vector_load %arg8[%get3A_654, %get3A_655] {strides = array<i32>} : memref<1024x32xf32, #tpu.memory_space<vmem>>, vector<16xf32>,
              %add3A_657 = arith.constant 0 : i32
              %add3A_658 = arith.addi %mul3A_609, %add3A_657 : i32
              %broadcast_in_dim3A = vector.broadcast %add3A_658 : i32 to vector<16xi32>
              tpu.vector_store_idx %arg10[%add3A_5, %broadcast_in_dim3A], %get3A_614 : memref<32x129xf32, #tpu.memory_space<vmem>>[vector<16xi32>, vector<16xi32>], vector<16xf32>,
              tpu.vector_store_idx %arg10[%add3A_8, %broadcast_in_dim3A], %get3A_620 : memref<32x129xf32, #tpu.memory_space<vmem>>[vector<16xi32>, vector<16xi32>], vector<16xf32>,
              %add3A_659 = arith.constant 1 : i32
              %add3A_660 = arith.addi %mul3A_609, %add3A_659 : i32
              %broadcast_in_dim3A_661 = vector.broadcast %add3A_660 : i32 to vector<16xi32>
              tpu.vector_store_idx %arg10[%add3A_5, %broadcast_in_dim3A_661], %get3A_626 : memref<32x129xf32, #tpu.memory_space<vmem>>[vector<16xi32>, vector<16xi32>], vector<16xf32>,
              tpu.vector_store_idx %arg10[%add3A_8, %broadcast_in_dim3A_661], %get3A_632 : memref<32x129xf32, #tpu.memory_space<vmem>>[vector<16xi32>, vector<16xi32>], vector<16xf32>,
              %add3A_662 = arith.constant 2 : i32
              %add3A_663 = arith.addi %mul3A_609, %add3A_662 : i32
              %broadcast_in_dim3A_664 = vector.broadcast %add3A_663 : i32 to vector<16xi32>
              tpu.vector_store_idx %arg10[%add3A_5, %broadcast_in_dim3A_664], %get3A_638 : memref<32x129xf32, #tpu.memory_space<vmem>>[vector<16xi32>, vector<16xi32>], vector<16xf32>,
              tpu.vector_store_idx %arg10[%add3A_8, %broadcast_in_dim3A_664], %get3A_644 : memref<32x129xf32, #tpu.memory_space<vmem>>[vector<16xi32>, vector<16xi32>], vector<16xf32>,
              %add3A_665 = arith.constant 3 : i32
              %add3A_666 = arith.addi %mul3A_609, %add3A_665 : i32
              %broadcast_in_dim3A_667 = vector.broadcast %add3A_666 : i32 to vector<16xi32>
              tpu.vector_store_idx %arg10[%add3A_5, %broadcast_in_dim3A_667], %get3A_650 : memref<32x129xf32, #tpu.memory_space<vmem>>[vector<16xi32>, vector<16xi32>], vector<16xf32>,
              tpu.vector_store_idx %arg10[%add3A_8, %broadcast_in_dim3A_667], %get3A_656 : memref<32x129xf32, #tpu.memory_space<vmem>>[vector<16xi32>, vector<16xi32>], vector<16xf32>,
            }
            %scan3A_502 = arith.constant 32 : i32
            %add3A_503 = arith.addi %mul3A_2, %scan3A_310 : i32
            %jit3A_504 = arith.constant 128 : i32
            %div3A_505 = arith.divsi %add3A_503, %jit3A_504 : i32
            %sign3A_506 = arith.constant 0 : i32
            %sign3A_507 = arith.cmpi sgt, %add3A_503, %sign3A_506 : i32
            %sign3A_508 = arith.extui %sign3A_507 : i1 to i32
            %sign3A_509 = arith.constant 0 : i32
            %sign3A_510 = arith.cmpi slt, %add3A_503, %sign3A_509 : i32
            %sign3A_511 = arith.extui %sign3A_510 : i1 to i32
            %sign3A_512 = arith.subi %sign3A_508, %sign3A_511 : i32
            %sign3A_513 = arith.constant 0 : i32
            %sign3A_514 = arith.cmpi sgt, %jit3A_504, %sign3A_513 : i32
            %sign3A_515 = arith.extui %sign3A_514 : i1 to i32
            %sign3A_516 = arith.constant 0 : i32
            %sign3A_517 = arith.cmpi slt, %jit3A_504, %sign3A_516 : i32
            %sign3A_518 = arith.extui %sign3A_517 : i1 to i32
            %sign3A_519 = arith.subi %sign3A_515, %sign3A_518 : i32
            %ne3A_520 = arith.cmpi ne, %sign3A_512, %sign3A_519 : i32
            %rem3A_521 = arith.remsi %add3A_503, %jit3A_504 : i32
            %ne3A_522 = arith.constant 0 : i32
            %ne3A_523 = arith.cmpi ne, %rem3A_521, %ne3A_522 : i32
            %and3A_524 = arith.andi %ne3A_520, %ne3A_523 : i1
            %sub3A_525 = arith.constant 1 : i32
            %sub3A_526 = arith.subi %div3A_505, %sub3A_525 : i32
            %select_n3A_527 = arith.select %and3A_524, %sub3A_526, %div3A_505 : i32
            %mul3A_528 = arith.constant 8 : i32
            %mul3A_529 = arith.muli %select_n3A_527, %mul3A_528 : i32
            %add3A_530 = arith.addi %mul3A_529, %scan3A_447 : i32
            %jit3A_531 = arith.constant 128 : i32
            %eq3A_532 = arith.constant 0 : i32
            %eq3A_533 = arith.cmpi eq, %jit3A_531, %eq3A_532 : i32
            %jit3A_534 = arith.constant 1 : i32
            %select_n3A_535 = arith.select %eq3A_533, %jit3A_534, %jit3A_531 : i32
            %rem3A_536 = arith.remsi %add3A_503, %select_n3A_535 : i32
            %ne3A_537 = arith.constant 0 : i32
            %ne3A_538 = arith.cmpi ne, %rem3A_536, %ne3A_537 : i32
            %lt3A_539 = arith.constant 0 : i32
            %lt3A_540 = arith.cmpi slt, %rem3A_536, %lt3A_539 : i32
            %lt3A_541 = arith.constant 0 : i32
            %lt3A_542 = arith.cmpi slt, %select_n3A_535, %lt3A_541 : i32
            %ne3A_543 = arith.xori %lt3A_540, %lt3A_542 : i1
            %and3A_544 = arith.andi %ne3A_543, %ne3A_538 : i1
            %add3A_545 = arith.addi %rem3A_536, %select_n3A_535 : i32
            %select_n3A_546 = arith.select %and3A_544, %add3A_545, %rem3A_536 : i32
            %dma_start3A_547 = arith.constant 0 : i32
            %dma_start3A_548 = arith.constant 0 : i32
            %dma_start3A_549 = arith.constant 0 : i32
            %dma_start3A_550 = tpu.memref_slice %arg10[%dma_start3A_548, %dma_start3A_549] : memref<32x129xf32, #tpu.memory_space<vmem>> -> memref<8x128xf32, #tpu.memory_space<vmem>>
            %dma_start3A_551 = arith.constant 0 : i32
            %dma_start3A_552 = arith.constant 0 : i32
            %dma_start3A_553 = tpu.memref_slice %arg4[%add3A_530, %dma_start3A_547, %select_n3A_546, %dma_start3A_551, %dma_start3A_552] : memref<200x4x128x8x128xf32, #tpu.memory_space<hbm>> -> memref<1x1x1x8x128xf32, #tpu.memory_space<hbm>>
            %dma_start3A_554 = tpu.memref_squeeze %dma_start3A_553 : memref<1x1x1x8x128xf32, #tpu.memory_space<hbm>> -> memref<8x128xf32, #tpu.memory_space<hbm>>
            %dma_start3A_555 = arith.constant 0 : i32
            %dma_start3A_556 = arith.constant 0 : i32
            %dma_start3A_557 = tpu.memref_slice %arg4[%add3A_530, %dma_start3A_547, %select_n3A_546, %dma_start3A_555, %dma_start3A_556] : memref<200x4x128x8x128xf32, #tpu.memory_space<hbm>> -> memref<1x1x1x8x128xf32, #tpu.memory_space<hbm>>
            %dma_start3A_558 = tpu.memref_squeeze %dma_start3A_557 : memref<1x1x1x8x128xf32, #tpu.memory_space<hbm>> -> memref<8x128xf32, #tpu.memory_space<hbm>>
            %dma_start3A_559 = arith.constant 0 : i32
            %dma_start3A_560 = arith.constant 0 : i32
            %dma_start3A_561 = tpu.memref_slice %arg10[%dma_start3A_559, %dma_start3A_560] : memref<32x129xf32, #tpu.memory_space<vmem>> -> memref<8x128xf32, #tpu.memory_space<vmem>>
            tpu.enqueue_dma source(%dma_start3A_561 : memref<8x128xf32, #tpu.memory_space<vmem>>) target(%dma_start3A_558 : memref<8x128xf32, #tpu.memory_space<hbm>>) target_semaphore(%arg16 : memref<!tpu.dma_semaphore, #tpu.memory_space<semaphore_mem>>)
            %dma_start3A_562 = arith.constant 1 : i32
            %dma_start3A_563 = arith.constant 8 : i32
            %dma_start3A_564 = arith.constant 0 : i32
            %dma_start3A_565 = tpu.memref_slice %arg10[%dma_start3A_563, %dma_start3A_564] : memref<32x129xf32, #tpu.memory_space<vmem>> -> memref<8x128xf32, #tpu.memory_space<vmem>>
            %dma_start3A_566 = arith.constant 0 : i32
            %dma_start3A_567 = arith.constant 0 : i32
            %dma_start3A_568 = tpu.memref_slice %arg4[%add3A_530, %dma_start3A_562, %select_n3A_546, %dma_start3A_566, %dma_start3A_567] : memref<200x4x128x8x128xf32, #tpu.memory_space<hbm>> -> memref<1x1x1x8x128xf32, #tpu.memory_space<hbm>>
            %dma_start3A_569 = tpu.memref_squeeze %dma_start3A_568 : memref<1x1x1x8x128xf32, #tpu.memory_space<hbm>> -> memref<8x128xf32, #tpu.memory_space<hbm>>
            %dma_start3A_570 = arith.constant 0 : i32
            %dma_start3A_571 = arith.constant 0 : i32
            %dma_start3A_572 = tpu.memref_slice %arg4[%add3A_530, %dma_start3A_562, %select_n3A_546, %dma_start3A_570, %dma_start3A_571] : memref<200x4x128x8x128xf32, #tpu.memory_space<hbm>> -> memref<1x1x1x8x128xf32, #tpu.memory_space<hbm>>
            %dma_start3A_573 = tpu.memref_squeeze %dma_start3A_572 : memref<1x1x1x8x128xf32, #tpu.memory_space<hbm>> -> memref<8x128xf32, #tpu.memory_space<hbm>>
            %dma_start3A_574 = arith.constant 8 : i32
            %dma_start3A_575 = arith.constant 0 : i32
            %dma_start3A_576 = tpu.memref_slice %arg10[%dma_start3A_574, %dma_start3A_575] : memref<32x129xf32, #tpu.memory_space<vmem>> -> memref<8x128xf32, #tpu.memory_space<vmem>>
            tpu.enqueue_dma source(%dma_start3A_576 : memref<8x128xf32, #tpu.memory_space<vmem>>) target(%dma_start3A_573 : memref<8x128xf32, #tpu.memory_space<hbm>>) target_semaphore(%arg16 : memref<!tpu.dma_semaphore, #tpu.memory_space<semaphore_mem>>)
            %dma_start3A_577 = arith.constant 2 : i32
            %dma_start3A_578 = arith.constant 16 : i32
            %dma_start3A_579 = arith.constant 0 : i32
            %dma_start3A_580 = tpu.memref_slice %arg10[%dma_start3A_578, %dma_start3A_579] : memref<32x129xf32, #tpu.memory_space<vmem>> -> memref<8x128xf32, #tpu.memory_space<vmem>>
            %dma_start3A_581 = arith.constant 0 : i32
            %dma_start3A_582 = arith.constant 0 : i32
            %dma_start3A_583 = tpu.memref_slice %arg4[%add3A_530, %dma_start3A_577, %select_n3A_546, %dma_start3A_581, %dma_start3A_582] : memref<200x4x128x8x128xf32, #tpu.memory_space<hbm>> -> memref<1x1x1x8x128xf32, #tpu.memory_space<hbm>>
            %dma_start3A_584 = tpu.memref_squeeze %dma_start3A_583 : memref<1x1x1x8x128xf32, #tpu.memory_space<hbm>> -> memref<8x128xf32, #tpu.memory_space<hbm>>
            %dma_start3A_585 = arith.constant 0 : i32
            %dma_start3A_586 = arith.constant 0 : i32
            %dma_start3A_587 = tpu.memref_slice %arg4[%add3A_530, %dma_start3A_577, %select_n3A_546, %dma_start3A_585, %dma_start3A_586] : memref<200x4x128x8x128xf32, #tpu.memory_space<hbm>> -> memref<1x1x1x8x128xf32, #tpu.memory_space<hbm>>
            %dma_start3A_588 = tpu.memref_squeeze %dma_start3A_587 : memref<1x1x1x8x128xf32, #tpu.memory_space<hbm>> -> memref<8x128xf32, #tpu.memory_space<hbm>>
            %dma_start3A_589 = arith.constant 16 : i32
            %dma_start3A_590 = arith.constant 0 : i32
            %dma_start3A_591 = tpu.memref_slice %arg10[%dma_start3A_589, %dma_start3A_590] : memref<32x129xf32, #tpu.memory_space<vmem>> -> memref<8x128xf32, #tpu.memory_space<vmem>>
            tpu.enqueue_dma source(%dma_start3A_591 : memref<8x128xf32, #tpu.memory_space<vmem>>) target(%dma_start3A_588 : memref<8x128xf32, #tpu.memory_space<hbm>>) target_semaphore(%arg16 : memref<!tpu.dma_semaphore, #tpu.memory_space<semaphore_mem>>)
            %dma_start3A_592 = arith.constant 3 : i32
            %dma_start3A_593 = arith.constant 24 : i32
            %dma_start3A_594 = arith.constant 0 : i32
            %dma_start3A_595 = tpu.memref_slice %arg10[%dma_start3A_593, %dma_start3A_594] : memref<32x129xf32, #tpu.memory_space<vmem>> -> memref<8x128xf32, #tpu.memory_space<vmem>>
            %dma_start3A_596 = arith.constant 0 : i32
            %dma_start3A_597 = arith.constant 0 : i32
            %dma_start3A_598 = tpu.memref_slice %arg4[%add3A_530, %dma_start3A_592, %select_n3A_546, %dma_start3A_596, %dma_start3A_597] : memref<200x4x128x8x128xf32, #tpu.memory_space<hbm>> -> memref<1x1x1x8x128xf32, #tpu.memory_space<hbm>>
            %dma_start3A_599 = tpu.memref_squeeze %dma_start3A_598 : memref<1x1x1x8x128xf32, #tpu.memory_space<hbm>> -> memref<8x128xf32, #tpu.memory_space<hbm>>
            %dma_start3A_600 = arith.constant 0 : i32
            %dma_start3A_601 = arith.constant 0 : i32
            %dma_start3A_602 = tpu.memref_slice %arg4[%add3A_530, %dma_start3A_592, %select_n3A_546, %dma_start3A_600, %dma_start3A_601] : memref<200x4x128x8x128xf32, #tpu.memory_space<hbm>> -> memref<1x1x1x8x128xf32, #tpu.memory_space<hbm>>
            %dma_start3A_603 = tpu.memref_squeeze %dma_start3A_602 : memref<1x1x1x8x128xf32, #tpu.memory_space<hbm>> -> memref<8x128xf32, #tpu.memory_space<hbm>>
            %dma_start3A_604 = arith.constant 24 : i32
            %dma_start3A_605 = arith.constant 0 : i32
            %dma_start3A_606 = tpu.memref_slice %arg10[%dma_start3A_604, %dma_start3A_605] : memref<32x129xf32, #tpu.memory_space<vmem>> -> memref<8x128xf32, #tpu.memory_space<vmem>>
            tpu.enqueue_dma source(%dma_start3A_606 : memref<8x128xf32, #tpu.memory_space<vmem>>) target(%dma_start3A_603 : memref<8x128xf32, #tpu.memory_space<hbm>>) target_semaphore(%arg16 : memref<!tpu.dma_semaphore, #tpu.memory_space<semaphore_mem>>)
          } else {
          }
        }
        %scan3A_441 = arith.constant 8 : i32
        %lt3A_442 = arith.constant 98 : i32
        %lt3A_443 = arith.cmpi slt, %scan3A_310, %lt3A_442 : i32
        %convert_element_type3A_444 = arith.extui %lt3A_443 : i1 to i32
        %cond3A_445 = arith.constant 0 : i32
        %cond3A_446 = arith.cmpi ne, %convert_element_type3A_444, %cond3A_445 : i32
        scf.if %cond3A_446 {
          %add3A_447 = arith.constant 2 : i32
          %add3A_448 = arith.addi %scan3A_310, %add3A_447 : i32
          %add3A_449 = arith.addi %mul3A_2, %add3A_448 : i32
          %jit3A_450 = arith.constant 128 : i32
          %div3A_451 = arith.divsi %add3A_449, %jit3A_450 : i32
          %sign3A_452 = arith.constant 0 : i32
          %sign3A_453 = arith.cmpi sgt, %add3A_449, %sign3A_452 : i32
          %sign3A_454 = arith.extui %sign3A_453 : i1 to i32
          %sign3A_455 = arith.constant 0 : i32
          %sign3A_456 = arith.cmpi slt, %add3A_449, %sign3A_455 : i32
          %sign3A_457 = arith.extui %sign3A_456 : i1 to i32
          %sign3A_458 = arith.subi %sign3A_454, %sign3A_457 : i32
          %sign3A_459 = arith.constant 0 : i32
          %sign3A_460 = arith.cmpi sgt, %jit3A_450, %sign3A_459 : i32
          %sign3A_461 = arith.extui %sign3A_460 : i1 to i32
          %sign3A_462 = arith.constant 0 : i32
          %sign3A_463 = arith.cmpi slt, %jit3A_450, %sign3A_462 : i32
          %sign3A_464 = arith.extui %sign3A_463 : i1 to i32
          %sign3A_465 = arith.subi %sign3A_461, %sign3A_464 : i32
          %ne3A_466 = arith.cmpi ne, %sign3A_458, %sign3A_465 : i32
          %rem3A_467 = arith.remsi %add3A_449, %jit3A_450 : i32
          %ne3A_468 = arith.constant 0 : i32
          %ne3A_469 = arith.cmpi ne, %rem3A_467, %ne3A_468 : i32
          %and3A_470 = arith.andi %ne3A_466, %ne3A_469 : i1
          %sub3A_471 = arith.constant 1 : i32
          %sub3A_472 = arith.subi %div3A_451, %sub3A_471 : i32
          %select_n3A_473 = arith.select %and3A_470, %sub3A_472, %div3A_451 : i32
          %jit3A_474 = arith.constant 128 : i32
          %eq3A_475 = arith.constant 0 : i32
          %eq3A_476 = arith.cmpi eq, %jit3A_474, %eq3A_475 : i32
          %jit3A_477 = arith.constant 1 : i32
          %select_n3A_478 = arith.select %eq3A_476, %jit3A_477, %jit3A_474 : i32
          %rem3A_479 = arith.remsi %add3A_449, %select_n3A_478 : i32
          %ne3A_480 = arith.constant 0 : i32
          %ne3A_481 = arith.cmpi ne, %rem3A_479, %ne3A_480 : i32
          %lt3A_482 = arith.constant 0 : i32
          %lt3A_483 = arith.cmpi slt, %rem3A_479, %lt3A_482 : i32
          %lt3A_484 = arith.constant 0 : i32
          %lt3A_485 = arith.cmpi slt, %select_n3A_478, %lt3A_484 : i32
          %ne3A_486 = arith.xori %lt3A_483, %lt3A_485 : i1
          %and3A_487 = arith.andi %ne3A_486, %ne3A_481 : i1
          %add3A_488 = arith.addi %rem3A_479, %select_n3A_478 : i32
          %select_n3A_489 = arith.select %and3A_487, %add3A_488, %rem3A_479 : i32
          %dma_start3A_490 = arith.constant 0 : i32
          %dma_start3A_491 = arith.constant 0 : i32
          %dma_start3A_492 = tpu.memref_slice %arg2[%select_n3A_473, %select_n3A_489, %dma_start3A_490, %dma_start3A_491] : memref<25x128x8x128xi32, #tpu.memory_space<hbm>> -> memref<1x1x8x128xi32, #tpu.memory_space<hbm>>
          %dma_start3A_493 = tpu.memref_squeeze %dma_start3A_492 : memref<1x1x8x128xi32, #tpu.memory_space<hbm>> -> memref<8x128xi32, #tpu.memory_space<hbm>>
          %dma_start3A_494 = arith.constant 0 : i32
          %dma_start3A_495 = arith.constant 0 : i32
          %dma_start3A_496 = tpu.memref_slice %arg2[%select_n3A_473, %select_n3A_489, %dma_start3A_494, %dma_start3A_495] : memref<25x128x8x128xi32, #tpu.memory_space<hbm>> -> memref<1x1x8x128xi32, #tpu.memory_space<hbm>>
          %dma_start3A_497 = tpu.memref_squeeze %dma_start3A_496 : memref<1x1x8x128xi32, #tpu.memory_space<hbm>> -> memref<8x128xi32, #tpu.memory_space<hbm>>
          tpu.enqueue_dma source(%dma_start3A_497 : memref<8x128xi32, #tpu.memory_space<hbm>>) target(%arg6 : memref<8x128xi32, #tpu.memory_space<vmem>>) target_semaphore(%arg12 : memref<!tpu.dma_semaphore, #tpu.memory_space<semaphore_mem>>)
        } else {
        }
      } else {
      }
    }
    %scan3A_174 = arith.constant 100 : i32
    %dma_wait3A = arith.constant 0 : i32
    %dma_wait3A_175 = arith.constant 0 : i32
    %dma_wait3A_176 = arith.constant 0 : i32
    %dma_wait3A_177 = arith.constant 0 : i32
    %dma_wait3A_178 = arith.constant 0 : i32
    %dma_wait3A_179 = tpu.memref_slice %arg9[%dma_wait3A_177, %dma_wait3A_178] : memref<32x129xf32, #tpu.memory_space<vmem>> -> memref<8x128xf32, #tpu.memory_space<vmem>>
    %dma_wait3A_180 = arith.constant 0 : i32
    %dma_wait3A_181 = arith.constant 0 : i32
    %dma_wait3A_182 = tpu.memref_slice %arg4[%dma_wait3A, %dma_wait3A_175, %dma_wait3A_176, %dma_wait3A_180, %dma_wait3A_181] : memref<200x4x128x8x128xf32, #tpu.memory_space<hbm>> -> memref<1x1x1x8x128xf32, #tpu.memory_space<hbm>>
    %dma_wait3A_183 = tpu.memref_squeeze %dma_wait3A_182 : memref<1x1x1x8x128xf32, #tpu.memory_space<hbm>> -> memref<8x128xf32, #tpu.memory_space<hbm>>
    %dma_wait3A_184 = arith.constant 0 : i32
    %dma_wait3A_185 = arith.constant 0 : i32
    %dma_wait3A_186 = tpu.memref_slice %arg4[%dma_wait3A, %dma_wait3A_175, %dma_wait3A_176, %dma_wait3A_184, %dma_wait3A_185] : memref<200x4x128x8x128xf32, #tpu.memory_space<hbm>> -> memref<1x1x1x8x128xf32, #tpu.memory_space<hbm>>
    %dma_wait3A_187 = tpu.memref_squeeze %dma_wait3A_186 : memref<1x1x1x8x128xf32, #tpu.memory_space<hbm>> -> memref<8x128xf32, #tpu.memory_space<hbm>>
    %dma_wait3A_188 = arith.constant 0 : i32
    %dma_wait3A_189 = arith.constant 0 : i32
    %dma_wait3A_190 = tpu.memref_slice %arg9[%dma_wait3A_188, %dma_wait3A_189] : memref<32x129xf32, #tpu.memory_space<vmem>> -> memref<8x128xf32, #tpu.memory_space<vmem>>
    tpu.wait_dma2 semaphore(%arg15 : memref<!tpu.dma_semaphore, #tpu.memory_space<semaphore_mem>>) src(%dma_wait3A_190 : memref<8x128xf32, #tpu.memory_space<vmem>>) dst(%dma_wait3A_187 : memref<8x128xf32, #tpu.memory_space<hbm>>)
    %dma_wait3A_191 = arith.constant 0 : i32
    %dma_wait3A_192 = arith.constant 0 : i32
    %dma_wait3A_193 = arith.constant 0 : i32
    %dma_wait3A_194 = arith.constant 8 : i32
    %dma_wait3A_195 = arith.constant 0 : i32
    %dma_wait3A_196 = tpu.memref_slice %arg9[%dma_wait3A_194, %dma_wait3A_195] : memref<32x129xf32, #tpu.memory_space<vmem>> -> memref<8x128xf32, #tpu.memory_space<vmem>>
    %dma_wait3A_197 = arith.constant 0 : i32
    %dma_wait3A_198 = arith.constant 0 : i32
    %dma_wait3A_199 = tpu.memref_slice %arg4[%dma_wait3A_191, %dma_wait3A_192, %dma_wait3A_193, %dma_wait3A_197, %dma_wait3A_198] : memref<200x4x128x8x128xf32, #tpu.memory_space<hbm>> -> memref<1x1x1x8x128xf32, #tpu.memory_space<hbm>>
    %dma_wait3A_200 = tpu.memref_squeeze %dma_wait3A_199 : memref<1x1x1x8x128xf32, #tpu.memory_space<hbm>> -> memref<8x128xf32, #tpu.memory_space<hbm>>
    %dma_wait3A_201 = arith.constant 0 : i32
    %dma_wait3A_202 = arith.constant 0 : i32
    %dma_wait3A_203 = tpu.memref_slice %arg4[%dma_wait3A_191, %dma_wait3A_192, %dma_wait3A_193, %dma_wait3A_201, %dma_wait3A_202] : memref<200x4x128x8x128xf32, #tpu.memory_space<hbm>> -> memref<1x1x1x8x128xf32, #tpu.memory_space<hbm>>
    %dma_wait3A_204 = tpu.memref_squeeze %dma_wait3A_203 : memref<1x1x1x8x128xf32, #tpu.memory_space<hbm>> -> memref<8x128xf32, #tpu.memory_space<hbm>>
    %dma_wait3A_205 = arith.constant 8 : i32
    %dma_wait3A_206 = arith.constant 0 : i32
    %dma_wait3A_207 = tpu.memref_slice %arg9[%dma_wait3A_205, %dma_wait3A_206] : memref<32x129xf32, #tpu.memory_space<vmem>> -> memref<8x128xf32, #tpu.memory_space<vmem>>
    tpu.wait_dma2 semaphore(%arg15 : memref<!tpu.dma_semaphore, #tpu.memory_space<semaphore_mem>>) src(%dma_wait3A_207 : memref<8x128xf32, #tpu.memory_space<vmem>>) dst(%dma_wait3A_204 : memref<8x128xf32, #tpu.memory_space<hbm>>)
    %dma_wait3A_208 = arith.constant 0 : i32
    %dma_wait3A_209 = arith.constant 0 : i32
    %dma_wait3A_210 = arith.constant 0 : i32
    %dma_wait3A_211 = arith.constant 16 : i32
    %dma_wait3A_212 = arith.constant 0 : i32
    %dma_wait3A_213 = tpu.memref_slice %arg9[%dma_wait3A_211, %dma_wait3A_212] : memref<32x129xf32, #tpu.memory_space<vmem>> -> memref<8x128xf32, #tpu.memory_space<vmem>>
    %dma_wait3A_214 = arith.constant 0 : i32
    %dma_wait3A_215 = arith.constant 0 : i32
    %dma_wait3A_216 = tpu.memref_slice %arg4[%dma_wait3A_208, %dma_wait3A_209, %dma_wait3A_210, %dma_wait3A_214, %dma_wait3A_215] : memref<200x4x128x8x128xf32, #tpu.memory_space<hbm>> -> memref<1x1x1x8x128xf32, #tpu.memory_space<hbm>>
    %dma_wait3A_217 = tpu.memref_squeeze %dma_wait3A_216 : memref<1x1x1x8x128xf32, #tpu.memory_space<hbm>> -> memref<8x128xf32, #tpu.memory_space<hbm>>
    %dma_wait3A_218 = arith.constant 0 : i32
    %dma_wait3A_219 = arith.constant 0 : i32
    %dma_wait3A_220 = tpu.memref_slice %arg4[%dma_wait3A_208, %dma_wait3A_209, %dma_wait3A_210, %dma_wait3A_218, %dma_wait3A_219] : memref<200x4x128x8x128xf32, #tpu.memory_space<hbm>> -> memref<1x1x1x8x128xf32, #tpu.memory_space<hbm>>
    %dma_wait3A_221 = tpu.memref_squeeze %dma_wait3A_220 : memref<1x1x1x8x128xf32, #tpu.memory_space<hbm>> -> memref<8x128xf32, #tpu.memory_space<hbm>>
    %dma_wait3A_222 = arith.constant 16 : i32
    %dma_wait3A_223 = arith.constant 0 : i32
    %dma_wait3A_224 = tpu.memref_slice %arg9[%dma_wait3A_222, %dma_wait3A_223] : memref<32x129xf32, #tpu.memory_space<vmem>> -> memref<8x128xf32, #tpu.memory_space<vmem>>
    tpu.wait_dma2 semaphore(%arg15 : memref<!tpu.dma_semaphore, #tpu.memory_space<semaphore_mem>>) src(%dma_wait3A_224 : memref<8x128xf32, #tpu.memory_space<vmem>>) dst(%dma_wait3A_221 : memref<8x128xf32, #tpu.memory_space<hbm>>)
    %dma_wait3A_225 = arith.constant 0 : i32
    %dma_wait3A_226 = arith.constant 0 : i32
    %dma_wait3A_227 = arith.constant 0 : i32
    %dma_wait3A_228 = arith.constant 24 : i32
    %dma_wait3A_229 = arith.constant 0 : i32
    %dma_wait3A_230 = tpu.memref_slice %arg9[%dma_wait3A_228, %dma_wait3A_229] : memref<32x129xf32, #tpu.memory_space<vmem>> -> memref<8x128xf32, #tpu.memory_space<vmem>>
    %dma_wait3A_231 = arith.constant 0 : i32
    %dma_wait3A_232 = arith.constant 0 : i32
    %dma_wait3A_233 = tpu.memref_slice %arg4[%dma_wait3A_225, %dma_wait3A_226, %dma_wait3A_227, %dma_wait3A_231, %dma_wait3A_232] : memref<200x4x128x8x128xf32, #tpu.memory_space<hbm>> -> memref<1x1x1x8x128xf32, #tpu.memory_space<hbm>>
    %dma_wait3A_234 = tpu.memref_squeeze %dma_wait3A_233 : memref<1x1x1x8x128xf32, #tpu.memory_space<hbm>> -> memref<8x128xf32, #tpu.memory_space<hbm>>
    %dma_wait3A_235 = arith.constant 0 : i32
    %dma_wait3A_236 = arith.constant 0 : i32
    %dma_wait3A_237 = tpu.memref_slice %arg4[%dma_wait3A_225, %dma_wait3A_226, %dma_wait3A_227, %dma_wait3A_235, %dma_wait3A_236] : memref<200x4x128x8x128xf32, #tpu.memory_space<hbm>> -> memref<1x1x1x8x128xf32, #tpu.memory_space<hbm>>
    %dma_wait3A_238 = tpu.memref_squeeze %dma_wait3A_237 : memref<1x1x1x8x128xf32, #tpu.memory_space<hbm>> -> memref<8x128xf32, #tpu.memory_space<hbm>>
    %dma_wait3A_239 = arith.constant 24 : i32
    %dma_wait3A_240 = arith.constant 0 : i32
    %dma_wait3A_241 = tpu.memref_slice %arg9[%dma_wait3A_239, %dma_wait3A_240] : memref<32x129xf32, #tpu.memory_space<vmem>> -> memref<8x128xf32, #tpu.memory_space<vmem>>
    tpu.wait_dma2 semaphore(%arg15 : memref<!tpu.dma_semaphore, #tpu.memory_space<semaphore_mem>>) src(%dma_wait3A_241 : memref<8x128xf32, #tpu.memory_space<vmem>>) dst(%dma_wait3A_238 : memref<8x128xf32, #tpu.memory_space<hbm>>)
    %dma_wait3A_242 = arith.constant 0 : i32
    %dma_wait3A_243 = arith.constant 0 : i32
    %dma_wait3A_244 = arith.constant 0 : i32
    %dma_wait3A_245 = arith.constant 0 : i32
    %dma_wait3A_246 = arith.constant 0 : i32
    %dma_wait3A_247 = tpu.memref_slice %arg10[%dma_wait3A_245, %dma_wait3A_246] : memref<32x129xf32, #tpu.memory_space<vmem>> -> memref<8x128xf32, #tpu.memory_space<vmem>>
    %dma_wait3A_248 = arith.constant 0 : i32
    %dma_wait3A_249 = arith.constant 0 : i32
    %dma_wait3A_250 = tpu.memref_slice %arg4[%dma_wait3A_242, %dma_wait3A_243, %dma_wait3A_244, %dma_wait3A_248, %dma_wait3A_249] : memref<200x4x128x8x128xf32, #tpu.memory_space<hbm>> -> memref<1x1x1x8x128xf32, #tpu.memory_space<hbm>>
    %dma_wait3A_251 = tpu.memref_squeeze %dma_wait3A_250 : memref<1x1x1x8x128xf32, #tpu.memory_space<hbm>> -> memref<8x128xf32, #tpu.memory_space<hbm>>
    %dma_wait3A_252 = arith.constant 0 : i32
    %dma_wait3A_253 = arith.constant 0 : i32
    %dma_wait3A_254 = tpu.memref_slice %arg4[%dma_wait3A_242, %dma_wait3A_243, %dma_wait3A_244, %dma_wait3A_252, %dma_wait3A_253] : memref<200x4x128x8x128xf32, #tpu.memory_space<hbm>> -> memref<1x1x1x8x128xf32, #tpu.memory_space<hbm>>
    %dma_wait3A_255 = tpu.memref_squeeze %dma_wait3A_254 : memref<1x1x1x8x128xf32, #tpu.memory_space<hbm>> -> memref<8x128xf32, #tpu.memory_space<hbm>>
    %dma_wait3A_256 = arith.constant 0 : i32
    %dma_wait3A_257 = arith.constant 0 : i32
    %dma_wait3A_258 = tpu.memref_slice %arg10[%dma_wait3A_256, %dma_wait3A_257] : memref<32x129xf32, #tpu.memory_space<vmem>> -> memref<8x128xf32, #tpu.memory_space<vmem>>
    tpu.wait_dma2 semaphore(%arg16 : memref<!tpu.dma_semaphore, #tpu.memory_space<semaphore_mem>>) src(%dma_wait3A_258 : memref<8x128xf32, #tpu.memory_space<vmem>>) dst(%dma_wait3A_255 : memref<8x128xf32, #tpu.memory_space<hbm>>)
    %dma_wait3A_259 = arith.constant 0 : i32
    %dma_wait3A_260 = arith.constant 0 : i32
    %dma_wait3A_261 = arith.constant 0 : i32
    %dma_wait3A_262 = arith.constant 8 : i32
    %dma_wait3A_263 = arith.constant 0 : i32
    %dma_wait3A_264 = tpu.memref_slice %arg10[%dma_wait3A_262, %dma_wait3A_263] : memref<32x129xf32, #tpu.memory_space<vmem>> -> memref<8x128xf32, #tpu.memory_space<vmem>>
    %dma_wait3A_265 = arith.constant 0 : i32
    %dma_wait3A_266 = arith.constant 0 : i32
    %dma_wait3A_267 = tpu.memref_slice %arg4[%dma_wait3A_259, %dma_wait3A_260, %dma_wait3A_261, %dma_wait3A_265, %dma_wait3A_266] : memref<200x4x128x8x128xf32, #tpu.memory_space<hbm>> -> memref<1x1x1x8x128xf32, #tpu.memory_space<hbm>>
    %dma_wait3A_268 = tpu.memref_squeeze %dma_wait3A_267 : memref<1x1x1x8x128xf32, #tpu.memory_space<hbm>> -> memref<8x128xf32, #tpu.memory_space<hbm>>
    %dma_wait3A_269 = arith.constant 0 : i32
    %dma_wait3A_270 = arith.constant 0 : i32
    %dma_wait3A_271 = tpu.memref_slice %arg4[%dma_wait3A_259, %dma_wait3A_260, %dma_wait3A_261, %dma_wait3A_269, %dma_wait3A_270] : memref<200x4x128x8x128xf32, #tpu.memory_space<hbm>> -> memref<1x1x1x8x128xf32, #tpu.memory_space<hbm>>
    %dma_wait3A_272 = tpu.memref_squeeze %dma_wait3A_271 : memref<1x1x1x8x128xf32, #tpu.memory_space<hbm>> -> memref<8x128xf32, #tpu.memory_space<hbm>>
    %dma_wait3A_273 = arith.constant 8 : i32
    %dma_wait3A_274 = arith.constant 0 : i32
    %dma_wait3A_275 = tpu.memref_slice %arg10[%dma_wait3A_273, %dma_wait3A_274] : memref<32x129xf32, #tpu.memory_space<vmem>> -> memref<8x128xf32, #tpu.memory_space<vmem>>
    tpu.wait_dma2 semaphore(%arg16 : memref<!tpu.dma_semaphore, #tpu.memory_space<semaphore_mem>>) src(%dma_wait3A_275 : memref<8x128xf32, #tpu.memory_space<vmem>>) dst(%dma_wait3A_272 : memref<8x128xf32, #tpu.memory_space<hbm>>)
    %dma_wait3A_276 = arith.constant 0 : i32
    %dma_wait3A_277 = arith.constant 0 : i32
    %dma_wait3A_278 = arith.constant 0 : i32
    %dma_wait3A_279 = arith.constant 16 : i32
    %dma_wait3A_280 = arith.constant 0 : i32
    %dma_wait3A_281 = tpu.memref_slice %arg10[%dma_wait3A_279, %dma_wait3A_280] : memref<32x129xf32, #tpu.memory_space<vmem>> -> memref<8x128xf32, #tpu.memory_space<vmem>>
    %dma_wait3A_282 = arith.constant 0 : i32
    %dma_wait3A_283 = arith.constant 0 : i32
    %dma_wait3A_284 = tpu.memref_slice %arg4[%dma_wait3A_276, %dma_wait3A_277, %dma_wait3A_278, %dma_wait3A_282, %dma_wait3A_283] : memref<200x4x128x8x128xf32, #tpu.memory_space<hbm>> -> memref<1x1x1x8x128xf32, #tpu.memory_space<hbm>>
    %dma_wait3A_285 = tpu.memref_squeeze %dma_wait3A_284 : memref<1x1x1x8x128xf32, #tpu.memory_space<hbm>> -> memref<8x128xf32, #tpu.memory_space<hbm>>
    %dma_wait3A_286 = arith.constant 0 : i32
    %dma_wait3A_287 = arith.constant 0 : i32
    %dma_wait3A_288 = tpu.memref_slice %arg4[%dma_wait3A_276, %dma_wait3A_277, %dma_wait3A_278, %dma_wait3A_286, %dma_wait3A_287] : memref<200x4x128x8x128xf32, #tpu.memory_space<hbm>> -> memref<1x1x1x8x128xf32, #tpu.memory_space<hbm>>
    %dma_wait3A_289 = tpu.memref_squeeze %dma_wait3A_288 : memref<1x1x1x8x128xf32, #tpu.memory_space<hbm>> -> memref<8x128xf32, #tpu.memory_space<hbm>>
    %dma_wait3A_290 = arith.constant 16 : i32
    %dma_wait3A_291 = arith.constant 0 : i32
    %dma_wait3A_292 = tpu.memref_slice %arg10[%dma_wait3A_290, %dma_wait3A_291] : memref<32x129xf32, #tpu.memory_space<vmem>> -> memref<8x128xf32, #tpu.memory_space<vmem>>
    tpu.wait_dma2 semaphore(%arg16 : memref<!tpu.dma_semaphore, #tpu.memory_space<semaphore_mem>>) src(%dma_wait3A_292 : memref<8x128xf32, #tpu.memory_space<vmem>>) dst(%dma_wait3A_289 : memref<8x128xf32, #tpu.memory_space<hbm>>)
    %dma_wait3A_293 = arith.constant 0 : i32
    %dma_wait3A_294 = arith.constant 0 : i32
    %dma_wait3A_295 = arith.constant 0 : i32
    %dma_wait3A_296 = arith.constant 24 : i32
    %dma_wait3A_297 = arith.constant 0 : i32
    %dma_wait3A_298 = tpu.memref_slice %arg10[%dma_wait3A_296, %dma_wait3A_297] : memref<32x129xf32, #tpu.memory_space<vmem>> -> memref<8x128xf32, #tpu.memory_space<vmem>>
    %dma_wait3A_299 = arith.constant 0 : i32
    %dma_wait3A_300 = arith.constant 0 : i32
    %dma_wait3A_301 = tpu.memref_slice %arg4[%dma_wait3A_293, %dma_wait3A_294, %dma_wait3A_295, %dma_wait3A_299, %dma_wait3A_300] : memref<200x4x128x8x128xf32, #tpu.memory_space<hbm>> -> memref<1x1x1x8x128xf32, #tpu.memory_space<hbm>>
    %dma_wait3A_302 = tpu.memref_squeeze %dma_wait3A_301 : memref<1x1x1x8x128xf32, #tpu.memory_space<hbm>> -> memref<8x128xf32, #tpu.memory_space<hbm>>
    %dma_wait3A_303 = arith.constant 0 : i32
    %dma_wait3A_304 = arith.constant 0 : i32
    %dma_wait3A_305 = tpu.memref_slice %arg4[%dma_wait3A_293, %dma_wait3A_294, %dma_wait3A_295, %dma_wait3A_303, %dma_wait3A_304] : memref<200x4x128x8x128xf32, #tpu.memory_space<hbm>> -> memref<1x1x1x8x128xf32, #tpu.memory_space<hbm>>
    %dma_wait3A_306 = tpu.memref_squeeze %dma_wait3A_305 : memref<1x1x1x8x128xf32, #tpu.memory_space<hbm>> -> memref<8x128xf32, #tpu.memory_space<hbm>>
    %dma_wait3A_307 = arith.constant 24 : i32
    %dma_wait3A_308 = arith.constant 0 : i32
    %dma_wait3A_309 = tpu.memref_slice %arg10[%dma_wait3A_307, %dma_wait3A_308] : memref<32x129xf32, #tpu.memory_space<vmem>> -> memref<8x128xf32, #tpu.memory_space<vmem>>
    tpu.wait_dma2 semaphore(%arg16 : memref<!tpu.dma_semaphore, #tpu.memory_space<semaphore_mem>>) src(%dma_wait3A_309 : memref<8x128xf32, #tpu.memory_space<vmem>>) dst(%dma_wait3A_306 : memref<8x128xf32, #tpu.memory_space<hbm>>)
    return
  }
}

</mosaic_0001>

<sc_bundles>
// kernel: kernel.3.cloned.1.call-start
scs
__scs_entry_jumppad:
0x0: {  	(pc) =	sbr.rel $0x88, $3  }
0x1: {  	(tag) =	ssettag $0x0;
	lr =	simm.s32 $0x1  }
0x2: {  	[smem:$0x3F9F] =	sst lr;
	_ =	strace $0xD0000000  }
0x3: {  	_ = 	snop  }
0x4: {  	_ = 	snop  }
0x5: {  	_ = 	snop  }
0x6: {  	_ = 	snop  }
0x7: {  	_ = 	snop  }
__scs_overlays_trampoline_lowered:
0x8: {  	[smem:$0x3FAE] =	sst s0  }
0x9: {  	[smem:$0x3FAF] =	sst s1  }
0xa: {  	[smem:$0x3FB0] =	sst s2  }
0xb: {  	[smem:$0x3FB1] =	sst s3  }
0xc: {  	[smem:$0x3FB2] =	sst s4  }
0xd: {  	[smem:$0x3FB3] =	sst s5  }
0xe: {  	[smem:$0x3FB4] =	sst s6  }
0xf: {  	[smem:$0x3FB5] =	sst s7  }
0x10: {  	[smem:$0x3FB6] =	sst s8  }
0x11: {  	[smem:$0x3FB7] =	sst s9;
	s0 =	simm.s32 @!p0 $0x0  }
0x12: {  	s1 =	sld [smem:$0x3F9D];
	s0 =	simm.s32 @p0 $0x1  }
0x13: {  	[smem:$0x3FB8] =	sst s0;
	s0 =	simm.s32 @!p1 $0x0  }
0x14: {  	s2 =	sld [smem:$0x3F9C];
	s0 =	simm.s32 @p1 $0x1  }
0x15: {  	[smem:$0x3FB9] =	sst s0;
	s0 =	simm.s32 @!p2 $0x0  }
0x16: {  	s3 =	sld [smem:$0x3FDB];
	s0 =	simm.s32 @p2 $0x1  }
0x17: {  	s4 =	simm.s32 $0x1BF5;
	[smem:$0x3FBB] =	sst s0  }
0x18: {  	s0 =	sld [smem:$0x3F9E];
	_ =	swait.ge [sflag:s4], $0x0  }
0x19: {  	s7 =	sld [smem:$0x3F9F]  }
0x1a: {  	s8 =	sadd.s32 $0xFFFFE003, lr  }
0x1b: {  	s9 =	sadd.s32 $0xFFFFFEF7, lr;
	s5 =	simm.s32 $0xFFFFFFFF;
	p2 =	slt.u32 s8, $0xFFFFF086  }
0x1c: {  	p1 =	slt.u32 s9, $0xF7A;
	s5 =	simm.s32 @!p2 $0x0  }
0x1d: {  	s5 =	simm.s32 @p1 $0x1;
	p0 =	seq.s32 s7, s2  }
0x1e: {  	s7 =	smul.u32 @!p0 $0xF7A, s2;
	p2 =	seq.s32 @!p0 s5, $0x0  }
0x1f: {  	s9 =	smul.u32 $0xF7A, s1;
	s8 =	simm.s32 @!p0 $0x1BF5;
	p2 =	por !p2, p0  }
0x20: {  	[sflag:s8] =	ssyncset.s32 @!p0 $0xFFFFF086;
	s6 =	sadd.s32 @!p0 s3, s7;
	s7 =	simm.s32 @!p0 $0x108  }
0x21: {  	s3 =	sadd.s32 s3, s9;
	s6 =	sadd.s32 @!p0 $0x88, s6;
	s7 =	simm.s32 @p2 $0x1082  }
0x22: {  	[simem:s7], [sflag:s8] =	dma.local @!p0 [hbm:s6], $0xF7A  }
0x23: {  	s9 =	sor.u32 $0xD0000000, s2;
	s6 =	simm.s32 $0x108;
	_ =	swait.ge @!p0 [sflag:s8], $0x0  }
0x24: {  	s3 =	sadd.s32 $0x88, s3;
	s6 =	simm.s32 @!p1 $0x1082;
	[sflag:s4] =	ssyncset.s32 $0xFFFFF086  }
0x25: {  	[simem:s6], [sflag:s4] =	dma.local [hbm:s3], $0xF7A  }
0x26: {  	[smem:$0x3F9F] =	sst s1;
	(tag) =	ssettag s2;
	_ =	strace s9  }
0x27: {  	s1 =	sld [smem:$0x3FAF]  }
0x28: {  	s2 =	sld [smem:$0x3FB0]  }
0x29: {  	s4 =	sld [smem:$0x3FB2]  }
0x2a: {  	p0 =	seq.s32 s5, $0x0;
	s5 =	sld [smem:$0x3FB3]  }
0x2b: {  	s6 =	sld [smem:$0x3FB4]  }
0x2c: {  	s7 =	sld [smem:$0x3FB5]  }
0x2d: {  	s3 =	simm.s32 $0x108;
	s8 =	sld [smem:$0x3FB6]  }
0x2e: {  	s3 =	simm.s32 @!p0 $0x1082;
	s9 =	sld [smem:$0x3FB7]  }
0x2f: {  	lr =	sadd.s32 s0, s3;
	s0 =	sld [smem:$0x3FAE]  }
0x30: {  	s3 =	sld [smem:$0x3FB1]  }
0x31: {  	[smem:$0x3FBA] =	sst s10  }
0x32: {  	s10 =	sld [smem:$0x3FB8];
	_ =	sdelay $0x3  }
0x33: {  	p0 =	seq.s32 s10, $0x1;
	s10 =	sld [smem:$0x3FBA];
	_ =	sdelay $0x3  }
0x34: {  	[smem:$0x3FBA] =	sst s10  }
0x35: {  	s10 =	sld [smem:$0x3FB9];
	_ =	sdelay $0x3  }
0x36: {  	p1 =	seq.s32 s10, $0x1;
	s10 =	sld [smem:$0x3FBA];
	_ =	sdelay $0x3  }
0x37: {  	[smem:$0x3FBA] =	sst s10  }
0x38: {  	s10 =	sld [smem:$0x3FBB]  }
0x39: {  	_ = 	snop;
	(pc) =	sbr.ind lr, $3  }
0x3a: {  	_ = 	snop  }
0x3b: {  	_ = 	snop  }
0x3c: {  	p2 =	seq.s32 s10, $0x1;
	s10 =	sld [smem:$0x3FBA]  }
0x3d: {  	_ =	shalt  }
0x3e: {  	_ =	shalt  }
0x3f: {  	_ =	shalt  }
0x40: {  	_ =	shalt  }
0x41: {  	_ =	shalt  }
0x42: {  	_ =	shalt  }
0x43: {  	_ =	shalt  }
0x44: {  	_ =	shalt  }
0x45: {  	_ =	shalt  }
0x46: {  	_ =	shalt  }
0x47: {  	_ =	shalt  }
0x48: {  	_ =	shalt  }
0x49: {  	_ =	shalt  }
0x4a: {  	_ =	shalt  }
0x4b: {  	_ =	shalt  }
0x4c: {  	_ =	shalt  }
0x4d: {  	_ =	shalt  }
0x4e: {  	_ =	shalt  }
0x4f: {  	_ =	shalt  }
0x50: {  	_ =	shalt  }
0x51: {  	_ =	shalt  }
0x52: {  	_ =	shalt  }
0x53: {  	_ =	shalt  }
0x54: {  	_ =	shalt  }
0x55: {  	_ =	shalt  }
0x56: {  	_ =	shalt  }
0x57: {  	_ =	shalt  }
0x58: {  	_ =	shalt  }
0x59: {  	_ =	shalt  }
0x5a: {  	_ =	shalt  }
0x5b: {  	_ =	shalt  }
0x5c: {  	_ =	shalt  }
0x5d: {  	_ =	shalt  }
0x5e: {  	_ =	shalt  }
0x5f: {  	_ =	shalt  }
0x60: {  	_ =	shalt  }
0x61: {  	_ =	shalt  }
0x62: {  	_ =	shalt  }
0x63: {  	_ =	shalt  }
0x64: {  	_ =	shalt  }
0x65: {  	_ =	shalt  }
0x66: {  	_ =	shalt  }
0x67: {  	_ =	shalt  }
0x68: {  	_ =	shalt  }
0x69: {  	_ =	shalt  }
0x6a: {  	_ =	shalt  }
0x6b: {  	_ =	shalt  }
0x6c: {  	_ =	shalt  }
0x6d: {  	_ =	shalt  }
0x6e: {  	_ =	shalt  }
0x6f: {  	_ =	shalt  }
0x70: {  	_ =	shalt  }
0x71: {  	_ =	shalt  }
0x72: {  	_ =	shalt  }
0x73: {  	_ =	shalt  }
0x74: {  	_ =	shalt  }
0x75: {  	_ =	shalt  }
0x76: {  	_ =	shalt  }
0x77: {  	_ =	shalt  }
0x78: {  	_ =	shalt  }
0x79: {  	_ =	shalt  }
0x7a: {  	_ =	shalt  }
0x7b: {  	_ =	shalt  }
0x7c: {  	_ =	shalt  }
0x7d: {  	_ =	shalt  }
0x7e: {  	_ =	shalt  }
0x7f: {  	_ =	shalt  }
0x80: {  	_ =	shalt  }
0x81: {  	_ =	shalt  }
0x82: {  	_ =	shalt  }
0x83: {  	_ =	shalt  }
0x84: {  	_ =	shalt  }
0x85: {  	_ =	shalt  }
0x86: {  	_ =	shalt  }
0x87: {  	_ =	shalt  }
.Lfunc_end0:
.L_simem_size_0:
called_computation_lowered:
.L_overlay_start_0:
0x88: {  	s2 =	sld [smem:$0x3FD9]  }
0x89: {  	s3 =	sld [smem:$0x3FFE];
	_ =	sdelay $0x1  }
0x8a: {  	s1 =	srdreg.scid  }
0x8b: {  	s0 =	sand.u32 $0x1, s1  }
0x8c: {  	s17 =	sshll.u32 s0, $0xA;
	s2 =	sadd.s32 s3, s2  }
0x8d: {  	s2 =	sadd.s32 s2, s17  }
0x8e: {  	[smem:$0x3FC6] =	sst s2  }
0x8f: {  	_ = 	snop  }
0x90: {  	s2 =	sld [smem:$0x3FC9]  }
0x91: {  	s18 =	sld [smem:$0x3FD0];
	(tm) =	ssettm $0x1  }
0x92: {  	s4 =	sld [smem:$0x3FFB];
	_ =	sdelay $0x3  }
0x93: {  	_ =	strace s4  }
0x94: {  	s4 =	sld [smem:$0x3FFC];
	_ =	sdelay $0x3  }
0x95: {  	_ =	strace s4  }
0x96: {  	s4 =	sld [smem:$0x3FFD];
	_ =	sdelay $0x3  }
0x97: {  	_ =	strace s4  }
0x98: {  	_ =	strace $0x8FFFFFFF  }
0x99: {  	s19 =	sld [smem:$0x3FDB];
	_ =	sdelay $0x1  }
0x9a: {  	s5 =	simm.s32 $_scs_section_size  }
0x9b: {  	s6 =	simm.s32 $_size__tile_overlayer_lowered;
	s7 =	simm.s32 $_tile_overlayer_lowered  }
0x9c: {  	s22 =	simm.s32 $0x1BFF;
	s21 =	sshll.u32 s7, $0x1;
	s4 =	sadd.s32 s5, s19  }
0x9d: {  	s8 =	simm.s32 $0x0;
	s20 =	sshll.u32 s6, $0x1;
	s6 =	sadd.s32 s21, s4  }
0x9e: {  	[timem:s8], [sflag:s22] =	dma.local [hbm:s6], s20  }
0x9f: {  	_ =	swait.ge [sflag:s22], s20  }
0xa0: {  	s5 =	ssub.s32 $0x0, s20;
	[sflag:s22] =	ssyncset.done $0x0  }
0xa1: {  	[sflag:s22] =	ssyncadd.s32 s5;
	_ =	sdelay $0x1  }
0xa2: {  	s23 =	simm.s32 $0x1B8B  }
0xa3: {  	_ =	swait.ge [sflag:s23], $0x1  }
0xa4: {  	[sflag:s23] =	ssyncset.done $0x0  }
0xa5: {  	s25 =	simm.s32 $0x1B8E;
	s24 =	sld [smem:$0x3FFE];
	[sflag:s23] =	ssyncadd.s32 $0xFFFFFFFF  }
0xa6: {  	s26 =	simm.s32 $execute0_lowered;
	[smem:$0x3FD2] =	sst s25  }
0xa7: {  	s6 =	sshll.u32 s26, $0x1;
	_ =	strace $0x80000046;
	[dreg:$0x1] =	wrdreg $0xFFFFFFFF  }
0xa8: {  	s28 =	simm.s32 $_size_execute0_lowered;
	s4 =	sadd.s32 s4, s6;
	[dreg:$0x0] =	wrdreg $0x0  }
0xa9: {  	s6 =	sshll.u32 s28, $0x1;
	[dreg:$0x2] =	wrdreg s4  }
0xaa: {  	[dreg:$0x3] =	wrdreg s6  }
0xab: {  	[dreg:$0x4] =	wrdreg $0xC0  }
0xac: {  	_ =	task [dreg:s8], $0x5FFFF  }
0xad: {  	[dreg:$0x1] =	wrdreg $0xFFFFFFFF  }
0xae: {  	[dreg:$0x0] =	wrdreg $0x60  }
0xaf: {  	[dreg:$0x2] =	wrdreg s2  }
0xb0: {  	[dreg:$0x3] =	wrdreg s24  }
0xb1: {  	[dreg:$0x4] =	wrdreg s18  }
0xb2: {  	[dreg:$0x5] =	wrdreg $0x9  }
0xb3: {  	_ =	task.clear_ibuf [dreg:s8], $0x6FFFF;
	_ =	strace $0x90000046  }
0xb4: {  	s29 =	simm.s32 $0x9;
	_ =	strace $0x80000048  }
0xb5: {  	_ =	swait.ge [sflag:s29], $0x1  }
0xb6: {  	[sflag:s29] =	ssyncadd.s32 $0xFFFFFFFF  }
0xb7: {  	_ =	strace $0x90000048  }
0xb8: {  	_ =	sfence  }
0xb9: {  	s30 =	sld [smem:$0x0];
	_ =	sdelay $0x2  }
0xba: {  	s31 =	sshll.u32 s1, $0xD;
	s1 =	sshrl.u32 s1, $0x2  }
0xbb: {  	s3 =	sand.u32 $0x4000, s31;
	s1 =	sadd.s32 s1, s30  }
0xbc: {  	s0 =	sor.u32 s3, s0;
	s1 =	sshll.u32 s1, $0x11  }
0xbd: {  	s0 =	sor.u32 s1, s0  }
0xbe: {  	s0 =	sadd.s32 $0x8F2B, s0  }
0xbf: {  	[sflag:s0] =	ssyncadd.remote.s32 $0x1  }
0xc0: {  	_ =	sfence.sel $0xFFFF  }
0xc1: {  	[dreg:$0x0] =	wrdreg $0xFFFFFFFF;
	(pc) =	sbr.abs _section_cstart, $3  }
0xc2: {  	[dreg:$0x1] =	wrdreg $0xFFFFFFFF  }
0xc3: {  	_ =	task.clear_ibuf [dreg:s8], $0x2FFFF;
	_ =	strace $0x9FFFFFFF  }
0xc4: {  	(tm) =	ssettm $0x7FFFFFFF  }
0xc5: {  	_ =	shalt  }
tec
execute0_lowered:
.L_overlay_start_1:
0x0: {  	(tag) =	ssettag $0x1  }
0x1: {  	s6 =	rddreg [dreg:$0x0]  }
0x2: {  	s0 =	rddreg [dreg:$0x1];
	s1 =	srdreg.scid  }
0x3: {  	s2 =	stileid.u32;
	s3 =	rddreg [dreg:$0x2]  }
0x4: {  	s4 =	simm.s32 $0x0;
	s16 =	simm.s32 $0x11900;
	s31 =	simm.s32 $0x12290  }
0x5: {  	s12 =	simm.s32 $0x12428;
	s15 =	simm.s32 $0x124B0;
	s17 =	simm.s32 $0x12648  }
0x6: {  	s18 =	simm.s32 $0x126D0;
	s19 =	simm.s32 $0x12758;
	s20 =	simm.s32 $0x127E0  }
0x7: {  	s21 =	simm.s32 $0x12868;
	s22 =	simm.s32 $0x128F0;
	s23 =	simm.s32 $0x12978  }
0x8: {  	s24 =	simm.s32 $0x5;
	s25 =	simm.s32 $0x10800;
	s8 =	simm.s32 $0x0  }
0x9: {  	s1 =	sand.u32 $0x1, s1;
	s2 =	sshll.u32 s2, $0x1;
	[smem:$0x7FF] =	sst s4  }
0xa: {  	s0 =	sadd.s32 $0xF42800, s0;
	s9 =	sadd.s32 $0x4000, s3;
	s2 =	sor.u32 s1, s2  }
0xb: {  	s10 =	sadd.s32 $0x8000, s3;
	s1 =	ssub.s32 $0x2, s1;
	s5 =	smul.u32 $0x3200, s2  }
0xc: {  	s11 =	sadd.s32 $0xC000, s3;
	s28 =	sshrl.u32 s1, $0x1;
	s29 =	smul.u32 $0x64, s2  }
0xd: {  	_ =	strace $0x80000047;
	[dreg:$0x4] =	wrdreg s0;
	s0 =	ssub.s32 s1, s28  }
.Ltmp0:
0xe: {  	s30 =	sadd.s32 s6, s5;
	[dreg:$0x5] =	wrdreg s29;
	(pc) =	sbr.rel .LBB2_1-.Ltmp0, $4  }
0xf: {  	v0 =	vlaneseq.u32;
	s1 =	sor.u32 $0x2, s29;
	s0 =	smax.u32 s0, $0x1;
	[dreg:$0x6] =	wrdreg s30  }
0x10: {  	v0 =	vmul.u32 $0x88, v0;
	s6 =	simm.s32 $0x123A0;
	s5 =	simm.s32 $0x125C0;
	[dreg:$0x8] =	wrdreg s1  }
0x11: {  	s2 =	sadd.s32 $0x80, s30;
	[dreg:$0x9] =	wrdreg s0;
	s0 =	simm.s32 $0x6  }
0x12: {  	v1 =	vadd.s32 $0x880, v0;
	s1 =	simm.s32 $0x12318;
	[dreg:$0x7] =	wrdreg s2;
	s2 =	simm.s32 $0x12538  }
.LBB2_24:
0x13: {  	_ =	swait.ge [sflag:s24], $0x400  }
0x14: {  	[sflag:s24] =	ssyncset.done $0x0  }
0x15: {  	[sflag:s24] =	ssyncadd.s32 $0xFFFFFC00  }
0x16: {  	_ =	swait.ge [sflag:s24], $0x400  }
0x17: {  	[sflag:s24] =	ssyncset.done $0x0  }
0x18: {  	[sflag:s24] =	ssyncadd.s32 $0xFFFFFC00  }
0x19: {  	_ =	swait.ge [sflag:s24], $0x400  }
0x1a: {  	[sflag:s24] =	ssyncset.done $0x0  }
0x1b: {  	[sflag:s24] =	ssyncadd.s32 $0xFFFFFC00  }
0x1c: {  	_ =	swait.ge [sflag:s24], $0x400  }
0x1d: {  	[sflag:s24] =	ssyncset.done $0x0  }
0x1e: {  	[sflag:s24] =	ssyncadd.s32 $0xFFFFFC00  }
0x1f: {  	_ =	swait.ge [sflag:s0], $0x400  }
0x20: {  	[sflag:s0] =	ssyncset.done $0x0  }
0x21: {  	[sflag:s0] =	ssyncadd.s32 $0xFFFFFC00  }
0x22: {  	_ =	swait.ge [sflag:s0], $0x400  }
0x23: {  	[sflag:s0] =	ssyncset.done $0x0  }
0x24: {  	[sflag:s0] =	ssyncadd.s32 $0xFFFFFC00  }
0x25: {  	_ =	swait.ge [sflag:s0], $0x400  }
0x26: {  	[sflag:s0] =	ssyncset.done $0x0  }
0x27: {  	[sflag:s0] =	ssyncadd.s32 $0xFFFFFC00  }
0x28: {  	_ =	swait.ge [sflag:s0], $0x400  }
0x29: {  	s8 =	rddreg [dreg:$0xa]  }
0x2a: {  	s7 =	rddreg [dreg:$0x9];
	s8 =	sadd.s32 $0x1, s8  }
0x2b: {  	p0 =	sne.s32 s8, s7  }
.Ltmp1:
0x2c: {  	_ = 	snop;
	(pc) =	sbr.rel @!p0 .LBB2_25-.Ltmp1, $3  }
0x2d: {  	_ =	sdelay $0x1  }
0x2e: {  	[sflag:s0] =	ssyncset.done $0x0  }
0x2f: {  	[sflag:s0] =	ssyncadd.s32 $0xFFFFFC00  }
.LBB2_1:
0x30: {  	[dreg:$0xa] =	wrdreg s8  }
0x31: {  	s7 =	rddreg [dreg:$0x6];
	s26 =	simm.s32 $0x7  }
0x32: {  	[tilespmem:s4], [sflag:$0x7] =	stream.linear.gather [hbm4b:s7+s4], $0x400, $0x38;
	[tilespmem:$0x12A00] =	vst v63  }
0x33: {  	_ =	swait.ge [sflag:s26], $0x400  }
0x34: {  	s8 =	simm.s32 $0x80;
	[sflag:s26] =	ssyncset.done $0x0  }
0x35: {  	s13 =	simm.s32 $0x800;
	s7 =	rddreg [dreg:$0x4];
	[sflag:s26] =	ssyncadd.s32 $0xFFFFFC00  }
0x36: {  	[tilespmem:s13], [sflag:$0x3] =	stream.indirect.gather [hbm4b:s7+s8], $0x20, s4, s8, $0xb8;
	[tilespmem:$0x12A00] =	vst v63  }
0x37: {  	s28 =	simm.s32 $0x1800  }
0x38: {  	[tilespmem:s28], [sflag:$0x3] =	stream.indirect.gather [hbm4b:s7+s8], $0x20, s8, s8, $0xb8;
	[tilespmem:$0x12A00] =	vst v63  }
0x39: {  	s30 =	simm.s32 $0x100;
	s14 =	simm.s32 $0x2800  }
0x3a: {  	[tilespmem:s14], [sflag:$0x3] =	stream.indirect.gather [hbm4b:s7+s8], $0x20, s30, s8, $0xb8;
	[tilespmem:$0x12A00] =	vst v63  }
0x3b: {  	s26 =	simm.s32 $0x3800;
	s14 =	simm.s32 $0x180  }
0x3c: {  	[tilespmem:s26], [sflag:$0x3] =	stream.indirect.gather [hbm4b:s7+s8], $0x20, s14, s8, $0xb8;
	[tilespmem:$0x12A00] =	vst v63  }
0x3d: {  	s28 =	simm.s32 $0x200;
	s30 =	simm.s32 $0x4800  }
0x3e: {  	[tilespmem:s30], [sflag:$0x3] =	stream.indirect.gather [hbm4b:s7+s8], $0x20, s28, s8, $0xb8;
	[tilespmem:$0x12A00] =	vst v63  }
0x3f: {  	s14 =	simm.s32 $0x280;
	s26 =	simm.s32 $0x5800  }
0x40: {  	[tilespmem:s26], [sflag:$0x3] =	stream.indirect.gather [hbm4b:s7+s8], $0x20, s14, s8, $0xb8;
	[tilespmem:$0x12A00] =	vst v63  }
0x41: {  	s28 =	simm.s32 $0x300;
	s30 =	simm.s32 $0x6800  }
0x42: {  	[tilespmem:s30], [sflag:$0x3] =	stream.indirect.gather [hbm4b:s7+s8], $0x20, s28, s8, $0xb8;
	[tilespmem:$0x12A00] =	vst v63  }
.Ltmp2:
0x43: {  	_ = 	snop;
	(pc) =	sbr.rel .LBB2_2-.Ltmp2, $4  }
0x44: {  	s14 =	simm.s32 $0x380;
	s26 =	simm.s32 $0x7800  }
0x45: {  	[tilespmem:s26], [sflag:$0x3] =	stream.indirect.gather [hbm4b:s7+s8], $0x20, s14, s8, $0xb8;
	[tilespmem:$0x12A00] =	vst v63  }
0x46: {  	s29 =	simm.s32 $0x0;
	s28 =	rddreg [dreg:$0x7];
	s30 =	simm.s32 $0x400  }
0x47: {  	[tilespmem:s30], [sflag:$0x2] =	stream.linear.gather [hbm4b:s28+s4], $0x400, $0x38;
	[tilespmem:$0x12A00] =	vst v63  }
.LBB2_22:
0x48: {  	s29 =	rddreg [dreg:$0xb]  }
0x49: {  	s7 =	rddreg [dreg:$0x8];
	p0 =	sgt.u32 s29, $0x61  }
0x4a: {  	s7 =	sadd.s32 @!p0 s29, s7  }
0x4b: {  	s7 =	sshll.u32 @!p0 s7, $0x7  }
0x4c: {  	s8 =	rddreg [dreg:$0x0];
	s7 =	sand.u32 @!p0 $0xFFFFF80, s7  }
0x4d: {  	s13 =	simm.s32 @!p0 $0x400;
	s7 =	sadd.s32 @!p0 s8, s7;
	s8 =	simm.s32 @!p0 $0x0  }
0x4e: {  	[tilespmem:s13], [sflag:$0x2] =	stream.linear.gather @!p0 [hbm4b:s7+s8], $0x400, $0x38;
	[tilespmem:$0x12A00] =	vst v63  }
.LBB2_23:
0x4f: {  	s29 =	sadd.s32 $0x1, s29  }
0x50: {  	p0 =	sne.s32 s29, $0x64  }
.Ltmp3:
0x51: {  	_ = 	snop;
	(pc) =	sbr.rel @!p0 .LBB2_24-.Ltmp3, $1  }
0x52: {  	_ =	sdelay $0x3  }
.LBB2_2:
0x53: {  	s7 =	sand.u32 $0x1, s29  }
0x54: {  	p0 =	seq.s32 s7, $0x1  }
.Ltmp4:
0x55: {  	_ = 	snop;
	(pc) =	sbr.rel @p0 .LBB2_13-.Ltmp4, $2  }
0x56: {  	_ =	sdelay $0x2  }
0x57: {  	[dreg:$0xb] =	wrdreg s29  }
0x58: {  	[dreg:$0xc] =	wrdreg s7;
	s14 =	simm.s32 $0x2  }
0x59: {  	_ =	swait.ge [sflag:s14], $0x400  }
0x5a: {  	s8 =	simm.s32 $0x80;
	s13 =	simm.s32 $0x400;
	[sflag:s14] =	ssyncset.done $0x0  }
0x5b: {  	s7 =	rddreg [dreg:$0x4];
	[sflag:s14] =	ssyncadd.s32 $0xFFFFFC00;
	s14 =	simm.s32 $0x8800  }
0x5c: {  	[tilespmem:s14], [sflag:$0x4] =	stream.indirect.gather [hbm4b:s7+s8], $0x20, s13, s8, $0xb8;
	[tilespmem:$0x12A00] =	vst v63  }
0x5d: {  	s26 =	simm.s32 $0x480;
	s30 =	simm.s32 $0x9800  }
0x5e: {  	[tilespmem:s30], [sflag:$0x4] =	stream.indirect.gather [hbm4b:s7+s8], $0x20, s26, s8, $0xb8;
	[tilespmem:$0x12A00] =	vst v63  }
0x5f: {  	s26 =	simm.s32 $0x500;
	s30 =	simm.s32 $0xA800  }
0x60: {  	[tilespmem:s30], [sflag:$0x4] =	stream.indirect.gather [hbm4b:s7+s8], $0x20, s26, s8, $0xb8;
	[tilespmem:$0x12A00] =	vst v63  }
0x61: {  	s26 =	simm.s32 $0x580;
	s30 =	simm.s32 $0xB800  }
0x62: {  	[tilespmem:s30], [sflag:$0x4] =	stream.indirect.gather [hbm4b:s7+s8], $0x20, s26, s8, $0xb8;
	[tilespmem:$0x12A00] =	vst v63  }
0x63: {  	s26 =	simm.s32 $0x600;
	s30 =	simm.s32 $0xC800  }
0x64: {  	[tilespmem:s30], [sflag:$0x4] =	stream.indirect.gather [hbm4b:s7+s8], $0x20, s26, s8, $0xb8;
	[tilespmem:$0x12A00] =	vst v63  }
0x65: {  	s26 =	simm.s32 $0x680;
	s30 =	simm.s32 $0xD800  }
0x66: {  	[tilespmem:s30], [sflag:$0x4] =	stream.indirect.gather [hbm4b:s7+s8], $0x20, s26, s8, $0xb8;
	[tilespmem:$0x12A00] =	vst v63  }
0x67: {  	s26 =	simm.s32 $0x700;
	s30 =	simm.s32 $0xE800  }
0x68: {  	[tilespmem:s30], [sflag:$0x4] =	stream.indirect.gather [hbm4b:s7+s8], $0x20, s26, s8, $0xb8;
	[tilespmem:$0x12A00] =	vst v63  }
0x69: {  	s14 =	simm.s32 $0x3;
	s26 =	simm.s32 $0x780;
	s30 =	simm.s32 $0xF800  }
0x6a: {  	[tilespmem:s30], [sflag:$0x4] =	stream.indirect.gather [hbm4b:s7+s8], $0x20, s26, s8, $0xb8;
	[tilespmem:$0x12A00] =	vst v63  }
0x6b: {  	_ =	swait.ge [sflag:s14], $0x1000  }
0x6c: {  	[sflag:s14] =	ssyncset.done $0x0  }
0x6d: {  	[sflag:s14] =	ssyncadd.s32 $0xFFFFF000  }
0x6e: {  	_ =	swait.ge [sflag:s14], $0x1000  }
0x6f: {  	[sflag:s14] =	ssyncset.done $0x0  }
0x70: {  	[sflag:s14] =	ssyncadd.s32 $0xFFFFF000  }
0x71: {  	_ =	swait.ge [sflag:s14], $0x1000  }
0x72: {  	[sflag:s14] =	ssyncset.done $0x0  }
0x73: {  	[sflag:s14] =	ssyncadd.s32 $0xFFFFF000  }
0x74: {  	_ =	swait.ge [sflag:s14], $0x1000  }
0x75: {  	[sflag:s14] =	ssyncset.done $0x0  }
0x76: {  	[sflag:s14] =	ssyncadd.s32 $0xFFFFF000  }
0x77: {  	_ =	swait.ge [sflag:s14], $0x1000  }
0x78: {  	[sflag:s14] =	ssyncset.done $0x0  }
0x79: {  	[sflag:s14] =	ssyncadd.s32 $0xFFFFF000  }
0x7a: {  	_ =	swait.ge [sflag:s14], $0x1000  }
0x7b: {  	[sflag:s14] =	ssyncset.done $0x0  }
0x7c: {  	[sflag:s14] =	ssyncadd.s32 $0xFFFFF000  }
0x7d: {  	s28 =	simm.s32 $0x0;
	_ =	swait.ge [sflag:s14], $0x1000  }
.Ltmp5:
0x7e: {  	[sflag:s14] =	ssyncset.done $0x0;
	s13 =	rddreg [dreg:$0x5];
	(pc) =	sbr.rel .LBB2_4-.Ltmp5, $4  }
0x7f: {  	p0 =	sne.s32 s29, $0x0;
	[sflag:s14] =	ssyncadd.s32 $0xFFFFF000;
	s26 =	sadd.s32 s13, s29  }
0x80: {  	_ =	swait.ge [sflag:s14], $0x1000;
	s30 =	sshll.u32 s26, $0xC;
	s8 =	sshll.u32 s26, $0x7  }
0x81: {  	[sflag:s14] =	ssyncset.done $0x0;
	s13 =	sand.u32 $0xFF80000, s30;
	s8 =	sand.u32 $0x3F00, s8  }
0x82: {  	[sflag:s14] =	ssyncadd.s32 $0xFFFFF000;
	s26 =	sor.u32 s8, s13;
	s13 =	simm.s32 $0x840  }
.LBB2_10:
0x83: {  	_ =	sdelay $0x1  }
0x84: {  	s7 =	sshll.u32 s28, $0x10  }
0x85: {  	s7 =	sadd.s32 s26, s7  }
0x86: {  	[tilespmem:v3+s16+$0x0] =	vst.idx.msk $0xffff, v2;
	s8 =	sadd.s32 s3, s7  }
0x87: {  	[hbm4b:s8+s4] =	stream.linear.scatter [tilespmem:s16], [sflag:$0x6], $0x80, $0x38;
	[tilespmem:$0x12A00] =	vst v63  }
0x88: {  	s29 =	simm.s32 $0x11988;
	s14 =	sadd.s32 $0x10, s8  }
0x89: {  	[hbm4b:s14+s4] =	stream.linear.scatter [tilespmem:s29], [sflag:$0x6], $0x80, $0x38;
	[tilespmem:$0x12A00] =	vst v63  }
0x8a: {  	s30 =	simm.s32 $0x11A10;
	s14 =	sadd.s32 $0x20, s8  }
0x8b: {  	[hbm4b:s14+s4] =	stream.linear.scatter [tilespmem:s30], [sflag:$0x6], $0x80, $0x38;
	[tilespmem:$0x12A00] =	vst v63  }
0x8c: {  	s14 =	sadd.s32 $0x30, s8;
	s30 =	simm.s32 $0x11A98  }
0x8d: {  	[hbm4b:s14+s4] =	stream.linear.scatter [tilespmem:s30], [sflag:$0x6], $0x80, $0x38;
	[tilespmem:$0x12A00] =	vst v63  }
0x8e: {  	s14 =	sadd.s32 $0x40, s8;
	s30 =	simm.s32 $0x11B20  }
0x8f: {  	[hbm4b:s14+s4] =	stream.linear.scatter [tilespmem:s30], [sflag:$0x6], $0x80, $0x38;
	[tilespmem:$0x12A00] =	vst v63  }
0x90: {  	s14 =	sadd.s32 $0x50, s8;
	s30 =	simm.s32 $0x11BA8  }
0x91: {  	[hbm4b:s14+s4] =	stream.linear.scatter [tilespmem:s30], [sflag:$0x6], $0x80, $0x38;
	[tilespmem:$0x12A00] =	vst v63  }
0x92: {  	s14 =	sadd.s32 $0x60, s8;
	s30 =	simm.s32 $0x11C30  }
0x93: {  	[hbm4b:s14+s4] =	stream.linear.scatter [tilespmem:s30], [sflag:$0x6], $0x80, $0x38;
	[tilespmem:$0x12A00] =	vst v63  }
0x94: {  	s8 =	sadd.s32 $0x70, s8;
	s30 =	simm.s32 $0x11CB8  }
0x95: {  	[hbm4b:s8+s4] =	stream.linear.scatter [tilespmem:s30], [sflag:$0x6], $0x80, $0x38;
	[tilespmem:$0x12A00] =	vst v63  }
0x96: {  	s29 =	simm.s32 $0x11D40;
	s8 =	sadd.s32 s7, s9  }
0x97: {  	[hbm4b:s8+s4] =	stream.linear.scatter [tilespmem:s29], [sflag:$0x6], $0x80, $0x38;
	[tilespmem:$0x12A00] =	vst v63  }
0x98: {  	s30 =	simm.s32 $0x11DC8;
	s14 =	sadd.s32 $0x10, s8  }
0x99: {  	[hbm4b:s14+s4] =	stream.linear.scatter [tilespmem:s30], [sflag:$0x6], $0x80, $0x38;
	[tilespmem:$0x12A00] =	vst v63  }
0x9a: {  	s14 =	sadd.s32 $0x20, s8;
	s30 =	simm.s32 $0x11E50  }
0x9b: {  	[hbm4b:s14+s4] =	stream.linear.scatter [tilespmem:s30], [sflag:$0x6], $0x80, $0x38;
	[tilespmem:$0x12A00] =	vst v63  }
0x9c: {  	s14 =	sadd.s32 $0x30, s8;
	s30 =	simm.s32 $0x11ED8  }
0x9d: {  	[hbm4b:s14+s4] =	stream.linear.scatter [tilespmem:s30], [sflag:$0x6], $0x80, $0x38;
	[tilespmem:$0x12A00] =	vst v63  }
0x9e: {  	s14 =	sadd.s32 $0x40, s8;
	s30 =	simm.s32 $0x11F60  }
0x9f: {  	[hbm4b:s14+s4] =	stream.linear.scatter [tilespmem:s30], [sflag:$0x6], $0x80, $0x38;
	[tilespmem:$0x12A00] =	vst v63  }
0xa0: {  	s14 =	sadd.s32 $0x50, s8;
	s30 =	simm.s32 $0x11FE8  }
0xa1: {  	[hbm4b:s14+s4] =	stream.linear.scatter [tilespmem:s30], [sflag:$0x6], $0x80, $0x38;
	[tilespmem:$0x12A00] =	vst v63  }
0xa2: {  	s14 =	sadd.s32 $0x60, s8;
	s30 =	simm.s32 $0x12070  }
0xa3: {  	[hbm4b:s14+s4] =	stream.linear.scatter [tilespmem:s30], [sflag:$0x6], $0x80, $0x38;
	[tilespmem:$0x12A00] =	vst v63  }
0xa4: {  	s8 =	sadd.s32 $0x70, s8;
	s30 =	simm.s32 $0x120F8  }
0xa5: {  	[hbm4b:s8+s4] =	stream.linear.scatter [tilespmem:s30], [sflag:$0x6], $0x80, $0x38;
	[tilespmem:$0x12A00] =	vst v63  }
0xa6: {  	s29 =	simm.s32 $0x12180;
	s8 =	sadd.s32 s7, s10  }
0xa7: {  	[hbm4b:s8+s4] =	stream.linear.scatter [tilespmem:s29], [sflag:$0x6], $0x80, $0x38;
	[tilespmem:$0x12A00] =	vst v63  }
0xa8: {  	s30 =	simm.s32 $0x12208;
	s14 =	sadd.s32 $0x10, s8  }
0xa9: {  	[hbm4b:s14+s4] =	stream.linear.scatter [tilespmem:s30], [sflag:$0x6], $0x80, $0x38;
	[tilespmem:$0x12A00] =	vst v63  }
0xaa: {  	s30 =	sadd.s32 $0x20, s8  }
0xab: {  	[hbm4b:s30+s4] =	stream.linear.scatter [tilespmem:s31], [sflag:$0x6], $0x80, $0x38;
	[tilespmem:$0x12A00] =	vst v63  }
0xac: {  	s29 =	sadd.s32 $0x30, s8  }
0xad: {  	[hbm4b:s29+s4] =	stream.linear.scatter [tilespmem:s1], [sflag:$0x6], $0x80, $0x38;
	[tilespmem:$0x12A00] =	vst v63  }
0xae: {  	s30 =	sadd.s32 $0x40, s8  }
0xaf: {  	[hbm4b:s30+s4] =	stream.linear.scatter [tilespmem:s6], [sflag:$0x6], $0x80, $0x38;
	[tilespmem:$0x12A00] =	vst v63  }
0xb0: {  	s29 =	sadd.s32 $0x50, s8  }
0xb1: {  	[hbm4b:s29+s4] =	stream.linear.scatter [tilespmem:s12], [sflag:$0x6], $0x80, $0x38;
	[tilespmem:$0x12A00] =	vst v63  }
0xb2: {  	s30 =	sadd.s32 $0x60, s8  }
0xb3: {  	[hbm4b:s30+s4] =	stream.linear.scatter [tilespmem:s15], [sflag:$0x6], $0x80, $0x38;
	[tilespmem:$0x12A00] =	vst v63  }
0xb4: {  	s8 =	sadd.s32 $0x70, s8  }
0xb5: {  	[hbm4b:s8+s4] =	stream.linear.scatter [tilespmem:s2], [sflag:$0x6], $0x80, $0x38;
	[tilespmem:$0x12A00] =	vst v63  }
0xb6: {  	s7 =	sadd.s32 s7, s11  }
0xb7: {  	[hbm4b:s7+s4] =	stream.linear.scatter [tilespmem:s5], [sflag:$0x6], $0x80, $0x38;
	[tilespmem:$0x12A00] =	vst v63  }
0xb8: {  	s14 =	sadd.s32 $0x10, s7  }
0xb9: {  	[hbm4b:s14+s4] =	stream.linear.scatter [tilespmem:s17], [sflag:$0x6], $0x80, $0x38;
	[tilespmem:$0x12A00] =	vst v63  }
0xba: {  	s29 =	sadd.s32 $0x20, s7  }
0xbb: {  	[hbm4b:s29+s4] =	stream.linear.scatter [tilespmem:s18], [sflag:$0x6], $0x80, $0x38;
	[tilespmem:$0x12A00] =	vst v63  }
0xbc: {  	s30 =	sadd.s32 $0x30, s7  }
0xbd: {  	[hbm4b:s30+s4] =	stream.linear.scatter [tilespmem:s19], [sflag:$0x6], $0x80, $0x38;
	[tilespmem:$0x12A00] =	vst v63  }
0xbe: {  	s14 =	sadd.s32 $0x40, s7  }
0xbf: {  	[hbm4b:s14+s4] =	stream.linear.scatter [tilespmem:s20], [sflag:$0x6], $0x80, $0x38;
	[tilespmem:$0x12A00] =	vst v63  }
0xc0: {  	s29 =	sadd.s32 $0x50, s7  }
0xc1: {  	[hbm4b:s29+s4] =	stream.linear.scatter [tilespmem:s21], [sflag:$0x6], $0x80, $0x38;
	[tilespmem:$0x12A00] =	vst v63  }
0xc2: {  	s30 =	sadd.s32 $0x60, s7  }
0xc3: {  	[hbm4b:s30+s4] =	stream.linear.scatter [tilespmem:s22], [sflag:$0x6], $0x80, $0x38;
	[tilespmem:$0x12A00] =	vst v63  }
0xc4: {  	s7 =	sadd.s32 $0x70, s7  }
0xc5: {  	[hbm4b:s7+s4] =	stream.linear.scatter [tilespmem:s23], [sflag:$0x6], $0x80, $0x38;
	[tilespmem:$0x12A00] =	vst v63  }
.LBB2_11:
0xc6: {  	s28 =	sadd.s32 $0x1, s28  }
0xc7: {  	p1 =	sne.s32 s28, $0x8  }
.Ltmp6:
0xc8: {  	_ = 	snop;
	(pc) =	sbr.rel @!p1 .LBB2_12-.Ltmp6, $2  }
0xc9: {  	_ =	sdelay $0x2  }
0xca: {  	s13 =	sadd.s32 $0x1000, s13  }
.LBB2_4:
0xcb: {  	s30 =	sand.u32 $0x1, s28  }
0xcc: {  	p2 =	seq.s32 s30, $0x1  }
.Ltmp7:
0xcd: {  	_ = 	snop;
	(pc) =	sbr.rel @p2 .LBB2_8-.Ltmp7, $2  }
0xce: {  	_ =	sdelay $0x2  }
0xcf: {  	p1 =	slt.u32 @!p0 s28, $0x2  }
0xd0: {  	p2 =	por p0, !p1  }
0xd1: {  	_ =	swait.ge @p2 [sflag:s24], $0x400  }
0xd2: {  	[sflag:s24] =	ssyncset.done @p2 $0x0  }
0xd3: {  	[sflag:s24] =	ssyncadd.s32 @p2 $0xFFFFFC00  }
0xd4: {  	_ =	swait.ge @p2 [sflag:s24], $0x400  }
0xd5: {  	[sflag:s24] =	ssyncset.done @p2 $0x0  }
0xd6: {  	[sflag:s24] =	ssyncadd.s32 @p2 $0xFFFFFC00  }
0xd7: {  	_ =	swait.ge @p2 [sflag:s24], $0x400  }
0xd8: {  	[sflag:s24] =	ssyncset.done @p2 $0x0  }
0xd9: {  	[sflag:s24] =	ssyncadd.s32 @p2 $0xFFFFFC00  }
0xda: {  	_ =	swait.ge @p2 [sflag:s24], $0x400  }
0xdb: {  	[sflag:s24] =	ssyncset.done @p2 $0x0  }
0xdc: {  	s8 =	simm.s32 $0x0;
	[sflag:s24] =	ssyncadd.s32 @p2 $0xFFFFFC00  }
0xdd: {  	v3 =	vmov s8;
	v2 =	vld [tilespmem:s13+$0x30]  }
0xde: {  	s14 =	simm.s32 $0x1;
	v3 =	vand.u32 $0x7C, v3;
	v4 =	vld [tilespmem:s13+$0x20]  }
0xdf: {  	v8 =	vmov s14;
	v7 =	vadd.s32 v0, v3;
	v6 =	vld [tilespmem:s13+$0xFFFFFFC0]  }
0xe0: {  	s7 =	simm.s32 $0x2;
	v8 =	vand.u32 $0x7D, v8;
	v3 =	vadd.s32 v1, v3;
	v9 =	vld [tilespmem:s13+$0xFFFFFFD0]  }
0xe1: {  	v12 =	vmov s7;
	v11 =	vadd.s32 v0, v8;
	v10 =	vld [tilespmem:s13+$0xFFFFFFE0]  }
0xe2: {  	s14 =	simm.s32 $0x3;
	v12 =	vand.u32 $0x7E, v12;
	v8 =	vadd.s32 v1, v8;
	v13 =	vld [tilespmem:s13+$0xFFFFFFF0]  }
0xe3: {  	v16 =	vmov s14;
	v15 =	vadd.s32 v0, v12;
	v14 =	vld [tilespmem:s13+$0x0]  }
0xe4: {  	v61 =	vadd.s32 v1, v12;
	v62 =	vand.u32 $0x7F, v16;
	v5 =	vld [tilespmem:s13+$0x10];
	[tilespmem:v7+s25+$0x0] =	vst.idx.msk $0xffff, v6  }
0xe5: {  	v63 =	vadd.s32 v0, v62;
	[tilespmem:v3+s25+$0x0] =	vst.idx.msk $0xffff, v9  }
0xe6: {  	[tilespmem:v11+s25+$0x0] =	vst.idx.msk $0xffff, v10  }
0xe7: {  	v3 =	vadd.s32 v1, v62;
	[tilespmem:v8+s25+$0x0] =	vst.idx.msk $0xffff, v13  }
0xe8: {  	[tilespmem:v15+s25+$0x0] =	vst.idx.msk $0xffff, v14  }
0xe9: {  	[tilespmem:v61+s25+$0x0] =	vst.idx.msk $0xffff, v5  }
0xea: {  	s29 =	smov.u32 s13;
	s8 =	simm.s32 $0x4;
	[tilespmem:v63+s25+$0x0] =	vst.idx.msk $0xffff, v4  }
.LBB2_6:
0xeb: {  	p2 =	sne.s32 s8, $0x7C  }
0xec: {  	[tilespmem:v3+s25+$0x0] =	vst.idx.msk $0xffff, v2;
	s29 =	sadd.s32 $0x80, s29;
	s7 =	smov.u32 s8;
	s8 =	sadd.s32 $0x4, s8  }
0xed: {  	v2 =	vld [tilespmem:s29+$0x30]  }
0xee: {  	v3 =	vmov s7;
	v4 =	vld [tilespmem:s29+$0x20]  }
0xef: {  	s14 =	sadd.s32 $0x1, s7;
	v3 =	vand.u32 $0x7C, v3;
	v5 =	vld [tilespmem:s29+$0x10]  }
0xf0: {  	v8 =	vmov s14;
	v7 =	vadd.s32 v0, v3;
	v6 =	vld [tilespmem:s29+$0xFFFFFFC0]  }
0xf1: {  	s14 =	sadd.s32 $0x2, s7;
	v3 =	vadd.s32 v1, v3;
	v8 =	vand.u32 $0x7D, v8;
	v9 =	vld [tilespmem:s29+$0xFFFFFFD0]  }
0xf2: {  	v12 =	vmov s14;
	v11 =	vadd.s32 v0, v8;
	v10 =	vld [tilespmem:s29+$0xFFFFFFE0]  }
0xf3: {  	s7 =	sadd.s32 $0x3, s7;
	v8 =	vadd.s32 v1, v8;
	v12 =	vand.u32 $0x7E, v12;
	v13 =	vld [tilespmem:s29+$0xFFFFFFF0]  }
0xf4: {  	v16 =	vmov s7;
	v15 =	vadd.s32 v0, v12;
	v14 =	vld [tilespmem:s29+$0x0]  }
0xf5: {  	[tilespmem:v7+s25+$0x0] =	vst.idx.msk $0xffff, v6;
	v6 =	vadd.s32 v1, v12;
	v7 =	vand.u32 $0x7F, v16  }
0xf6: {  	[tilespmem:v3+s25+$0x0] =	vst.idx.msk $0xffff, v9;
	v9 =	vadd.s32 v0, v7  }
.Ltmp8:
0xf7: {  	v3 =	vadd.s32 v1, v7;
	[tilespmem:v11+s25+$0x0] =	vst.idx.msk $0xffff, v10;
	(pc) =	sbr.rel @p2 .LBB2_6-.Ltmp8, $4  }
0xf8: {  	[tilespmem:v8+s25+$0x0] =	vst.idx.msk $0xffff, v13  }
0xf9: {  	[tilespmem:v15+s25+$0x0] =	vst.idx.msk $0xffff, v14  }
0xfa: {  	[tilespmem:v6+s25+$0x0] =	vst.idx.msk $0xffff, v5  }
0xfb: {  	[tilespmem:v9+s25+$0x0] =	vst.idx.msk $0xffff, v4  }
0xfc: {  	_ =	sdelay $0x1  }
0xfd: {  	s7 =	sshll.u32 s28, $0x10  }
0xfe: {  	s7 =	sadd.s32 s26, s7  }
0xff: {  	[tilespmem:v3+s25+$0x0] =	vst.idx.msk $0xffff, v2;
	s8 =	sadd.s32 s3, s7  }
0x100: {  	[hbm4b:s8+s4] =	stream.linear.scatter [tilespmem:s25], [sflag:$0x5], $0x80, $0x38;
	[tilespmem:$0x12A00] =	vst v63  }
0x101: {  	s29 =	simm.s32 $0x10888;
	s14 =	sadd.s32 $0x10, s8  }
0x102: {  	[hbm4b:s14+s4] =	stream.linear.scatter [tilespmem:s29], [sflag:$0x5], $0x80, $0x38;
	[tilespmem:$0x12A00] =	vst v63  }
0x103: {  	s14 =	sadd.s32 $0x20, s8;
	s29 =	simm.s32 $0x10910  }
0x104: {  	[hbm4b:s14+s4] =	stream.linear.scatter [tilespmem:s29], [sflag:$0x5], $0x80, $0x38;
	[tilespmem:$0x12A00] =	vst v63  }
0x105: {  	s14 =	sadd.s32 $0x30, s8;
	s29 =	simm.s32 $0x10998  }
0x106: {  	[hbm4b:s14+s4] =	stream.linear.scatter [tilespmem:s29], [sflag:$0x5], $0x80, $0x38;
	[tilespmem:$0x12A00] =	vst v63  }
0x107: {  	s14 =	sadd.s32 $0x40, s8;
	s29 =	simm.s32 $0x10A20  }
0x108: {  	[hbm4b:s14+s4] =	stream.linear.scatter [tilespmem:s29], [sflag:$0x5], $0x80, $0x38;
	[tilespmem:$0x12A00] =	vst v63  }
0x109: {  	s14 =	sadd.s32 $0x50, s8;
	s29 =	simm.s32 $0x10AA8  }
0x10a: {  	[hbm4b:s14+s4] =	stream.linear.scatter [tilespmem:s29], [sflag:$0x5], $0x80, $0x38;
	[tilespmem:$0x12A00] =	vst v63  }
0x10b: {  	s14 =	sadd.s32 $0x60, s8;
	s29 =	simm.s32 $0x10B30  }
0x10c: {  	[hbm4b:s14+s4] =	stream.linear.scatter [tilespmem:s29], [sflag:$0x5], $0x80, $0x38;
	[tilespmem:$0x12A00] =	vst v63  }
0x10d: {  	s8 =	sadd.s32 $0x70, s8;
	s29 =	simm.s32 $0x10BB8  }
0x10e: {  	[hbm4b:s8+s4] =	stream.linear.scatter [tilespmem:s29], [sflag:$0x5], $0x80, $0x38;
	[tilespmem:$0x12A00] =	vst v63  }
0x10f: {  	s8 =	sadd.s32 s7, s9;
	s29 =	simm.s32 $0x10C40  }
0x110: {  	[hbm4b:s8+s4] =	stream.linear.scatter [tilespmem:s29], [sflag:$0x5], $0x80, $0x38;
	[tilespmem:$0x12A00] =	vst v63  }
0x111: {  	s14 =	sadd.s32 $0x10, s8;
	s29 =	simm.s32 $0x10CC8  }
0x112: {  	[hbm4b:s14+s4] =	stream.linear.scatter [tilespmem:s29], [sflag:$0x5], $0x80, $0x38;
	[tilespmem:$0x12A00] =	vst v63  }
0x113: {  	s14 =	sadd.s32 $0x20, s8;
	s29 =	simm.s32 $0x10D50  }
0x114: {  	[hbm4b:s14+s4] =	stream.linear.scatter [tilespmem:s29], [sflag:$0x5], $0x80, $0x38;
	[tilespmem:$0x12A00] =	vst v63  }
0x115: {  	s14 =	sadd.s32 $0x30, s8;
	s29 =	simm.s32 $0x10DD8  }
0x116: {  	[hbm4b:s14+s4] =	stream.linear.scatter [tilespmem:s29], [sflag:$0x5], $0x80, $0x38;
	[tilespmem:$0x12A00] =	vst v63  }
0x117: {  	s14 =	sadd.s32 $0x40, s8;
	s29 =	simm.s32 $0x10E60  }
0x118: {  	[hbm4b:s14+s4] =	stream.linear.scatter [tilespmem:s29], [sflag:$0x5], $0x80, $0x38;
	[tilespmem:$0x12A00] =	vst v63  }
0x119: {  	s14 =	sadd.s32 $0x50, s8;
	s29 =	simm.s32 $0x10EE8  }
0x11a: {  	[hbm4b:s14+s4] =	stream.linear.scatter [tilespmem:s29], [sflag:$0x5], $0x80, $0x38;
	[tilespmem:$0x12A00] =	vst v63  }
0x11b: {  	s14 =	sadd.s32 $0x60, s8;
	s29 =	simm.s32 $0x10F70  }
0x11c: {  	[hbm4b:s14+s4] =	stream.linear.scatter [tilespmem:s29], [sflag:$0x5], $0x80, $0x38;
	[tilespmem:$0x12A00] =	vst v63  }
0x11d: {  	s8 =	sadd.s32 $0x70, s8;
	s29 =	simm.s32 $0x10FF8  }
0x11e: {  	[hbm4b:s8+s4] =	stream.linear.scatter [tilespmem:s29], [sflag:$0x5], $0x80, $0x38;
	[tilespmem:$0x12A00] =	vst v63  }
0x11f: {  	s8 =	sadd.s32 s7, s10;
	s29 =	simm.s32 $0x11080  }
0x120: {  	[hbm4b:s8+s4] =	stream.linear.scatter [tilespmem:s29], [sflag:$0x5], $0x80, $0x38;
	[tilespmem:$0x12A00] =	vst v63  }
0x121: {  	s14 =	sadd.s32 $0x10, s8;
	s29 =	simm.s32 $0x11108  }
0x122: {  	[hbm4b:s14+s4] =	stream.linear.scatter [tilespmem:s29], [sflag:$0x5], $0x80, $0x38;
	[tilespmem:$0x12A00] =	vst v63  }
0x123: {  	s14 =	sadd.s32 $0x20, s8;
	s29 =	simm.s32 $0x11190  }
0x124: {  	[hbm4b:s14+s4] =	stream.linear.scatter [tilespmem:s29], [sflag:$0x5], $0x80, $0x38;
	[tilespmem:$0x12A00] =	vst v63  }
0x125: {  	s14 =	sadd.s32 $0x30, s8;
	s29 =	simm.s32 $0x11218  }
0x126: {  	[hbm4b:s14+s4] =	stream.linear.scatter [tilespmem:s29], [sflag:$0x5], $0x80, $0x38;
	[tilespmem:$0x12A00] =	vst v63  }
0x127: {  	s14 =	sadd.s32 $0x40, s8;
	s29 =	simm.s32 $0x112A0  }
0x128: {  	[hbm4b:s14+s4] =	stream.linear.scatter [tilespmem:s29], [sflag:$0x5], $0x80, $0x38;
	[tilespmem:$0x12A00] =	vst v63  }
0x129: {  	s14 =	sadd.s32 $0x50, s8;
	s29 =	simm.s32 $0x11328  }
0x12a: {  	[hbm4b:s14+s4] =	stream.linear.scatter [tilespmem:s29], [sflag:$0x5], $0x80, $0x38;
	[tilespmem:$0x12A00] =	vst v63  }
0x12b: {  	s14 =	sadd.s32 $0x60, s8;
	s29 =	simm.s32 $0x113B0  }
0x12c: {  	[hbm4b:s14+s4] =	stream.linear.scatter [tilespmem:s29], [sflag:$0x5], $0x80, $0x38;
	[tilespmem:$0x12A00] =	vst v63  }
0x12d: {  	s8 =	sadd.s32 $0x70, s8;
	s29 =	simm.s32 $0x11438  }
0x12e: {  	[hbm4b:s8+s4] =	stream.linear.scatter [tilespmem:s29], [sflag:$0x5], $0x80, $0x38;
	[tilespmem:$0x12A00] =	vst v63  }
0x12f: {  	s7 =	sadd.s32 s7, s11;
	s29 =	simm.s32 $0x114C0  }
0x130: {  	[hbm4b:s7+s4] =	stream.linear.scatter [tilespmem:s29], [sflag:$0x5], $0x80, $0x38;
	[tilespmem:$0x12A00] =	vst v63  }
0x131: {  	s14 =	sadd.s32 $0x10, s7;
	s29 =	simm.s32 $0x11548  }
0x132: {  	[hbm4b:s14+s4] =	stream.linear.scatter [tilespmem:s29], [sflag:$0x5], $0x80, $0x38;
	[tilespmem:$0x12A00] =	vst v63  }
0x133: {  	s14 =	sadd.s32 $0x20, s7;
	s29 =	simm.s32 $0x115D0  }
0x134: {  	[hbm4b:s14+s4] =	stream.linear.scatter [tilespmem:s29], [sflag:$0x5], $0x80, $0x38;
	[tilespmem:$0x12A00] =	vst v63  }
0x135: {  	s14 =	sadd.s32 $0x30, s7;
	s29 =	simm.s32 $0x11658  }
0x136: {  	[hbm4b:s14+s4] =	stream.linear.scatter [tilespmem:s29], [sflag:$0x5], $0x80, $0x38;
	[tilespmem:$0x12A00] =	vst v63  }
0x137: {  	s14 =	sadd.s32 $0x40, s7;
	s29 =	simm.s32 $0x116E0  }
0x138: {  	[hbm4b:s14+s4] =	stream.linear.scatter [tilespmem:s29], [sflag:$0x5], $0x80, $0x38;
	[tilespmem:$0x12A00] =	vst v63  }
0x139: {  	p2 =	seq.s32 s30, $0x0;
	s14 =	sadd.s32 $0x50, s7;
	s29 =	simm.s32 $0x11768  }
0x13a: {  	[hbm4b:s14+s4] =	stream.linear.scatter [tilespmem:s29], [sflag:$0x5], $0x80, $0x38;
	[tilespmem:$0x12A00] =	vst v63  }
.Ltmp9:
0x13b: {  	_ = 	snop;
	(pc) =	sbr.rel @p2 .LBB2_11-.Ltmp9, $4  }
0x13c: {  	s14 =	sadd.s32 $0x60, s7;
	s29 =	simm.s32 $0x117F0  }
0x13d: {  	[hbm4b:s14+s4] =	stream.linear.scatter [tilespmem:s29], [sflag:$0x5], $0x80, $0x38;
	[tilespmem:$0x12A00] =	vst v63  }
0x13e: {  	s7 =	sadd.s32 $0x70, s7;
	s29 =	simm.s32 $0x11878  }
0x13f: {  	[hbm4b:s7+s4] =	stream.linear.scatter [tilespmem:s29], [sflag:$0x5], $0x80, $0x38;
	[tilespmem:$0x12A00] =	vst v63  }
.LBB2_8:
0x140: {  	p1 =	por p0, !p1  }
0x141: {  	_ =	swait.ge @p1 [sflag:s0], $0x400  }
0x142: {  	[sflag:s0] =	ssyncset.done @p1 $0x0  }
0x143: {  	[sflag:s0] =	ssyncadd.s32 @p1 $0xFFFFFC00  }
0x144: {  	_ =	swait.ge @p1 [sflag:s0], $0x400  }
0x145: {  	[sflag:s0] =	ssyncset.done @p1 $0x0  }
0x146: {  	[sflag:s0] =	ssyncadd.s32 @p1 $0xFFFFFC00  }
0x147: {  	_ =	swait.ge @p1 [sflag:s0], $0x400  }
0x148: {  	[sflag:s0] =	ssyncset.done @p1 $0x0  }
0x149: {  	[sflag:s0] =	ssyncadd.s32 @p1 $0xFFFFFC00  }
0x14a: {  	_ =	swait.ge @p1 [sflag:s0], $0x400  }
0x14b: {  	[sflag:s0] =	ssyncset.done @p1 $0x0  }
0x14c: {  	s7 =	simm.s32 $0x0;
	[sflag:s0] =	ssyncadd.s32 @p1 $0xFFFFFC00  }
0x14d: {  	v3 =	vmov s7;
	v2 =	vld [tilespmem:s13+$0x30]  }
0x14e: {  	s8 =	simm.s32 $0x1;
	v3 =	vand.u32 $0x7C, v3;
	v4 =	vld [tilespmem:s13+$0x20]  }
0x14f: {  	v8 =	vmov s8;
	v7 =	vadd.s32 v0, v3;
	v6 =	vld [tilespmem:s13+$0xFFFFFFC0]  }
0x150: {  	s14 =	simm.s32 $0x2;
	v8 =	vand.u32 $0x7D, v8;
	v3 =	vadd.s32 v1, v3;
	v9 =	vld [tilespmem:s13+$0xFFFFFFD0]  }
0x151: {  	v12 =	vmov s14;
	v11 =	vadd.s32 v0, v8;
	v10 =	vld [tilespmem:s13+$0xFFFFFFE0]  }
0x152: {  	s30 =	simm.s32 $0x3;
	v12 =	vand.u32 $0x7E, v12;
	v8 =	vadd.s32 v1, v8;
	v13 =	vld [tilespmem:s13+$0xFFFFFFF0]  }
0x153: {  	v16 =	vmov s30;
	v15 =	vadd.s32 v0, v12;
	v14 =	vld [tilespmem:s13+$0x0]  }
0x154: {  	v62 =	vand.u32 $0x7F, v16;
	v61 =	vadd.s32 v1, v12;
	v5 =	vld [tilespmem:s13+$0x10];
	[tilespmem:v7+s16+$0x0] =	vst.idx.msk $0xffff, v6  }
0x155: {  	v63 =	vadd.s32 v0, v62;
	[tilespmem:v3+s16+$0x0] =	vst.idx.msk $0xffff, v9  }
0x156: {  	[tilespmem:v11+s16+$0x0] =	vst.idx.msk $0xffff, v10  }
0x157: {  	v3 =	vadd.s32 v1, v62;
	[tilespmem:v8+s16+$0x0] =	vst.idx.msk $0xffff, v13  }
0x158: {  	[tilespmem:v15+s16+$0x0] =	vst.idx.msk $0xffff, v14  }
0x159: {  	[tilespmem:v61+s16+$0x0] =	vst.idx.msk $0xffff, v5  }
0x15a: {  	s29 =	smov.u32 s13;
	s8 =	simm.s32 $0x4;
	[tilespmem:v63+s16+$0x0] =	vst.idx.msk $0xffff, v4  }
.LBB2_9:
0x15b: {  	p1 =	sne.s32 s8, $0x7C  }
0x15c: {  	[tilespmem:v3+s16+$0x0] =	vst.idx.msk $0xffff, v2;
	s29 =	sadd.s32 $0x80, s29;
	s7 =	smov.u32 s8;
	s8 =	sadd.s32 $0x4, s8  }
0x15d: {  	v2 =	vld [tilespmem:s29+$0x30]  }
0x15e: {  	v3 =	vmov s7;
	v4 =	vld [tilespmem:s29+$0x20]  }
0x15f: {  	s14 =	sadd.s32 $0x1, s7;
	v3 =	vand.u32 $0x7C, v3;
	v5 =	vld [tilespmem:s29+$0x10]  }
0x160: {  	v8 =	vmov s14;
	v7 =	vadd.s32 v0, v3;
	v6 =	vld [tilespmem:s29+$0xFFFFFFC0]  }
0x161: {  	s14 =	sadd.s32 $0x2, s7;
	v3 =	vadd.s32 v1, v3;
	v8 =	vand.u32 $0x7D, v8;
	v9 =	vld [tilespmem:s29+$0xFFFFFFD0]  }
0x162: {  	v12 =	vmov s14;
	v11 =	vadd.s32 v0, v8;
	v10 =	vld [tilespmem:s29+$0xFFFFFFE0]  }
0x163: {  	s7 =	sadd.s32 $0x3, s7;
	v8 =	vadd.s32 v1, v8;
	v12 =	vand.u32 $0x7E, v12;
	v13 =	vld [tilespmem:s29+$0xFFFFFFF0]  }
0x164: {  	v16 =	vmov s7;
	v15 =	vadd.s32 v0, v12;
	v14 =	vld [tilespmem:s29+$0x0]  }
0x165: {  	[tilespmem:v7+s16+$0x0] =	vst.idx.msk $0xffff, v6;
	v6 =	vadd.s32 v1, v12;
	v7 =	vand.u32 $0x7F, v16  }
0x166: {  	[tilespmem:v3+s16+$0x0] =	vst.idx.msk $0xffff, v9;
	v9 =	vadd.s32 v0, v7  }
.Ltmp10:
0x167: {  	v3 =	vadd.s32 v1, v7;
	[tilespmem:v11+s16+$0x0] =	vst.idx.msk $0xffff, v10;
	(pc) =	sbr.rel @p1 .LBB2_9-.Ltmp10, $4  }
0x168: {  	[tilespmem:v8+s16+$0x0] =	vst.idx.msk $0xffff, v13  }
0x169: {  	[tilespmem:v15+s16+$0x0] =	vst.idx.msk $0xffff, v14  }
0x16a: {  	[tilespmem:v6+s16+$0x0] =	vst.idx.msk $0xffff, v5  }
0x16b: {  	[tilespmem:v9+s16+$0x0] =	vst.idx.msk $0xffff, v4  }
.Ltmp11:
0x16c: {  	_ = 	snop;
	(pc) =	sbr.rel .LBB2_10-.Ltmp11, $1  }
0x16d: {  	_ =	sdelay $0x3  }
.LBB2_12:
0x16e: {  	s29 =	rddreg [dreg:$0xb]  }
0x16f: {  	s7 =	rddreg [dreg:$0x8];
	p0 =	sgt.u32 s29, $0x61  }
0x170: {  	s7 =	sadd.s32 @!p0 s29, s7  }
0x171: {  	s7 =	sshll.u32 @!p0 s7, $0x7  }
0x172: {  	s8 =	rddreg [dreg:$0x0];
	s7 =	sand.u32 @!p0 $0xFFFFF00, s7  }
0x173: {  	s30 =	rddreg [dreg:$0xc];
	s7 =	sadd.s32 @!p0 s8, s7;
	s8 =	simm.s32 @!p0 $0x0  }
0x174: {  	[tilespmem:s8], [sflag:$0x1] =	stream.linear.gather @!p0 [hbm4b:s7+s8], $0x400, $0x38;
	[tilespmem:$0x12A00] =	vst v63  }
0x175: {  	p0 =	seq.s32 s30, $0x0  }
.Ltmp12:
0x176: {  	_ = 	snop;
	(pc) =	sbr.rel @p0 .LBB2_23-.Ltmp12, $1  }
0x177: {  	_ =	sdelay $0x3  }
.LBB2_13:
0x178: {  	p0 =	seq.s32 s29, $0x63  }
0x179: {  	s7 =	simm.s32 @!p0 $0x1  }
0x17a: {  	_ =	swait.ge @!p0 [sflag:s7], $0x400  }
0x17b: {  	s8 =	simm.s32 @!p0 $0x0;
	s13 =	simm.s32 @!p0 $0x800;
	[sflag:s7] =	ssyncset.done @!p0 $0x0  }
0x17c: {  	s14 =	rddreg [dreg:$0x4];
	[sflag:s7] =	ssyncadd.s32 @!p0 $0xFFFFFC00;
	s7 =	simm.s32 @!p0 $0x80  }
0x17d: {  	[tilespmem:s13], [sflag:$0x3] =	stream.indirect.gather @!p0 [hbm4b:s14+s7], $0x20, s8, s7, $0xb8;
	[tilespmem:$0x12A00] =	vst v63  }
0x17e: {  	s8 =	simm.s32 @!p0 $0x1800  }
0x17f: {  	[tilespmem:s8], [sflag:$0x3] =	stream.indirect.gather @!p0 [hbm4b:s14+s7], $0x20, s7, s7, $0xb8;
	[tilespmem:$0x12A00] =	vst v63  }
0x180: {  	s13 =	simm.s32 @!p0 $0x2800;
	s8 =	simm.s32 @!p0 $0x100  }
0x181: {  	[tilespmem:s13], [sflag:$0x3] =	stream.indirect.gather @!p0 [hbm4b:s14+s7], $0x20, s8, s7, $0xb8;
	[tilespmem:$0x12A00] =	vst v63  }
0x182: {  	s8 =	simm.s32 @!p0 $0x180;
	s13 =	simm.s32 @!p0 $0x3800  }
0x183: {  	[tilespmem:s13], [sflag:$0x3] =	stream.indirect.gather @!p0 [hbm4b:s14+s7], $0x20, s8, s7, $0xb8;
	[tilespmem:$0x12A00] =	vst v63  }
0x184: {  	s8 =	simm.s32 @!p0 $0x200;
	s13 =	simm.s32 @!p0 $0x4800  }
0x185: {  	[tilespmem:s13], [sflag:$0x3] =	stream.indirect.gather @!p0 [hbm4b:s14+s7], $0x20, s8, s7, $0xb8;
	[tilespmem:$0x12A00] =	vst v63  }
0x186: {  	s8 =	simm.s32 @!p0 $0x280;
	s13 =	simm.s32 @!p0 $0x5800  }
0x187: {  	[tilespmem:s13], [sflag:$0x3] =	stream.indirect.gather @!p0 [hbm4b:s14+s7], $0x20, s8, s7, $0xb8;
	[tilespmem:$0x12A00] =	vst v63  }
0x188: {  	s8 =	simm.s32 @!p0 $0x300;
	s13 =	simm.s32 @!p0 $0x6800  }
0x189: {  	[tilespmem:s13], [sflag:$0x3] =	stream.indirect.gather @!p0 [hbm4b:s14+s7], $0x20, s8, s7, $0xb8;
	[tilespmem:$0x12A00] =	vst v63  }
0x18a: {  	s8 =	simm.s32 @!p0 $0x380;
	s13 =	simm.s32 @!p0 $0x7800  }
0x18b: {  	[tilespmem:s13], [sflag:$0x3] =	stream.indirect.gather @!p0 [hbm4b:s14+s7], $0x20, s8, s7, $0xb8;
	[tilespmem:$0x12A00] =	vst v63  }
0x18c: {  	s14 =	simm.s32 $0x4  }
0x18d: {  	_ =	swait.ge [sflag:s14], $0x1000  }
0x18e: {  	[sflag:s14] =	ssyncset.done $0x0  }
0x18f: {  	[sflag:s14] =	ssyncadd.s32 $0xFFFFF000  }
0x190: {  	_ =	swait.ge [sflag:s14], $0x1000  }
0x191: {  	[sflag:s14] =	ssyncset.done $0x0  }
0x192: {  	[sflag:s14] =	ssyncadd.s32 $0xFFFFF000  }
0x193: {  	_ =	swait.ge [sflag:s14], $0x1000  }
0x194: {  	[sflag:s14] =	ssyncset.done $0x0  }
0x195: {  	[sflag:s14] =	ssyncadd.s32 $0xFFFFF000  }
0x196: {  	_ =	swait.ge [sflag:s14], $0x1000  }
0x197: {  	[sflag:s14] =	ssyncset.done $0x0  }
0x198: {  	[sflag:s14] =	ssyncadd.s32 $0xFFFFF000  }
0x199: {  	_ =	swait.ge [sflag:s14], $0x1000  }
0x19a: {  	[sflag:s14] =	ssyncset.done $0x0  }
0x19b: {  	[sflag:s14] =	ssyncadd.s32 $0xFFFFF000  }
0x19c: {  	_ =	swait.ge [sflag:s14], $0x1000  }
0x19d: {  	[sflag:s14] =	ssyncset.done $0x0  }
0x19e: {  	[sflag:s14] =	ssyncadd.s32 $0xFFFFF000  }
0x19f: {  	_ =	swait.ge [sflag:s14], $0x1000  }
0x1a0: {  	[sflag:s14] =	ssyncset.done $0x0  }
0x1a1: {  	[sflag:s14] =	ssyncadd.s32 $0xFFFFF000  }
0x1a2: {  	_ =	swait.ge [sflag:s14], $0x1000  }
.Ltmp13:
0x1a3: {  	s26 =	rddreg [dreg:$0x5];
	(pc) =	sbr.rel .LBB2_14-.Ltmp13, $4  }
0x1a4: {  	s7 =	sadd.s32 s26, s29  }
0x1a5: {  	s28 =	simm.s32 $0x0;
	s30 =	sshll.u32 s7, $0xC;
	s7 =	sshll.u32 s7, $0x7  }
0x1a6: {  	[sflag:s14] =	ssyncset.done $0x0;
	s8 =	sand.u32 $0xFF80000, s30;
	s7 =	sand.u32 $0x3F80, s7  }
0x1a7: {  	[sflag:s14] =	ssyncadd.s32 $0xFFFFF000;
	s29 =	simm.s32 $0x8840;
	s26 =	sor.u32 s7, s8  }
.LBB2_21:
0x1a8: {  	s28 =	sadd.s32 $0x1, s28  }
0x1a9: {  	p0 =	sne.s32 s28, $0x8  }
.Ltmp14:
0x1aa: {  	_ = 	snop;
	(pc) =	sbr.rel @!p0 .LBB2_22-.Ltmp14, $2  }
0x1ab: {  	_ =	sdelay $0x2  }
0x1ac: {  	s29 =	sadd.s32 $0x1000, s29  }
.LBB2_14:
0x1ad: {  	s30 =	sand.u32 $0x1, s28  }
0x1ae: {  	p0 =	seq.s32 s30, $0x1  }
.Ltmp15:
0x1af: {  	_ = 	snop;
	(pc) =	sbr.rel @p0 .LBB2_18-.Ltmp15, $1  }
0x1b0: {  	_ =	sdelay $0x3  }
0x1b1: {  	_ =	swait.ge [sflag:s24], $0x400  }
0x1b2: {  	[sflag:s24] =	ssyncset.done $0x0  }
0x1b3: {  	[sflag:s24] =	ssyncadd.s32 $0xFFFFFC00  }
0x1b4: {  	_ =	swait.ge [sflag:s24], $0x400  }
0x1b5: {  	[sflag:s24] =	ssyncset.done $0x0  }
0x1b6: {  	[sflag:s24] =	ssyncadd.s32 $0xFFFFFC00  }
0x1b7: {  	_ =	swait.ge [sflag:s24], $0x400  }
0x1b8: {  	[sflag:s24] =	ssyncset.done $0x0  }
0x1b9: {  	[sflag:s24] =	ssyncadd.s32 $0xFFFFFC00  }
0x1ba: {  	_ =	swait.ge [sflag:s24], $0x400  }
0x1bb: {  	[sflag:s24] =	ssyncset.done $0x0  }
0x1bc: {  	s7 =	simm.s32 $0x0;
	[sflag:s24] =	ssyncadd.s32 $0xFFFFFC00  }
0x1bd: {  	v3 =	vmov s7;
	v2 =	vld [tilespmem:s29+$0x30]  }
0x1be: {  	s8 =	simm.s32 $0x1;
	v3 =	vand.u32 $0x7C, v3;
	v4 =	vld [tilespmem:s29+$0x20]  }
0x1bf: {  	v8 =	vmov s8;
	v7 =	vadd.s32 v0, v3;
	v6 =	vld [tilespmem:s29+$0xFFFFFFC0]  }
0x1c0: {  	s13 =	simm.s32 $0x2;
	v8 =	vand.u32 $0x7D, v8;
	v3 =	vadd.s32 v1, v3;
	v9 =	vld [tilespmem:s29+$0xFFFFFFD0]  }
0x1c1: {  	v12 =	vmov s13;
	v11 =	vadd.s32 v0, v8;
	v10 =	vld [tilespmem:s29+$0xFFFFFFE0]  }
0x1c2: {  	s14 =	simm.s32 $0x3;
	v12 =	vand.u32 $0x7E, v12;
	v8 =	vadd.s32 v1, v8;
	v13 =	vld [tilespmem:s29+$0xFFFFFFF0]  }
0x1c3: {  	v16 =	vmov s14;
	v15 =	vadd.s32 v0, v12;
	v14 =	vld [tilespmem:s29+$0x0]  }
0x1c4: {  	v62 =	vand.u32 $0x7F, v16;
	v61 =	vadd.s32 v1, v12;
	v5 =	vld [tilespmem:s29+$0x10];
	[tilespmem:v7+s25+$0x0] =	vst.idx.msk $0xffff, v6  }
0x1c5: {  	v63 =	vadd.s32 v0, v62;
	[tilespmem:v3+s25+$0x0] =	vst.idx.msk $0xffff, v9  }
0x1c6: {  	[tilespmem:v11+s25+$0x0] =	vst.idx.msk $0xffff, v10  }
0x1c7: {  	v3 =	vadd.s32 v1, v62;
	[tilespmem:v8+s25+$0x0] =	vst.idx.msk $0xffff, v13  }
0x1c8: {  	[tilespmem:v15+s25+$0x0] =	vst.idx.msk $0xffff, v14  }
0x1c9: {  	[tilespmem:v61+s25+$0x0] =	vst.idx.msk $0xffff, v5  }
0x1ca: {  	s8 =	simm.s32 $0x4;
	s13 =	smov.u32 s29;
	[tilespmem:v63+s25+$0x0] =	vst.idx.msk $0xffff, v4  }
.LBB2_16:
0x1cb: {  	p0 =	sne.s32 s8, $0x7C  }
0x1cc: {  	[tilespmem:v3+s25+$0x0] =	vst.idx.msk $0xffff, v2;
	s13 =	sadd.s32 $0x80, s13;
	s7 =	smov.u32 s8;
	s8 =	sadd.s32 $0x4, s8  }
0x1cd: {  	v2 =	vld [tilespmem:s13+$0x30]  }
0x1ce: {  	v3 =	vmov s7;
	v4 =	vld [tilespmem:s13+$0x20]  }
0x1cf: {  	s14 =	sadd.s32 $0x1, s7;
	v3 =	vand.u32 $0x7C, v3;
	v5 =	vld [tilespmem:s13+$0x10]  }
0x1d0: {  	v8 =	vmov s14;
	v7 =	vadd.s32 v0, v3;
	v6 =	vld [tilespmem:s13+$0xFFFFFFC0]  }
0x1d1: {  	s14 =	sadd.s32 $0x2, s7;
	v3 =	vadd.s32 v1, v3;
	v8 =	vand.u32 $0x7D, v8;
	v9 =	vld [tilespmem:s13+$0xFFFFFFD0]  }
0x1d2: {  	v12 =	vmov s14;
	v11 =	vadd.s32 v0, v8;
	v10 =	vld [tilespmem:s13+$0xFFFFFFE0]  }
0x1d3: {  	s7 =	sadd.s32 $0x3, s7;
	v8 =	vadd.s32 v1, v8;
	v12 =	vand.u32 $0x7E, v12;
	v13 =	vld [tilespmem:s13+$0xFFFFFFF0]  }
0x1d4: {  	v16 =	vmov s7;
	v15 =	vadd.s32 v0, v12;
	v14 =	vld [tilespmem:s13+$0x0]  }
0x1d5: {  	[tilespmem:v7+s25+$0x0] =	vst.idx.msk $0xffff, v6;
	v6 =	vadd.s32 v1, v12;
	v7 =	vand.u32 $0x7F, v16  }
0x1d6: {  	[tilespmem:v3+s25+$0x0] =	vst.idx.msk $0xffff, v9;
	v9 =	vadd.s32 v0, v7  }
.Ltmp16:
0x1d7: {  	v3 =	vadd.s32 v1, v7;
	[tilespmem:v11+s25+$0x0] =	vst.idx.msk $0xffff, v10;
	(pc) =	sbr.rel @p0 .LBB2_16-.Ltmp16, $4  }
0x1d8: {  	[tilespmem:v8+s25+$0x0] =	vst.idx.msk $0xffff, v13  }
0x1d9: {  	[tilespmem:v15+s25+$0x0] =	vst.idx.msk $0xffff, v14  }
0x1da: {  	[tilespmem:v6+s25+$0x0] =	vst.idx.msk $0xffff, v5  }
0x1db: {  	[tilespmem:v9+s25+$0x0] =	vst.idx.msk $0xffff, v4  }
0x1dc: {  	_ =	sdelay $0x1  }
0x1dd: {  	s7 =	sshll.u32 s28, $0x10  }
0x1de: {  	s7 =	sadd.s32 s26, s7  }
0x1df: {  	[tilespmem:v3+s25+$0x0] =	vst.idx.msk $0xffff, v2;
	s8 =	sadd.s32 s3, s7  }
0x1e0: {  	[hbm4b:s8+s4] =	stream.linear.scatter [tilespmem:s25], [sflag:$0x5], $0x80, $0x38;
	[tilespmem:$0x12A00] =	vst v63  }
0x1e1: {  	s14 =	simm.s32 $0x10888;
	s13 =	sadd.s32 $0x10, s8  }
0x1e2: {  	[hbm4b:s13+s4] =	stream.linear.scatter [tilespmem:s14], [sflag:$0x5], $0x80, $0x38;
	[tilespmem:$0x12A00] =	vst v63  }
0x1e3: {  	s13 =	sadd.s32 $0x20, s8;
	s14 =	simm.s32 $0x10910  }
0x1e4: {  	[hbm4b:s13+s4] =	stream.linear.scatter [tilespmem:s14], [sflag:$0x5], $0x80, $0x38;
	[tilespmem:$0x12A00] =	vst v63  }
0x1e5: {  	s13 =	sadd.s32 $0x30, s8;
	s14 =	simm.s32 $0x10998  }
0x1e6: {  	[hbm4b:s13+s4] =	stream.linear.scatter [tilespmem:s14], [sflag:$0x5], $0x80, $0x38;
	[tilespmem:$0x12A00] =	vst v63  }
0x1e7: {  	s13 =	sadd.s32 $0x40, s8;
	s14 =	simm.s32 $0x10A20  }
0x1e8: {  	[hbm4b:s13+s4] =	stream.linear.scatter [tilespmem:s14], [sflag:$0x5], $0x80, $0x38;
	[tilespmem:$0x12A00] =	vst v63  }
0x1e9: {  	s13 =	sadd.s32 $0x50, s8;
	s14 =	simm.s32 $0x10AA8  }
0x1ea: {  	[hbm4b:s13+s4] =	stream.linear.scatter [tilespmem:s14], [sflag:$0x5], $0x80, $0x38;
	[tilespmem:$0x12A00] =	vst v63  }
0x1eb: {  	s13 =	sadd.s32 $0x60, s8;
	s14 =	simm.s32 $0x10B30  }
0x1ec: {  	[hbm4b:s13+s4] =	stream.linear.scatter [tilespmem:s14], [sflag:$0x5], $0x80, $0x38;
	[tilespmem:$0x12A00] =	vst v63  }
0x1ed: {  	s8 =	sadd.s32 $0x70, s8;
	s14 =	simm.s32 $0x10BB8  }
0x1ee: {  	[hbm4b:s8+s4] =	stream.linear.scatter [tilespmem:s14], [sflag:$0x5], $0x80, $0x38;
	[tilespmem:$0x12A00] =	vst v63  }
0x1ef: {  	s8 =	sadd.s32 s7, s9;
	s14 =	simm.s32 $0x10C40  }
0x1f0: {  	[hbm4b:s8+s4] =	stream.linear.scatter [tilespmem:s14], [sflag:$0x5], $0x80, $0x38;
	[tilespmem:$0x12A00] =	vst v63  }
0x1f1: {  	s13 =	sadd.s32 $0x10, s8;
	s14 =	simm.s32 $0x10CC8  }
0x1f2: {  	[hbm4b:s13+s4] =	stream.linear.scatter [tilespmem:s14], [sflag:$0x5], $0x80, $0x38;
	[tilespmem:$0x12A00] =	vst v63  }
0x1f3: {  	s13 =	sadd.s32 $0x20, s8;
	s14 =	simm.s32 $0x10D50  }
0x1f4: {  	[hbm4b:s13+s4] =	stream.linear.scatter [tilespmem:s14], [sflag:$0x5], $0x80, $0x38;
	[tilespmem:$0x12A00] =	vst v63  }
0x1f5: {  	s13 =	sadd.s32 $0x30, s8;
	s14 =	simm.s32 $0x10DD8  }
0x1f6: {  	[hbm4b:s13+s4] =	stream.linear.scatter [tilespmem:s14], [sflag:$0x5], $0x80, $0x38;
	[tilespmem:$0x12A00] =	vst v63  }
0x1f7: {  	s13 =	sadd.s32 $0x40, s8;
	s14 =	simm.s32 $0x10E60  }
0x1f8: {  	[hbm4b:s13+s4] =	stream.linear.scatter [tilespmem:s14], [sflag:$0x5], $0x80, $0x38;
	[tilespmem:$0x12A00] =	vst v63  }
0x1f9: {  	s13 =	sadd.s32 $0x50, s8;
	s14 =	simm.s32 $0x10EE8  }
0x1fa: {  	[hbm4b:s13+s4] =	stream.linear.scatter [tilespmem:s14], [sflag:$0x5], $0x80, $0x38;
	[tilespmem:$0x12A00] =	vst v63  }
0x1fb: {  	s13 =	sadd.s32 $0x60, s8;
	s14 =	simm.s32 $0x10F70  }
0x1fc: {  	[hbm4b:s13+s4] =	stream.linear.scatter [tilespmem:s14], [sflag:$0x5], $0x80, $0x38;
	[tilespmem:$0x12A00] =	vst v63  }
0x1fd: {  	s8 =	sadd.s32 $0x70, s8;
	s14 =	simm.s32 $0x10FF8  }
0x1fe: {  	[hbm4b:s8+s4] =	stream.linear.scatter [tilespmem:s14], [sflag:$0x5], $0x80, $0x38;
	[tilespmem:$0x12A00] =	vst v63  }
0x1ff: {  	s8 =	sadd.s32 s7, s10;
	s14 =	simm.s32 $0x11080  }
0x200: {  	[hbm4b:s8+s4] =	stream.linear.scatter [tilespmem:s14], [sflag:$0x5], $0x80, $0x38;
	[tilespmem:$0x12A00] =	vst v63  }
0x201: {  	s13 =	sadd.s32 $0x10, s8;
	s14 =	simm.s32 $0x11108  }
0x202: {  	[hbm4b:s13+s4] =	stream.linear.scatter [tilespmem:s14], [sflag:$0x5], $0x80, $0x38;
	[tilespmem:$0x12A00] =	vst v63  }
0x203: {  	s13 =	sadd.s32 $0x20, s8;
	s14 =	simm.s32 $0x11190  }
0x204: {  	[hbm4b:s13+s4] =	stream.linear.scatter [tilespmem:s14], [sflag:$0x5], $0x80, $0x38;
	[tilespmem:$0x12A00] =	vst v63  }
0x205: {  	s13 =	sadd.s32 $0x30, s8;
	s14 =	simm.s32 $0x11218  }
0x206: {  	[hbm4b:s13+s4] =	stream.linear.scatter [tilespmem:s14], [sflag:$0x5], $0x80, $0x38;
	[tilespmem:$0x12A00] =	vst v63  }
0x207: {  	s13 =	sadd.s32 $0x40, s8;
	s14 =	simm.s32 $0x112A0  }
0x208: {  	[hbm4b:s13+s4] =	stream.linear.scatter [tilespmem:s14], [sflag:$0x5], $0x80, $0x38;
	[tilespmem:$0x12A00] =	vst v63  }
0x209: {  	s13 =	sadd.s32 $0x50, s8;
	s14 =	simm.s32 $0x11328  }
0x20a: {  	[hbm4b:s13+s4] =	stream.linear.scatter [tilespmem:s14], [sflag:$0x5], $0x80, $0x38;
	[tilespmem:$0x12A00] =	vst v63  }
0x20b: {  	s13 =	sadd.s32 $0x60, s8;
	s14 =	simm.s32 $0x113B0  }
0x20c: {  	[hbm4b:s13+s4] =	stream.linear.scatter [tilespmem:s14], [sflag:$0x5], $0x80, $0x38;
	[tilespmem:$0x12A00] =	vst v63  }
0x20d: {  	s8 =	sadd.s32 $0x70, s8;
	s14 =	simm.s32 $0x11438  }
0x20e: {  	[hbm4b:s8+s4] =	stream.linear.scatter [tilespmem:s14], [sflag:$0x5], $0x80, $0x38;
	[tilespmem:$0x12A00] =	vst v63  }
0x20f: {  	s7 =	sadd.s32 s7, s11;
	s14 =	simm.s32 $0x114C0  }
0x210: {  	[hbm4b:s7+s4] =	stream.linear.scatter [tilespmem:s14], [sflag:$0x5], $0x80, $0x38;
	[tilespmem:$0x12A00] =	vst v63  }
0x211: {  	s13 =	sadd.s32 $0x10, s7;
	s14 =	simm.s32 $0x11548  }
0x212: {  	[hbm4b:s13+s4] =	stream.linear.scatter [tilespmem:s14], [sflag:$0x5], $0x80, $0x38;
	[tilespmem:$0x12A00] =	vst v63  }
0x213: {  	s13 =	sadd.s32 $0x20, s7;
	s14 =	simm.s32 $0x115D0  }
0x214: {  	[hbm4b:s13+s4] =	stream.linear.scatter [tilespmem:s14], [sflag:$0x5], $0x80, $0x38;
	[tilespmem:$0x12A00] =	vst v63  }
0x215: {  	s13 =	sadd.s32 $0x30, s7;
	s14 =	simm.s32 $0x11658  }
0x216: {  	[hbm4b:s13+s4] =	stream.linear.scatter [tilespmem:s14], [sflag:$0x5], $0x80, $0x38;
	[tilespmem:$0x12A00] =	vst v63  }
0x217: {  	s13 =	sadd.s32 $0x40, s7;
	s14 =	simm.s32 $0x116E0  }
0x218: {  	[hbm4b:s13+s4] =	stream.linear.scatter [tilespmem:s14], [sflag:$0x5], $0x80, $0x38;
	[tilespmem:$0x12A00] =	vst v63  }
0x219: {  	p0 =	seq.s32 s30, $0x0;
	s13 =	sadd.s32 $0x50, s7;
	s14 =	simm.s32 $0x11768  }
0x21a: {  	[hbm4b:s13+s4] =	stream.linear.scatter [tilespmem:s14], [sflag:$0x5], $0x80, $0x38;
	[tilespmem:$0x12A00] =	vst v63  }
.Ltmp17:
0x21b: {  	_ = 	snop;
	(pc) =	sbr.rel @p0 .LBB2_21-.Ltmp17, $4  }
0x21c: {  	s13 =	sadd.s32 $0x60, s7;
	s14 =	simm.s32 $0x117F0  }
0x21d: {  	[hbm4b:s13+s4] =	stream.linear.scatter [tilespmem:s14], [sflag:$0x5], $0x80, $0x38;
	[tilespmem:$0x12A00] =	vst v63  }
0x21e: {  	s7 =	sadd.s32 $0x70, s7;
	s14 =	simm.s32 $0x11878  }
0x21f: {  	[hbm4b:s7+s4] =	stream.linear.scatter [tilespmem:s14], [sflag:$0x5], $0x80, $0x38;
	[tilespmem:$0x12A00] =	vst v63  }
.LBB2_18:
0x220: {  	_ =	swait.ge [sflag:s0], $0x400  }
0x221: {  	[sflag:s0] =	ssyncset.done $0x0  }
0x222: {  	[sflag:s0] =	ssyncadd.s32 $0xFFFFFC00  }
0x223: {  	_ =	swait.ge [sflag:s0], $0x400  }
0x224: {  	[sflag:s0] =	ssyncset.done $0x0  }
0x225: {  	[sflag:s0] =	ssyncadd.s32 $0xFFFFFC00  }
0x226: {  	_ =	swait.ge [sflag:s0], $0x400  }
0x227: {  	[sflag:s0] =	ssyncset.done $0x0  }
0x228: {  	[sflag:s0] =	ssyncadd.s32 $0xFFFFFC00  }
0x229: {  	_ =	swait.ge [sflag:s0], $0x400  }
0x22a: {  	[sflag:s0] =	ssyncset.done $0x0  }
0x22b: {  	s7 =	simm.s32 $0x0;
	[sflag:s0] =	ssyncadd.s32 $0xFFFFFC00  }
0x22c: {  	v3 =	vmov s7;
	v2 =	vld [tilespmem:s29+$0x30]  }
0x22d: {  	s13 =	simm.s32 $0x1;
	v3 =	vand.u32 $0x7C, v3;
	v4 =	vld [tilespmem:s29+$0x20]  }
0x22e: {  	v8 =	vmov s13;
	v7 =	vadd.s32 v0, v3;
	v6 =	vld [tilespmem:s29+$0xFFFFFFC0]  }
0x22f: {  	s14 =	simm.s32 $0x2;
	v8 =	vand.u32 $0x7D, v8;
	v3 =	vadd.s32 v1, v3;
	v9 =	vld [tilespmem:s29+$0xFFFFFFD0]  }
0x230: {  	v12 =	vmov s14;
	v11 =	vadd.s32 v0, v8;
	v10 =	vld [tilespmem:s29+$0xFFFFFFE0]  }
0x231: {  	s30 =	simm.s32 $0x3;
	v12 =	vand.u32 $0x7E, v12;
	v8 =	vadd.s32 v1, v8;
	v13 =	vld [tilespmem:s29+$0xFFFFFFF0]  }
0x232: {  	v16 =	vmov s30;
	v15 =	vadd.s32 v0, v12;
	v14 =	vld [tilespmem:s29+$0x0]  }
0x233: {  	v62 =	vand.u32 $0x7F, v16;
	v61 =	vadd.s32 v1, v12;
	v5 =	vld [tilespmem:s29+$0x10];
	[tilespmem:v7+s16+$0x0] =	vst.idx.msk $0xffff, v6  }
0x234: {  	v63 =	vadd.s32 v0, v62;
	[tilespmem:v3+s16+$0x0] =	vst.idx.msk $0xffff, v9  }
0x235: {  	[tilespmem:v11+s16+$0x0] =	vst.idx.msk $0xffff, v10  }
0x236: {  	v3 =	vadd.s32 v1, v62;
	[tilespmem:v8+s16+$0x0] =	vst.idx.msk $0xffff, v13  }
0x237: {  	[tilespmem:v15+s16+$0x0] =	vst.idx.msk $0xffff, v14  }
0x238: {  	[tilespmem:v61+s16+$0x0] =	vst.idx.msk $0xffff, v5  }
0x239: {  	s8 =	simm.s32 $0x4;
	s13 =	smov.u32 s29;
	[tilespmem:v63+s16+$0x0] =	vst.idx.msk $0xffff, v4  }
.LBB2_19:
0x23a: {  	p0 =	sne.s32 s8, $0x7C  }
0x23b: {  	[tilespmem:v3+s16+$0x0] =	vst.idx.msk $0xffff, v2;
	s13 =	sadd.s32 $0x80, s13;
	s7 =	smov.u32 s8;
	s8 =	sadd.s32 $0x4, s8  }
0x23c: {  	v2 =	vld [tilespmem:s13+$0x30]  }
0x23d: {  	v3 =	vmov s7;
	v4 =	vld [tilespmem:s13+$0x20]  }
0x23e: {  	s14 =	sadd.s32 $0x1, s7;
	v3 =	vand.u32 $0x7C, v3;
	v5 =	vld [tilespmem:s13+$0x10]  }
0x23f: {  	v8 =	vmov s14;
	v7 =	vadd.s32 v0, v3;
	v6 =	vld [tilespmem:s13+$0xFFFFFFC0]  }
0x240: {  	s14 =	sadd.s32 $0x2, s7;
	v3 =	vadd.s32 v1, v3;
	v8 =	vand.u32 $0x7D, v8;
	v9 =	vld [tilespmem:s13+$0xFFFFFFD0]  }
0x241: {  	v12 =	vmov s14;
	v11 =	vadd.s32 v0, v8;
	v10 =	vld [tilespmem:s13+$0xFFFFFFE0]  }
0x242: {  	s7 =	sadd.s32 $0x3, s7;
	v8 =	vadd.s32 v1, v8;
	v12 =	vand.u32 $0x7E, v12;
	v13 =	vld [tilespmem:s13+$0xFFFFFFF0]  }
0x243: {  	v16 =	vmov s7;
	v15 =	vadd.s32 v0, v12;
	v14 =	vld [tilespmem:s13+$0x0]  }
0x244: {  	[tilespmem:v7+s16+$0x0] =	vst.idx.msk $0xffff, v6;
	v6 =	vadd.s32 v1, v12;
	v7 =	vand.u32 $0x7F, v16  }
0x245: {  	[tilespmem:v3+s16+$0x0] =	vst.idx.msk $0xffff, v9;
	v9 =	vadd.s32 v0, v7  }
.Ltmp18:
0x246: {  	v3 =	vadd.s32 v1, v7;
	[tilespmem:v11+s16+$0x0] =	vst.idx.msk $0xffff, v10;
	(pc) =	sbr.rel @p0 .LBB2_19-.Ltmp18, $4  }
0x247: {  	[tilespmem:v8+s16+$0x0] =	vst.idx.msk $0xffff, v13  }
0x248: {  	[tilespmem:v15+s16+$0x0] =	vst.idx.msk $0xffff, v14  }
0x249: {  	[tilespmem:v6+s16+$0x0] =	vst.idx.msk $0xffff, v5  }
0x24a: {  	[tilespmem:v9+s16+$0x0] =	vst.idx.msk $0xffff, v4  }
0x24b: {  	_ =	sdelay $0x1  }
0x24c: {  	s7 =	sshll.u32 s28, $0x10  }
0x24d: {  	s7 =	sadd.s32 s26, s7  }
0x24e: {  	[tilespmem:v3+s16+$0x0] =	vst.idx.msk $0xffff, v2;
	s8 =	sadd.s32 s3, s7  }
0x24f: {  	[hbm4b:s8+s4] =	stream.linear.scatter [tilespmem:s16], [sflag:$0x6], $0x80, $0x38;
	[tilespmem:$0x12A00] =	vst v63  }
0x250: {  	s14 =	simm.s32 $0x11988;
	s13 =	sadd.s32 $0x10, s8  }
0x251: {  	[hbm4b:s13+s4] =	stream.linear.scatter [tilespmem:s14], [sflag:$0x6], $0x80, $0x38;
	[tilespmem:$0x12A00] =	vst v63  }
0x252: {  	s30 =	simm.s32 $0x11A10;
	s14 =	sadd.s32 $0x20, s8  }
0x253: {  	[hbm4b:s14+s4] =	stream.linear.scatter [tilespmem:s30], [sflag:$0x6], $0x80, $0x38;
	[tilespmem:$0x12A00] =	vst v63  }
0x254: {  	s14 =	sadd.s32 $0x30, s8;
	s30 =	simm.s32 $0x11A98  }
0x255: {  	[hbm4b:s14+s4] =	stream.linear.scatter [tilespmem:s30], [sflag:$0x6], $0x80, $0x38;
	[tilespmem:$0x12A00] =	vst v63  }
0x256: {  	s14 =	sadd.s32 $0x40, s8;
	s30 =	simm.s32 $0x11B20  }
0x257: {  	[hbm4b:s14+s4] =	stream.linear.scatter [tilespmem:s30], [sflag:$0x6], $0x80, $0x38;
	[tilespmem:$0x12A00] =	vst v63  }
0x258: {  	s14 =	sadd.s32 $0x50, s8;
	s30 =	simm.s32 $0x11BA8  }
0x259: {  	[hbm4b:s14+s4] =	stream.linear.scatter [tilespmem:s30], [sflag:$0x6], $0x80, $0x38;
	[tilespmem:$0x12A00] =	vst v63  }
0x25a: {  	s14 =	sadd.s32 $0x60, s8;
	s30 =	simm.s32 $0x11C30  }
0x25b: {  	[hbm4b:s14+s4] =	stream.linear.scatter [tilespmem:s30], [sflag:$0x6], $0x80, $0x38;
	[tilespmem:$0x12A00] =	vst v63  }
0x25c: {  	s8 =	sadd.s32 $0x70, s8;
	s14 =	simm.s32 $0x11CB8  }
0x25d: {  	[hbm4b:s8+s4] =	stream.linear.scatter [tilespmem:s14], [sflag:$0x6], $0x80, $0x38;
	[tilespmem:$0x12A00] =	vst v63  }
0x25e: {  	s30 =	simm.s32 $0x11D40;
	s8 =	sadd.s32 s7, s9  }
0x25f: {  	[hbm4b:s8+s4] =	stream.linear.scatter [tilespmem:s30], [sflag:$0x6], $0x80, $0x38;
	[tilespmem:$0x12A00] =	vst v63  }
0x260: {  	s14 =	sadd.s32 $0x10, s8;
	s30 =	simm.s32 $0x11DC8  }
0x261: {  	[hbm4b:s14+s4] =	stream.linear.scatter [tilespmem:s30], [sflag:$0x6], $0x80, $0x38;
	[tilespmem:$0x12A00] =	vst v63  }
0x262: {  	s14 =	sadd.s32 $0x20, s8;
	s30 =	simm.s32 $0x11E50  }
0x263: {  	[hbm4b:s14+s4] =	stream.linear.scatter [tilespmem:s30], [sflag:$0x6], $0x80, $0x38;
	[tilespmem:$0x12A00] =	vst v63  }
0x264: {  	s14 =	sadd.s32 $0x30, s8;
	s30 =	simm.s32 $0x11ED8  }
0x265: {  	[hbm4b:s14+s4] =	stream.linear.scatter [tilespmem:s30], [sflag:$0x6], $0x80, $0x38;
	[tilespmem:$0x12A00] =	vst v63  }
0x266: {  	s14 =	sadd.s32 $0x40, s8;
	s30 =	simm.s32 $0x11F60  }
0x267: {  	[hbm4b:s14+s4] =	stream.linear.scatter [tilespmem:s30], [sflag:$0x6], $0x80, $0x38;
	[tilespmem:$0x12A00] =	vst v63  }
0x268: {  	s14 =	sadd.s32 $0x50, s8;
	s30 =	simm.s32 $0x11FE8  }
0x269: {  	[hbm4b:s14+s4] =	stream.linear.scatter [tilespmem:s30], [sflag:$0x6], $0x80, $0x38;
	[tilespmem:$0x12A00] =	vst v63  }
0x26a: {  	s14 =	sadd.s32 $0x60, s8;
	s30 =	simm.s32 $0x12070  }
0x26b: {  	[hbm4b:s14+s4] =	stream.linear.scatter [tilespmem:s30], [sflag:$0x6], $0x80, $0x38;
	[tilespmem:$0x12A00] =	vst v63  }
0x26c: {  	s8 =	sadd.s32 $0x70, s8;
	s14 =	simm.s32 $0x120F8  }
0x26d: {  	[hbm4b:s8+s4] =	stream.linear.scatter [tilespmem:s14], [sflag:$0x6], $0x80, $0x38;
	[tilespmem:$0x12A00] =	vst v63  }
0x26e: {  	s30 =	simm.s32 $0x12180;
	s8 =	sadd.s32 s7, s10  }
0x26f: {  	[hbm4b:s8+s4] =	stream.linear.scatter [tilespmem:s30], [sflag:$0x6], $0x80, $0x38;
	[tilespmem:$0x12A00] =	vst v63  }
0x270: {  	s14 =	sadd.s32 $0x10, s8;
	s30 =	simm.s32 $0x12208  }
0x271: {  	[hbm4b:s14+s4] =	stream.linear.scatter [tilespmem:s30], [sflag:$0x6], $0x80, $0x38;
	[tilespmem:$0x12A00] =	vst v63  }
0x272: {  	s30 =	sadd.s32 $0x20, s8  }
0x273: {  	[hbm4b:s30+s4] =	stream.linear.scatter [tilespmem:s31], [sflag:$0x6], $0x80, $0x38;
	[tilespmem:$0x12A00] =	vst v63  }
0x274: {  	s14 =	sadd.s32 $0x30, s8  }
0x275: {  	[hbm4b:s14+s4] =	stream.linear.scatter [tilespmem:s1], [sflag:$0x6], $0x80, $0x38;
	[tilespmem:$0x12A00] =	vst v63  }
0x276: {  	s30 =	sadd.s32 $0x40, s8  }
0x277: {  	[hbm4b:s30+s4] =	stream.linear.scatter [tilespmem:s6], [sflag:$0x6], $0x80, $0x38;
	[tilespmem:$0x12A00] =	vst v63  }
0x278: {  	s14 =	sadd.s32 $0x50, s8  }
0x279: {  	[hbm4b:s14+s4] =	stream.linear.scatter [tilespmem:s12], [sflag:$0x6], $0x80, $0x38;
	[tilespmem:$0x12A00] =	vst v63  }
0x27a: {  	s30 =	sadd.s32 $0x60, s8  }
0x27b: {  	[hbm4b:s30+s4] =	stream.linear.scatter [tilespmem:s15], [sflag:$0x6], $0x80, $0x38;
	[tilespmem:$0x12A00] =	vst v63  }
0x27c: {  	s8 =	sadd.s32 $0x70, s8  }
0x27d: {  	[hbm4b:s8+s4] =	stream.linear.scatter [tilespmem:s2], [sflag:$0x6], $0x80, $0x38;
	[tilespmem:$0x12A00] =	vst v63  }
0x27e: {  	s7 =	sadd.s32 s7, s11  }
0x27f: {  	[hbm4b:s7+s4] =	stream.linear.scatter [tilespmem:s5], [sflag:$0x6], $0x80, $0x38;
	[tilespmem:$0x12A00] =	vst v63  }
0x280: {  	s13 =	sadd.s32 $0x10, s7  }
0x281: {  	[hbm4b:s13+s4] =	stream.linear.scatter [tilespmem:s17], [sflag:$0x6], $0x80, $0x38;
	[tilespmem:$0x12A00] =	vst v63  }
0x282: {  	s14 =	sadd.s32 $0x20, s7  }
0x283: {  	[hbm4b:s14+s4] =	stream.linear.scatter [tilespmem:s18], [sflag:$0x6], $0x80, $0x38;
	[tilespmem:$0x12A00] =	vst v63  }
0x284: {  	s30 =	sadd.s32 $0x30, s7  }
0x285: {  	[hbm4b:s30+s4] =	stream.linear.scatter [tilespmem:s19], [sflag:$0x6], $0x80, $0x38;
	[tilespmem:$0x12A00] =	vst v63  }
0x286: {  	s13 =	sadd.s32 $0x40, s7  }
0x287: {  	[hbm4b:s13+s4] =	stream.linear.scatter [tilespmem:s20], [sflag:$0x6], $0x80, $0x38;
	[tilespmem:$0x12A00] =	vst v63  }
0x288: {  	s14 =	sadd.s32 $0x50, s7  }
0x289: {  	[hbm4b:s14+s4] =	stream.linear.scatter [tilespmem:s21], [sflag:$0x6], $0x80, $0x38;
	[tilespmem:$0x12A00] =	vst v63  }
.Ltmp19:
0x28a: {  	_ = 	snop;
	(pc) =	sbr.rel .LBB2_21-.Ltmp19, $4  }
0x28b: {  	s30 =	sadd.s32 $0x60, s7  }
0x28c: {  	[hbm4b:s30+s4] =	stream.linear.scatter [tilespmem:s22], [sflag:$0x6], $0x80, $0x38;
	[tilespmem:$0x12A00] =	vst v63  }
0x28d: {  	s7 =	sadd.s32 $0x70, s7  }
0x28e: {  	[hbm4b:s7+s4] =	stream.linear.scatter [tilespmem:s23], [sflag:$0x6], $0x80, $0x38;
	[tilespmem:$0x12A00] =	vst v63  }
.LBB2_25:
0x28f: {  	_ =	sfence.sel $0x180000  }
0x290: {  	[bflag:$0x0] =	sbarrier.arrive $0xFFFF  }
0x291: {  	_ =	strace $0x90000047  }
0x292: {  	s0 =	stileid.u32;
	[bflag:$0x2] =	sbarrier.arrive $0xFFFF  }
0x293: {  	p0 =	sne.s32 s0, $0x0;
	s0 =	rddreg [dreg:$0x3]  }
0x294: {  	s0 =	sadd.s32 @!p0 $0x100000, s0  }
0x295: {  	[sflag:s0] =	ssyncadd.tile.s32 @!p0 $0x1;
	_ =	shalt  }
.Lfunc_end2:
_tile_overlayer_lowered:
.L_overlay_start_2:
0x296: {  	(tag) =	ssettag $0x2  }
0x297: {  	s0 =	rddreg [dreg:$0x0];
	s2 =	stileid.u32  }
0x298: {  	s1 =	rddreg [dreg:$0x1];
	p0 =	sne.s32 s2, $0x0  }
0x299: {  	s3 =	rddreg [dreg:$0x2];
	[bflag:$0x3] =	sbarrier.arrive $0xFFFF;
	s2 =	simm.s32 @!p0 $0x1C07  }
0x29a: {  	[timem:s3], [sflag:s2] =	dma.local @!p0 [hbm:s0], s1  }
0x29b: {  	s0 =	simm.s32 @!p0 $0x7  }
0x29c: {  	_ =	swait.ge @!p0 [sflag:s0], s1  }
0x29d: {  	s1 =	ssub.s32 @!p0 $0x0, s1;
	[sflag:s0] =	ssyncset.done @!p0 $0x0  }
0x29e: {  	[sflag:s0] =	ssyncadd.s32 @!p0 s1  }
0x29f: {  	[bflag:$0x3] =	sbarrier.arrive $0xFFFF  }
0x2a0: {  	_ =	shalt  }

</sc_bundles>
